<compile_context>
chip_gen: v7x
topology: tpu7x:2x2x1
jax: 0.10.2.dev20260603
libtpu: 0.0.44.dev20260713+nightly
codegen_flags: <defaults>
</compile_context>

<pallas_src>
import functools

import jax
import jax.numpy as jnp
from jax import lax
from jax.experimental import pallas as pl
from jax.experimental.pallas import tpu as pltpu
from jax.experimental.pallas import tpu_sc as plsc

N_NODES = 10000
N_EDGES = 320000
NUM_SC = 2
NUM_TILES = 16
NUM_WORKERS = NUM_SC * NUM_TILES
EDGES_PER_WORKER = N_EDGES // NUM_WORKERS
CHUNK = 80
NUM_CHUNKS = EDGES_PER_WORKER // CHUNK
N_PAD = 10240
ROWS_PER_TILE = N_PAD // NUM_TILES
D = 128
LANES = 16


@functools.lru_cache(maxsize=None)
def _make_segsum():
  mesh = plsc.VectorSubcoreMesh(core_axis_name="c", subcore_axis_name="s")

  @functools.partial(
      pl.kernel,
      out_type=(jax.ShapeDtypeStruct((N_PAD, D), jnp.float32),
                jax.ShapeDtypeStruct((N_PAD, D), jnp.float32)),
      mesh=mesh,
      scratch_types=[
          pltpu.VMEM((EDGES_PER_WORKER,), jnp.int32),
          pltpu.VMEM((NUM_CHUNKS, CHUNK), jnp.int32),
          pltpu.VMEM((CHUNK, D), jnp.float32),
          pltpu.VMEM((CHUNK, D), jnp.float32),
          pltpu.VMEM_SHARED((N_PAD, D), jnp.float32),
          pltpu.SemaphoreType.DMA,
          pltpu.SemaphoreType.DMA,
      ],
  )
  def segsum(p_hbm, src_hbm, dst_hbm, out0, out1,
             src_v, dst_v, rows0, rows1, agg_sh, g0, g1):
    cid = lax.axis_index("c")
    sid = lax.axis_index("s")
    wid = sid * NUM_SC + cid
    rbase = sid * ROWS_PER_TILE

    src_slice = src_hbm.at[pl.ds(wid * EDGES_PER_WORKER, EDGES_PER_WORKER)]
    dst_slice = dst_hbm.at[wid]
    pltpu.async_copy(src_slice, src_v, g0)
    pltpu.async_copy(dst_slice, dst_v, g1)

    def zero_row(r, carry):
      for j in range(D // LANES):
        rows0[r, pl.ds(j * LANES, LANES)] = jnp.zeros((LANES,), jnp.float32)
      return carry

    lax.fori_loop(0, CHUNK, zero_row, 0)
    for k in range(ROWS_PER_TILE // CHUNK):
      pltpu.sync_copy(rows0, agg_sh.at[pl.ds(rbase + k * CHUNK, CHUNK)])

    pltpu.make_async_copy(src_slice, src_v, g0).wait()
    pltpu.make_async_copy(dst_slice, dst_v, g1).wait()

    def src_at(c):
      return src_v.at[pl.ds(pl.multiple_of(c * CHUNK, 8), CHUNK)]

    pltpu.async_copy(p_hbm.at[src_at(0)], rows0, g0)
    pltpu.async_copy(p_hbm.at[src_at(1)], rows1, g1)
    plsc.subcore_barrier()

    def body(i, carry):
      c0 = 2 * i
      c1 = c0 + 1
      pltpu.make_async_copy(p_hbm.at[src_at(c0)], rows0, g0).wait()
      pltpu.sync_copy(rows0, agg_sh.at[dst_v.at[c0]], add=True)
      pltpu.async_copy(p_hbm.at[src_at(c0 + 2)], rows0, g0)
      pltpu.make_async_copy(p_hbm.at[src_at(c1)], rows1, g1).wait()
      pltpu.sync_copy(rows1, agg_sh.at[dst_v.at[c1]], add=True)

      @pl.when(c1 + 2 < NUM_CHUNKS)
      def _():
        pltpu.async_copy(p_hbm.at[src_at(c1 + 2)], rows1, g1)

      return carry

    lax.fori_loop(0, (NUM_CHUNKS - 1) // 2, body, 0)
    last = NUM_CHUNKS - 1
    pltpu.make_async_copy(p_hbm.at[src_at(last)], rows0, g0).wait()
    pltpu.sync_copy(rows0, agg_sh.at[dst_v.at[last]], add=True)
    plsc.subcore_barrier()

    tile_rows = agg_sh.at[pl.ds(rbase, ROWS_PER_TILE)]

    @pl.when(cid == 0)
    def _():
      pltpu.sync_copy(tile_rows, out0.at[pl.ds(rbase, ROWS_PER_TILE)])

    @pl.when(cid == 1)
    def _():
      pltpu.sync_copy(tile_rows, out1.at[pl.ds(rbase, ROWS_PER_TILE)])

  return segsum


def _mm_pad(x_ref, w_ref, o_ref):
  o_ref[:N_NODES] = jnp.dot(x_ref[...], w_ref[...],
                            preferred_element_type=jnp.float32)
  o_ref[N_NODES:] = jnp.zeros((N_PAD - N_NODES, o_ref.shape[1]), jnp.float32)


def _mm_fused(p_ref, a0_ref, a1_ref, b_ref, w_ref, o_ref):
  h = p_ref[...] + a0_ref[...] + a1_ref[...] + b_ref[...]
  h = jnp.maximum(h, 0.0)
  o_ref[...] = jnp.dot(h, w_ref[...], preferred_element_type=jnp.float32)


def _relu_combine(p_ref, a0_ref, a1_ref, b_ref, o_ref):
  o_ref[...] = jnp.maximum(
      p_ref[...] + a0_ref[...] + a1_ref[...] + b_ref[...], 0.0)


def _mm_final(h_ref, a0_ref, a1_ref, b_ref, w_ref, o_ref):
  x = h_ref[:N_NODES] + a0_ref[:N_NODES] + a1_ref[:N_NODES]
  o_ref[...] = jnp.dot(x, w_ref[...],
                       preferred_element_type=jnp.float32) + b_ref[...]


_ROW_BLK = 10240


def _row_spec(d):
  return pl.BlockSpec((_ROW_BLK, d), lambda i: (i, 0))


def _full_spec(shape):
  return pl.BlockSpec(shape, lambda i: (0,) * len(shape))


def _matmul_pad(x, w):
  n, k = x.shape
  return pl.pallas_call(
      _mm_pad,
      grid=(1,),
      in_specs=[_full_spec(x.shape), _full_spec(w.shape)],
      out_specs=_full_spec((N_PAD, w.shape[1])),
      out_shape=jax.ShapeDtypeStruct((N_PAD, w.shape[1]), jnp.float32),
  )(x, w)


def _fused_matmul(p, a0, a1, b, w):
  n, k = p.shape
  return pl.pallas_call(
      _mm_fused,
      grid=(n // _ROW_BLK,),
      in_specs=[_row_spec(k), _row_spec(k), _row_spec(k),
                _full_spec((1, k)), _full_spec(w.shape)],
      out_specs=_row_spec(w.shape[1]),
      out_shape=jax.ShapeDtypeStruct((n, w.shape[1]), jnp.float32),
  )(p, a0, a1, b.reshape(1, k), w)


def _relu_combine_call(p, a0, a1, b):
  n, d = p.shape
  return pl.pallas_call(
      _relu_combine,
      grid=(n // _ROW_BLK,),
      in_specs=[_row_spec(d), _row_spec(d), _row_spec(d), _full_spec((1, d))],
      out_specs=_row_spec(d),
      out_shape=jax.ShapeDtypeStruct((n, d), jnp.float32),
  )(p, a0, a1, b.reshape(1, d))


def _final_matmul(h, a0, a1, b, w):
  n, k = h.shape
  d_out = w.shape[1]
  return pl.pallas_call(
      _mm_final,
      grid=(1,),
      in_specs=[_full_spec((n, k)), _full_spec((n, k)), _full_spec((n, k)),
                _full_spec((1, d_out)), _full_spec(w.shape)],
      out_specs=_full_spec((N_NODES, d_out)),
      out_shape=jax.ShapeDtypeStruct((N_NODES, d_out), jnp.float32),
  )(h, a0, a1, b.reshape(1, d_out), w)


def kernel(feat, edge_index, W0, b0, W1, b1, W2, b2):
  src = edge_index[0].astype(jnp.int32)
  dst = edge_index[1].astype(jnp.int32).reshape(NUM_WORKERS, NUM_CHUNKS, CHUNK)

  segsum = _make_segsum()

  p0 = _matmul_pad(feat, W0)
  a00, a01 = segsum(p0, src, dst)
  p1 = _fused_matmul(p0, a00, a01, b0, W1)
  a10, a11 = segsum(p1, src, dst)
  h1 = _relu_combine_call(p1, a10, a11, b1)
  a20, a21 = segsum(h1, src, dst)
  return _final_matmul(h1, a20, a21, b2, W2)

# --- scband reference (transcript-rebuilt; emitter-appended) ---
"""Pipeline reference for scband-gin-87729001988240 (READ-ONLY COPY).

The authoritative reference and input builder live on the scoring server;
editing this copy changes nothing except your own understanding.
"""

import jax, jax.numpy as jnp
import numpy as np

N_NODES = 10000
N_EDGES = 320000
IN_FEATS = 128
LAYER_SIZES = [128, 128]
N_CLASSES = 64


def setup_inputs(seed: int = 0) -> dict:
    key = jax.random.key(seed)
    k_feat, k_ei, k0, k1, k2, kb0, kb1, kb2 = jax.random.split(key, 8)
    feat = jax.random.normal(k_feat, (N_NODES, IN_FEATS), dtype=jnp.float32)
    edge_index = jax.random.randint(k_ei, (2, N_EDGES), 0, N_NODES, dtype=jnp.int64)
    # GINConv apply_func linears: in->128, 128->128, 128->64
    W0 = jax.random.normal(k0, (IN_FEATS, LAYER_SIZES[0]), dtype=jnp.float32) / np.sqrt(IN_FEATS)
    b0 = jax.random.normal(kb0, (LAYER_SIZES[0],), dtype=jnp.float32) * 0.01
    W1 = jax.random.normal(k1, (LAYER_SIZES[0], LAYER_SIZES[1]), dtype=jnp.float32) / np.sqrt(LAYER_SIZES[0])
    b1 = jax.random.normal(kb1, (LAYER_SIZES[1],), dtype=jnp.float32) * 0.01
    W2 = jax.random.normal(k2, (LAYER_SIZES[1], N_CLASSES), dtype=jnp.float32) / np.sqrt(LAYER_SIZES[1])
    b2 = jax.random.normal(kb2, (N_CLASSES,), dtype=jnp.float32) * 0.01
    return {"feat": feat, "edge_index": edge_index, "W0": W0, "b0": b0, "W1": W1, "b1": b1, "W2": W2, "b2": b2}


def _gin_conv(feat, src, dst, W, b):
    # DGL GINConv with aggregator_type='sum', eps=0 (not learned):
    # rst = (1 + eps) * feat + sum_{j in N(i)} feat_j ; then apply_func (Linear)
    msg = jnp.take(feat, src, axis=0)
    agg = jax.ops.segment_sum(msg, dst, num_segments=feat.shape[0])
    rst = feat + agg
    return rst @ W + b


def reference(feat, edge_index, W0, b0, W1, b1, W2, b2):
    src = edge_index[0]
    dst = edge_index[1]
    h = _gin_conv(feat, src, dst, W0, b0)
    h = jax.nn.relu(h)
    # dropout is identity in eval mode
    h = _gin_conv(h, src, dst, W1, b1)
    h = jax.nn.relu(h)
    h = _gin_conv(h, src, dst, W2, b2)
    return h

if __name__ == "__main__":
    import jax
    _d = setup_inputs()
    print(jax.jit(kernel)(*tuple(_d.values())))

</pallas_src>

<mosaic_0001>
#map = affine_map<(d0, d1) -> (0, 0)>
#map1 = affine_map<(d0, d1) -> (0)>
#map2 = affine_map<(d0, d1) -> (0, 0, 0)>
module attributes {stable_mosaic.version = 14 : i64} {
  func.func @segsum(%arg0: i32, %arg1: i32, %arg2: memref<10240x128xf32, #tpu.memory_space<hbm>>, %arg3: memref<320000xi32, #tpu.memory_space<hbm>>, %arg4: memref<32x125x80xi32, #tpu.memory_space<hbm>>, %arg5: memref<10240x128xf32, #tpu.memory_space<hbm>>, %arg6: memref<10240x128xf32, #tpu.memory_space<hbm>>, %arg7: memref<10000xi32, #tpu.memory_space<vmem>>, %arg8: memref<125x80xi32, #tpu.memory_space<vmem>>, %arg9: memref<80x128xf32, #tpu.memory_space<vmem>>, %arg10: memref<80x128xf32, #tpu.memory_space<vmem>>, %arg11: memref<10240x128xf32, #tpu.memory_space<vmem_shared>>, %arg12: memref<!tpu.dma_semaphore, #tpu.memory_space<semaphore_mem>>, %arg13: memref<!tpu.dma_semaphore, #tpu.memory_space<semaphore_mem>>) attributes {dimension_semantics = [#tpu.dimension_semantics<core_parallel>, #tpu.dimension_semantics<subcore_parallel>], iteration_bounds = array<i64: 2, 16>, scalar_prefetch = 0 : i64, scratch_operands = 7 : i64, tpu.core_type = #tpu.core_type<sc_vector_subcore>, window_params = [{transform_indices = #map}, {transform_indices = #map1}, {transform_indices = #map2}, {transform_indices = #map}, {transform_indices = #map}]} {
    %mul3A = arith.constant 2 : i32
    %mul3A_0 = arith.muli %arg1, %mul3A : i32
    %add3A = arith.addi %mul3A_0, %arg0 : i32
    %mul3A_1 = arith.constant 640 : i32
    %mul3A_2 = arith.muli %arg1, %mul3A_1 : i32
    %mul3A_3 = arith.constant 10000 : i32
    %mul3A_4 = arith.muli %add3A, %mul3A_3 : i32
    %dma_start3A = tpu.memref_slice %arg3[%mul3A_4] : memref<320000xi32, #tpu.memory_space<hbm>> -> memref<10000xi32, #tpu.memory_space<hbm>>
    %dma_start3A_5 = tpu.memref_slice %arg3[%mul3A_4] : memref<320000xi32, #tpu.memory_space<hbm>> -> memref<10000xi32, #tpu.memory_space<hbm>>
    tpu.enqueue_dma source(%dma_start3A_5 : memref<10000xi32, #tpu.memory_space<hbm>>) target(%arg7 : memref<10000xi32, #tpu.memory_space<vmem>>) target_semaphore(%arg12 : memref<!tpu.dma_semaphore, #tpu.memory_space<semaphore_mem>>)
    %dma_start3A_6 = arith.constant 0 : i32
    %dma_start3A_7 = arith.constant 0 : i32
    %dma_start3A_8 = tpu.memref_slice %arg4[%add3A, %dma_start3A_6, %dma_start3A_7] : memref<32x125x80xi32, #tpu.memory_space<hbm>> -> memref<1x125x80xi32, #tpu.memory_space<hbm>>
    %dma_start3A_9 = tpu.memref_squeeze %dma_start3A_8 : memref<1x125x80xi32, #tpu.memory_space<hbm>> -> memref<125x80xi32, #tpu.memory_space<hbm>>
    %dma_start3A_10 = arith.constant 0 : i32
    %dma_start3A_11 = arith.constant 0 : i32
    %dma_start3A_12 = tpu.memref_slice %arg4[%add3A, %dma_start3A_10, %dma_start3A_11] : memref<32x125x80xi32, #tpu.memory_space<hbm>> -> memref<1x125x80xi32, #tpu.memory_space<hbm>>
    %dma_start3A_13 = tpu.memref_squeeze %dma_start3A_12 : memref<1x125x80xi32, #tpu.memory_space<hbm>> -> memref<125x80xi32, #tpu.memory_space<hbm>>
    tpu.enqueue_dma source(%dma_start3A_13 : memref<125x80xi32, #tpu.memory_space<hbm>>) target(%arg8 : memref<125x80xi32, #tpu.memory_space<vmem>>) target_semaphore(%arg13 : memref<!tpu.dma_semaphore, #tpu.memory_space<semaphore_mem>>)
    %scan3A = arith.constant 0 : i32
    %scan3A_14 = arith.constant 0 : i32
    %scan3A_15 = arith.constant 80 : i32
    %scan3A_16 = arith.addi %scan3A_14, %scan3A_15 : i32
    %scan3A_17 = arith.constant 1 : i32
    scf.for %scan3A_75 = %scan3A_14 to %scan3A_16 step %scan3A_17  : i32 {
      %broadcast_in_dim3A = arith.constant 0.000000e+00 : f32
      %broadcast_in_dim3A_76 = vector.broadcast %broadcast_in_dim3A : f32 to vector<16xf32>
      %swap3A = arith.index_cast %scan3A_75 : i32 to index
      %swap3A_77 = arith.constant 0 : index
      %swap3A_78 = tpu.vector_load %arg9[%swap3A, %swap3A_77] {strides = array<i32>} : memref<80x128xf32, #tpu.memory_space<vmem>>, vector<1x16xf32>,
      %swap3A_79 = vector.shape_cast %swap3A_78 : vector<1x16xf32> to vector<16xf32>
      %swap3A_80 = vector.shape_cast %broadcast_in_dim3A_76 : vector<16xf32> to vector<1x16xf32>
      tpu.vector_store %arg9[%swap3A, %swap3A_77], %swap3A_80 {strides = array<i32>} : memref<80x128xf32, #tpu.memory_space<vmem>>, vector<1x16xf32>,
      %broadcast_in_dim3A_81 = arith.constant 0.000000e+00 : f32
      %broadcast_in_dim3A_82 = vector.broadcast %broadcast_in_dim3A_81 : f32 to vector<16xf32>
      %swap3A_83 = arith.index_cast %scan3A_75 : i32 to index
      %swap3A_84 = arith.constant 16 : index
      %swap3A_85 = tpu.vector_load %arg9[%swap3A_83, %swap3A_84] {strides = array<i32>} : memref<80x128xf32, #tpu.memory_space<vmem>>, vector<1x16xf32>,
      %swap3A_86 = vector.shape_cast %swap3A_85 : vector<1x16xf32> to vector<16xf32>
      %swap3A_87 = vector.shape_cast %broadcast_in_dim3A_82 : vector<16xf32> to vector<1x16xf32>
      tpu.vector_store %arg9[%swap3A_83, %swap3A_84], %swap3A_87 {strides = array<i32>} : memref<80x128xf32, #tpu.memory_space<vmem>>, vector<1x16xf32>,
      %broadcast_in_dim3A_88 = arith.constant 0.000000e+00 : f32
      %broadcast_in_dim3A_89 = vector.broadcast %broadcast_in_dim3A_88 : f32 to vector<16xf32>
      %swap3A_90 = arith.index_cast %scan3A_75 : i32 to index
      %swap3A_91 = arith.constant 32 : index
      %swap3A_92 = tpu.vector_load %arg9[%swap3A_90, %swap3A_91] {strides = array<i32>} : memref<80x128xf32, #tpu.memory_space<vmem>>, vector<1x16xf32>,
      %swap3A_93 = vector.shape_cast %swap3A_92 : vector<1x16xf32> to vector<16xf32>
      %swap3A_94 = vector.shape_cast %broadcast_in_dim3A_89 : vector<16xf32> to vector<1x16xf32>
      tpu.vector_store %arg9[%swap3A_90, %swap3A_91], %swap3A_94 {strides = array<i32>} : memref<80x128xf32, #tpu.memory_space<vmem>>, vector<1x16xf32>,
      %broadcast_in_dim3A_95 = arith.constant 0.000000e+00 : f32
      %broadcast_in_dim3A_96 = vector.broadcast %broadcast_in_dim3A_95 : f32 to vector<16xf32>
      %swap3A_97 = arith.index_cast %scan3A_75 : i32 to index
      %swap3A_98 = arith.constant 48 : index
      %swap3A_99 = tpu.vector_load %arg9[%swap3A_97, %swap3A_98] {strides = array<i32>} : memref<80x128xf32, #tpu.memory_space<vmem>>, vector<1x16xf32>,
      %swap3A_100 = vector.shape_cast %swap3A_99 : vector<1x16xf32> to vector<16xf32>
      %swap3A_101 = vector.shape_cast %broadcast_in_dim3A_96 : vector<16xf32> to vector<1x16xf32>
      tpu.vector_store %arg9[%swap3A_97, %swap3A_98], %swap3A_101 {strides = array<i32>} : memref<80x128xf32, #tpu.memory_space<vmem>>, vector<1x16xf32>,
      %broadcast_in_dim3A_102 = arith.constant 0.000000e+00 : f32
      %broadcast_in_dim3A_103 = vector.broadcast %broadcast_in_dim3A_102 : f32 to vector<16xf32>
      %swap3A_104 = arith.index_cast %scan3A_75 : i32 to index
      %swap3A_105 = arith.constant 64 : index
      %swap3A_106 = tpu.vector_load %arg9[%swap3A_104, %swap3A_105] {strides = array<i32>} : memref<80x128xf32, #tpu.memory_space<vmem>>, vector<1x16xf32>,
      %swap3A_107 = vector.shape_cast %swap3A_106 : vector<1x16xf32> to vector<16xf32>
      %swap3A_108 = vector.shape_cast %broadcast_in_dim3A_103 : vector<16xf32> to vector<1x16xf32>
      tpu.vector_store %arg9[%swap3A_104, %swap3A_105], %swap3A_108 {strides = array<i32>} : memref<80x128xf32, #tpu.memory_space<vmem>>, vector<1x16xf32>,
      %broadcast_in_dim3A_109 = arith.constant 0.000000e+00 : f32
      %broadcast_in_dim3A_110 = vector.broadcast %broadcast_in_dim3A_109 : f32 to vector<16xf32>
      %swap3A_111 = arith.index_cast %scan3A_75 : i32 to index
      %swap3A_112 = arith.constant 80 : index
      %swap3A_113 = tpu.vector_load %arg9[%swap3A_111, %swap3A_112] {strides = array<i32>} : memref<80x128xf32, #tpu.memory_space<vmem>>, vector<1x16xf32>,
      %swap3A_114 = vector.shape_cast %swap3A_113 : vector<1x16xf32> to vector<16xf32>
      %swap3A_115 = vector.shape_cast %broadcast_in_dim3A_110 : vector<16xf32> to vector<1x16xf32>
      tpu.vector_store %arg9[%swap3A_111, %swap3A_112], %swap3A_115 {strides = array<i32>} : memref<80x128xf32, #tpu.memory_space<vmem>>, vector<1x16xf32>,
      %broadcast_in_dim3A_116 = arith.constant 0.000000e+00 : f32
      %broadcast_in_dim3A_117 = vector.broadcast %broadcast_in_dim3A_116 : f32 to vector<16xf32>
      %swap3A_118 = arith.index_cast %scan3A_75 : i32 to index
      %swap3A_119 = arith.constant 96 : index
      %swap3A_120 = tpu.vector_load %arg9[%swap3A_118, %swap3A_119] {strides = array<i32>} : memref<80x128xf32, #tpu.memory_space<vmem>>, vector<1x16xf32>,
      %swap3A_121 = vector.shape_cast %swap3A_120 : vector<1x16xf32> to vector<16xf32>
      %swap3A_122 = vector.shape_cast %broadcast_in_dim3A_117 : vector<16xf32> to vector<1x16xf32>
      tpu.vector_store %arg9[%swap3A_118, %swap3A_119], %swap3A_122 {strides = array<i32>} : memref<80x128xf32, #tpu.memory_space<vmem>>, vector<1x16xf32>,
      %broadcast_in_dim3A_123 = arith.constant 0.000000e+00 : f32
      %broadcast_in_dim3A_124 = vector.broadcast %broadcast_in_dim3A_123 : f32 to vector<16xf32>
      %swap3A_125 = arith.index_cast %scan3A_75 : i32 to index
      %swap3A_126 = arith.constant 112 : index
      %swap3A_127 = tpu.vector_load %arg9[%swap3A_125, %swap3A_126] {strides = array<i32>} : memref<80x128xf32, #tpu.memory_space<vmem>>, vector<1x16xf32>,
      %swap3A_128 = vector.shape_cast %swap3A_127 : vector<1x16xf32> to vector<16xf32>
      %swap3A_129 = vector.shape_cast %broadcast_in_dim3A_124 : vector<16xf32> to vector<1x16xf32>
      tpu.vector_store %arg9[%swap3A_125, %swap3A_126], %swap3A_129 {strides = array<i32>} : memref<80x128xf32, #tpu.memory_space<vmem>>, vector<1x16xf32>,
    }
    %scan3A_18 = arith.constant 80 : i32
    %add3A_19 = arith.constant 0 : i32
    %add3A_20 = arith.addi %mul3A_2, %add3A_19 : i32
    "tpu.region"() ({
      %run_scoped3A_75 = tpu.sem_alloc : memref<!tpu.dma_semaphore, #tpu.memory_space<semaphore_mem>>
      %dma_start3A_76 = arith.constant 0 : i32
      %dma_start3A_77 = tpu.memref_slice %arg11[%add3A_20, %dma_start3A_76] : memref<10240x128xf32, #tpu.memory_space<vmem_shared>> -> memref<80x128xf32, #tpu.memory_space<vmem_shared>>
      %dma_start3A_78 = arith.constant 0 : i32
      %dma_start3A_79 = tpu.memref_slice %arg11[%add3A_20, %dma_start3A_78] : memref<10240x128xf32, #tpu.memory_space<vmem_shared>> -> memref<80x128xf32, #tpu.memory_space<vmem_shared>>
      tpu.enqueue_dma source(%arg9 : memref<80x128xf32, #tpu.memory_space<vmem>>) target(%dma_start3A_79 : memref<80x128xf32, #tpu.memory_space<vmem_shared>>) target_semaphore(%run_scoped3A_75 : memref<!tpu.dma_semaphore, #tpu.memory_space<semaphore_mem>>)
      %dma_wait3A_80 = arith.constant 0 : i32
      %dma_wait3A_81 = tpu.memref_slice %arg11[%add3A_20, %dma_wait3A_80] : memref<10240x128xf32, #tpu.memory_space<vmem_shared>> -> memref<80x128xf32, #tpu.memory_space<vmem_shared>>
      %dma_wait3A_82 = arith.constant 0 : i32
      %dma_wait3A_83 = tpu.memref_slice %arg11[%add3A_20, %dma_wait3A_82] : memref<10240x128xf32, #tpu.memory_space<vmem_shared>> -> memref<80x128xf32, #tpu.memory_space<vmem_shared>>
      tpu.wait_dma2 semaphore(%run_scoped3A_75 : memref<!tpu.dma_semaphore, #tpu.memory_space<semaphore_mem>>) src(%arg9 : memref<80x128xf32, #tpu.memory_space<vmem>>) dst(%dma_wait3A_83 : memref<80x128xf32, #tpu.memory_space<vmem_shared>>)
      tpu.yield
    }) : () -> ()
    %add3A_21 = arith.constant 80 : i32
    %add3A_22 = arith.addi %mul3A_2, %add3A_21 : i32
    "tpu.region"() ({
      %run_scoped3A_75 = tpu.sem_alloc : memref<!tpu.dma_semaphore, #tpu.memory_space<semaphore_mem>>
      %dma_start3A_76 = arith.constant 0 : i32
      %dma_start3A_77 = tpu.memref_slice %arg11[%add3A_22, %dma_start3A_76] : memref<10240x128xf32, #tpu.memory_space<vmem_shared>> -> memref<80x128xf32, #tpu.memory_space<vmem_shared>>
      %dma_start3A_78 = arith.constant 0 : i32
      %dma_start3A_79 = tpu.memref_slice %arg11[%add3A_22, %dma_start3A_78] : memref<10240x128xf32, #tpu.memory_space<vmem_shared>> -> memref<80x128xf32, #tpu.memory_space<vmem_shared>>
      tpu.enqueue_dma source(%arg9 : memref<80x128xf32, #tpu.memory_space<vmem>>) target(%dma_start3A_79 : memref<80x128xf32, #tpu.memory_space<vmem_shared>>) target_semaphore(%run_scoped3A_75 : memref<!tpu.dma_semaphore, #tpu.memory_space<semaphore_mem>>)
      %dma_wait3A_80 = arith.constant 0 : i32
      %dma_wait3A_81 = tpu.memref_slice %arg11[%add3A_22, %dma_wait3A_80] : memref<10240x128xf32, #tpu.memory_space<vmem_shared>> -> memref<80x128xf32, #tpu.memory_space<vmem_shared>>
      %dma_wait3A_82 = arith.constant 0 : i32
      %dma_wait3A_83 = tpu.memref_slice %arg11[%add3A_22, %dma_wait3A_82] : memref<10240x128xf32, #tpu.memory_space<vmem_shared>> -> memref<80x128xf32, #tpu.memory_space<vmem_shared>>
      tpu.wait_dma2 semaphore(%run_scoped3A_75 : memref<!tpu.dma_semaphore, #tpu.memory_space<semaphore_mem>>) src(%arg9 : memref<80x128xf32, #tpu.memory_space<vmem>>) dst(%dma_wait3A_83 : memref<80x128xf32, #tpu.memory_space<vmem_shared>>)
      tpu.yield
    }) : () -> ()
    %add3A_23 = arith.constant 160 : i32
    %add3A_24 = arith.addi %mul3A_2, %add3A_23 : i32
    "tpu.region"() ({
      %run_scoped3A_75 = tpu.sem_alloc : memref<!tpu.dma_semaphore, #tpu.memory_space<semaphore_mem>>
      %dma_start3A_76 = arith.constant 0 : i32
      %dma_start3A_77 = tpu.memref_slice %arg11[%add3A_24, %dma_start3A_76] : memref<10240x128xf32, #tpu.memory_space<vmem_shared>> -> memref<80x128xf32, #tpu.memory_space<vmem_shared>>
      %dma_start3A_78 = arith.constant 0 : i32
      %dma_start3A_79 = tpu.memref_slice %arg11[%add3A_24, %dma_start3A_78] : memref<10240x128xf32, #tpu.memory_space<vmem_shared>> -> memref<80x128xf32, #tpu.memory_space<vmem_shared>>
      tpu.enqueue_dma source(%arg9 : memref<80x128xf32, #tpu.memory_space<vmem>>) target(%dma_start3A_79 : memref<80x128xf32, #tpu.memory_space<vmem_shared>>) target_semaphore(%run_scoped3A_75 : memref<!tpu.dma_semaphore, #tpu.memory_space<semaphore_mem>>)
      %dma_wait3A_80 = arith.constant 0 : i32
      %dma_wait3A_81 = tpu.memref_slice %arg11[%add3A_24, %dma_wait3A_80] : memref<10240x128xf32, #tpu.memory_space<vmem_shared>> -> memref<80x128xf32, #tpu.memory_space<vmem_shared>>
      %dma_wait3A_82 = arith.constant 0 : i32
      %dma_wait3A_83 = tpu.memref_slice %arg11[%add3A_24, %dma_wait3A_82] : memref<10240x128xf32, #tpu.memory_space<vmem_shared>> -> memref<80x128xf32, #tpu.memory_space<vmem_shared>>
      tpu.wait_dma2 semaphore(%run_scoped3A_75 : memref<!tpu.dma_semaphore, #tpu.memory_space<semaphore_mem>>) src(%arg9 : memref<80x128xf32, #tpu.memory_space<vmem>>) dst(%dma_wait3A_83 : memref<80x128xf32, #tpu.memory_space<vmem_shared>>)
      tpu.yield
    }) : () -> ()
    %add3A_25 = arith.constant 240 : i32
    %add3A_26 = arith.addi %mul3A_2, %add3A_25 : i32
    "tpu.region"() ({
      %run_scoped3A_75 = tpu.sem_alloc : memref<!tpu.dma_semaphore, #tpu.memory_space<semaphore_mem>>
      %dma_start3A_76 = arith.constant 0 : i32
      %dma_start3A_77 = tpu.memref_slice %arg11[%add3A_26, %dma_start3A_76] : memref<10240x128xf32, #tpu.memory_space<vmem_shared>> -> memref<80x128xf32, #tpu.memory_space<vmem_shared>>
      %dma_start3A_78 = arith.constant 0 : i32
      %dma_start3A_79 = tpu.memref_slice %arg11[%add3A_26, %dma_start3A_78] : memref<10240x128xf32, #tpu.memory_space<vmem_shared>> -> memref<80x128xf32, #tpu.memory_space<vmem_shared>>
      tpu.enqueue_dma source(%arg9 : memref<80x128xf32, #tpu.memory_space<vmem>>) target(%dma_start3A_79 : memref<80x128xf32, #tpu.memory_space<vmem_shared>>) target_semaphore(%run_scoped3A_75 : memref<!tpu.dma_semaphore, #tpu.memory_space<semaphore_mem>>)
      %dma_wait3A_80 = arith.constant 0 : i32
      %dma_wait3A_81 = tpu.memref_slice %arg11[%add3A_26, %dma_wait3A_80] : memref<10240x128xf32, #tpu.memory_space<vmem_shared>> -> memref<80x128xf32, #tpu.memory_space<vmem_shared>>
      %dma_wait3A_82 = arith.constant 0 : i32
      %dma_wait3A_83 = tpu.memref_slice %arg11[%add3A_26, %dma_wait3A_82] : memref<10240x128xf32, #tpu.memory_space<vmem_shared>> -> memref<80x128xf32, #tpu.memory_space<vmem_shared>>
      tpu.wait_dma2 semaphore(%run_scoped3A_75 : memref<!tpu.dma_semaphore, #tpu.memory_space<semaphore_mem>>) src(%arg9 : memref<80x128xf32, #tpu.memory_space<vmem>>) dst(%dma_wait3A_83 : memref<80x128xf32, #tpu.memory_space<vmem_shared>>)
      tpu.yield
    }) : () -> ()
    %add3A_27 = arith.constant 320 : i32
    %add3A_28 = arith.addi %mul3A_2, %add3A_27 : i32
    "tpu.region"() ({
      %run_scoped3A_75 = tpu.sem_alloc : memref<!tpu.dma_semaphore, #tpu.memory_space<semaphore_mem>>
      %dma_start3A_76 = arith.constant 0 : i32
      %dma_start3A_77 = tpu.memref_slice %arg11[%add3A_28, %dma_start3A_76] : memref<10240x128xf32, #tpu.memory_space<vmem_shared>> -> memref<80x128xf32, #tpu.memory_space<vmem_shared>>
      %dma_start3A_78 = arith.constant 0 : i32
      %dma_start3A_79 = tpu.memref_slice %arg11[%add3A_28, %dma_start3A_78] : memref<10240x128xf32, #tpu.memory_space<vmem_shared>> -> memref<80x128xf32, #tpu.memory_space<vmem_shared>>
      tpu.enqueue_dma source(%arg9 : memref<80x128xf32, #tpu.memory_space<vmem>>) target(%dma_start3A_79 : memref<80x128xf32, #tpu.memory_space<vmem_shared>>) target_semaphore(%run_scoped3A_75 : memref<!tpu.dma_semaphore, #tpu.memory_space<semaphore_mem>>)
      %dma_wait3A_80 = arith.constant 0 : i32
      %dma_wait3A_81 = tpu.memref_slice %arg11[%add3A_28, %dma_wait3A_80] : memref<10240x128xf32, #tpu.memory_space<vmem_shared>> -> memref<80x128xf32, #tpu.memory_space<vmem_shared>>
      %dma_wait3A_82 = arith.constant 0 : i32
      %dma_wait3A_83 = tpu.memref_slice %arg11[%add3A_28, %dma_wait3A_82] : memref<10240x128xf32, #tpu.memory_space<vmem_shared>> -> memref<80x128xf32, #tpu.memory_space<vmem_shared>>
      tpu.wait_dma2 semaphore(%run_scoped3A_75 : memref<!tpu.dma_semaphore, #tpu.memory_space<semaphore_mem>>) src(%arg9 : memref<80x128xf32, #tpu.memory_space<vmem>>) dst(%dma_wait3A_83 : memref<80x128xf32, #tpu.memory_space<vmem_shared>>)
      tpu.yield
    }) : () -> ()
    %add3A_29 = arith.constant 400 : i32
    %add3A_30 = arith.addi %mul3A_2, %add3A_29 : i32
    "tpu.region"() ({
      %run_scoped3A_75 = tpu.sem_alloc : memref<!tpu.dma_semaphore, #tpu.memory_space<semaphore_mem>>
      %dma_start3A_76 = arith.constant 0 : i32
      %dma_start3A_77 = tpu.memref_slice %arg11[%add3A_30, %dma_start3A_76] : memref<10240x128xf32, #tpu.memory_space<vmem_shared>> -> memref<80x128xf32, #tpu.memory_space<vmem_shared>>
      %dma_start3A_78 = arith.constant 0 : i32
      %dma_start3A_79 = tpu.memref_slice %arg11[%add3A_30, %dma_start3A_78] : memref<10240x128xf32, #tpu.memory_space<vmem_shared>> -> memref<80x128xf32, #tpu.memory_space<vmem_shared>>
      tpu.enqueue_dma source(%arg9 : memref<80x128xf32, #tpu.memory_space<vmem>>) target(%dma_start3A_79 : memref<80x128xf32, #tpu.memory_space<vmem_shared>>) target_semaphore(%run_scoped3A_75 : memref<!tpu.dma_semaphore, #tpu.memory_space<semaphore_mem>>)
      %dma_wait3A_80 = arith.constant 0 : i32
      %dma_wait3A_81 = tpu.memref_slice %arg11[%add3A_30, %dma_wait3A_80] : memref<10240x128xf32, #tpu.memory_space<vmem_shared>> -> memref<80x128xf32, #tpu.memory_space<vmem_shared>>
      %dma_wait3A_82 = arith.constant 0 : i32
      %dma_wait3A_83 = tpu.memref_slice %arg11[%add3A_30, %dma_wait3A_82] : memref<10240x128xf32, #tpu.memory_space<vmem_shared>> -> memref<80x128xf32, #tpu.memory_space<vmem_shared>>
      tpu.wait_dma2 semaphore(%run_scoped3A_75 : memref<!tpu.dma_semaphore, #tpu.memory_space<semaphore_mem>>) src(%arg9 : memref<80x128xf32, #tpu.memory_space<vmem>>) dst(%dma_wait3A_83 : memref<80x128xf32, #tpu.memory_space<vmem_shared>>)
      tpu.yield
    }) : () -> ()
    %add3A_31 = arith.constant 480 : i32
    %add3A_32 = arith.addi %mul3A_2, %add3A_31 : i32
    "tpu.region"() ({
      %run_scoped3A_75 = tpu.sem_alloc : memref<!tpu.dma_semaphore, #tpu.memory_space<semaphore_mem>>
      %dma_start3A_76 = arith.constant 0 : i32
      %dma_start3A_77 = tpu.memref_slice %arg11[%add3A_32, %dma_start3A_76] : memref<10240x128xf32, #tpu.memory_space<vmem_shared>> -> memref<80x128xf32, #tpu.memory_space<vmem_shared>>
      %dma_start3A_78 = arith.constant 0 : i32
      %dma_start3A_79 = tpu.memref_slice %arg11[%add3A_32, %dma_start3A_78] : memref<10240x128xf32, #tpu.memory_space<vmem_shared>> -> memref<80x128xf32, #tpu.memory_space<vmem_shared>>
      tpu.enqueue_dma source(%arg9 : memref<80x128xf32, #tpu.memory_space<vmem>>) target(%dma_start3A_79 : memref<80x128xf32, #tpu.memory_space<vmem_shared>>) target_semaphore(%run_scoped3A_75 : memref<!tpu.dma_semaphore, #tpu.memory_space<semaphore_mem>>)
      %dma_wait3A_80 = arith.constant 0 : i32
      %dma_wait3A_81 = tpu.memref_slice %arg11[%add3A_32, %dma_wait3A_80] : memref<10240x128xf32, #tpu.memory_space<vmem_shared>> -> memref<80x128xf32, #tpu.memory_space<vmem_shared>>
      %dma_wait3A_82 = arith.constant 0 : i32
      %dma_wait3A_83 = tpu.memref_slice %arg11[%add3A_32, %dma_wait3A_82] : memref<10240x128xf32, #tpu.memory_space<vmem_shared>> -> memref<80x128xf32, #tpu.memory_space<vmem_shared>>
      tpu.wait_dma2 semaphore(%run_scoped3A_75 : memref<!tpu.dma_semaphore, #tpu.memory_space<semaphore_mem>>) src(%arg9 : memref<80x128xf32, #tpu.memory_space<vmem>>) dst(%dma_wait3A_83 : memref<80x128xf32, #tpu.memory_space<vmem_shared>>)
      tpu.yield
    }) : () -> ()
    %add3A_33 = arith.constant 560 : i32
    %add3A_34 = arith.addi %mul3A_2, %add3A_33 : i32
    "tpu.region"() ({
      %run_scoped3A_75 = tpu.sem_alloc : memref<!tpu.dma_semaphore, #tpu.memory_space<semaphore_mem>>
      %dma_start3A_76 = arith.constant 0 : i32
      %dma_start3A_77 = tpu.memref_slice %arg11[%add3A_34, %dma_start3A_76] : memref<10240x128xf32, #tpu.memory_space<vmem_shared>> -> memref<80x128xf32, #tpu.memory_space<vmem_shared>>
      %dma_start3A_78 = arith.constant 0 : i32
      %dma_start3A_79 = tpu.memref_slice %arg11[%add3A_34, %dma_start3A_78] : memref<10240x128xf32, #tpu.memory_space<vmem_shared>> -> memref<80x128xf32, #tpu.memory_space<vmem_shared>>
      tpu.enqueue_dma source(%arg9 : memref<80x128xf32, #tpu.memory_space<vmem>>) target(%dma_start3A_79 : memref<80x128xf32, #tpu.memory_space<vmem_shared>>) target_semaphore(%run_scoped3A_75 : memref<!tpu.dma_semaphore, #tpu.memory_space<semaphore_mem>>)
      %dma_wait3A_80 = arith.constant 0 : i32
      %dma_wait3A_81 = tpu.memref_slice %arg11[%add3A_34, %dma_wait3A_80] : memref<10240x128xf32, #tpu.memory_space<vmem_shared>> -> memref<80x128xf32, #tpu.memory_space<vmem_shared>>
      %dma_wait3A_82 = arith.constant 0 : i32
      %dma_wait3A_83 = tpu.memref_slice %arg11[%add3A_34, %dma_wait3A_82] : memref<10240x128xf32, #tpu.memory_space<vmem_shared>> -> memref<80x128xf32, #tpu.memory_space<vmem_shared>>
      tpu.wait_dma2 semaphore(%run_scoped3A_75 : memref<!tpu.dma_semaphore, #tpu.memory_space<semaphore_mem>>) src(%arg9 : memref<80x128xf32, #tpu.memory_space<vmem>>) dst(%dma_wait3A_83 : memref<80x128xf32, #tpu.memory_space<vmem_shared>>)
      tpu.yield
    }) : () -> ()
    %dma_wait3A = tpu.memref_slice %arg3[%mul3A_4] : memref<320000xi32, #tpu.memory_space<hbm>> -> memref<10000xi32, #tpu.memory_space<hbm>>
    %dma_wait3A_35 = tpu.memref_slice %arg3[%mul3A_4] : memref<320000xi32, #tpu.memory_space<hbm>> -> memref<10000xi32, #tpu.memory_space<hbm>>
    tpu.wait_dma2 semaphore(%arg12 : memref<!tpu.dma_semaphore, #tpu.memory_space<semaphore_mem>>) src(%dma_wait3A_35 : memref<10000xi32, #tpu.memory_space<hbm>>) dst(%arg7 : memref<10000xi32, #tpu.memory_space<vmem>>)
    %dma_wait3A_36 = arith.constant 0 : i32
    %dma_wait3A_37 = arith.constant 0 : i32
    %dma_wait3A_38 = tpu.memref_slice %arg4[%add3A, %dma_wait3A_36, %dma_wait3A_37] : memref<32x125x80xi32, #tpu.memory_space<hbm>> -> memref<1x125x80xi32, #tpu.memory_space<hbm>>
    %dma_wait3A_39 = tpu.memref_squeeze %dma_wait3A_38 : memref<1x125x80xi32, #tpu.memory_space<hbm>> -> memref<125x80xi32, #tpu.memory_space<hbm>>
    %dma_wait3A_40 = arith.constant 0 : i32
    %dma_wait3A_41 = arith.constant 0 : i32
    %dma_wait3A_42 = tpu.memref_slice %arg4[%add3A, %dma_wait3A_40, %dma_wait3A_41] : memref<32x125x80xi32, #tpu.memory_space<hbm>> -> memref<1x125x80xi32, #tpu.memory_space<hbm>>
    %dma_wait3A_43 = tpu.memref_squeeze %dma_wait3A_42 : memref<1x125x80xi32, #tpu.memory_space<hbm>> -> memref<125x80xi32, #tpu.memory_space<hbm>>
    tpu.wait_dma2 semaphore(%arg13 : memref<!tpu.dma_semaphore, #tpu.memory_space<semaphore_mem>>) src(%dma_wait3A_43 : memref<125x80xi32, #tpu.memory_space<hbm>>) dst(%arg8 : memref<125x80xi32, #tpu.memory_space<vmem>>)
    %multiple_of3A = arith.constant 0 : i32
    %multiple_of3A_44 = tpu.assume_multiple %multiple_of3A, 8 : i32
    %dma_start3A_45 = tpu.memref_slice %arg7[%multiple_of3A_44] : memref<10000xi32, #tpu.memory_space<vmem>> -> memref<80xi32, #tpu.memory_space<vmem>>
    %dma_start3A_46 = arith.constant 0 : i32
    %dma_start3A_47 = arith.constant 0 : i32
    %dma_start3A_48 = tpu.memref_slice %arg2[%dma_start3A_46, %dma_start3A_47] : memref<10240x128xf32, #tpu.memory_space<hbm>> -> memref<10240x128xf32, #tpu.memory_space<hbm>>
    tpu.enqueue_indirect_dma source(%dma_start3A_48 : memref<10240x128xf32, #tpu.memory_space<hbm>>) target(%arg9 : memref<80x128xf32, #tpu.memory_space<vmem>>) offsets(%dma_start3A_45 : memref<80xi32, #tpu.memory_space<vmem>>) semaphore(%arg12 : memref<!tpu.dma_semaphore, #tpu.memory_space<semaphore_mem>>)
    %multiple_of3A_49 = arith.constant 80 : i32
    %multiple_of3A_50 = tpu.assume_multiple %multiple_of3A_49, 8 : i32
    %dma_start3A_51 = tpu.memref_slice %arg7[%multiple_of3A_50] : memref<10000xi32, #tpu.memory_space<vmem>> -> memref<80xi32, #tpu.memory_space<vmem>>
    %dma_start3A_52 = arith.constant 0 : i32
    %dma_start3A_53 = arith.constant 0 : i32
    %dma_start3A_54 = tpu.memref_slice %arg2[%dma_start3A_52, %dma_start3A_53] : memref<10240x128xf32, #tpu.memory_space<hbm>> -> memref<10240x128xf32, #tpu.memory_space<hbm>>
    tpu.enqueue_indirect_dma source(%dma_start3A_54 : memref<10240x128xf32, #tpu.memory_space<hbm>>) target(%arg10 : memref<80x128xf32, #tpu.memory_space<vmem>>) offsets(%dma_start3A_51 : memref<80xi32, #tpu.memory_space<vmem>>) semaphore(%arg13 : memref<!tpu.dma_semaphore, #tpu.memory_space<semaphore_mem>>)
    %barrier3A = arith.constant 0 : index
    tpu.barrier barrier_id(%barrier3A)
    %scan3A_55 = arith.constant 0 : i32
    %scan3A_56 = arith.constant 0 : i32
    %scan3A_57 = arith.constant 62 : i32
    %scan3A_58 = arith.addi %scan3A_56, %scan3A_57 : i32
    %scan3A_59 = arith.constant 1 : i32
    scf.for %scan3A_75 = %scan3A_56 to %scan3A_58 step %scan3A_59  : i32 {
      %mul3A_76 = arith.constant 2 : i32
      %mul3A_77 = arith.muli %mul3A_76, %scan3A_75 : i32
      %add3A_78 = arith.constant 1 : i32
      %add3A_79 = arith.addi %mul3A_77, %add3A_78 : i32
      %mul3A_80 = arith.constant 80 : i32
      %mul3A_81 = arith.muli %mul3A_77, %mul3A_80 : i32
      %multiple_of3A_82 = tpu.assume_multiple %mul3A_81, 8 : i32
      %dma_wait3A_83 = tpu.memref_slice %arg7[%multiple_of3A_82] : memref<10000xi32, #tpu.memory_space<vmem>> -> memref<80xi32, #tpu.memory_space<vmem>>
      %dma_wait3A_84 = arith.constant 0 : i32
      %dma_wait3A_85 = arith.constant 0 : i32
      %dma_wait3A_86 = tpu.memref_slice %arg2[%dma_wait3A_84, %dma_wait3A_85] : memref<10240x128xf32, #tpu.memory_space<hbm>> -> memref<10240x128xf32, #tpu.memory_space<hbm>>
      tpu.wait_indirect_dma semaphore(%arg12 : memref<!tpu.dma_semaphore, #tpu.memory_space<semaphore_mem>>) src(%dma_wait3A_86 : memref<10240x128xf32, #tpu.memory_space<hbm>>) dst(%arg9 : memref<80x128xf32, #tpu.memory_space<vmem>>)
      "tpu.region"() ({
        %run_scoped3A_109 = tpu.sem_alloc : memref<!tpu.dma_semaphore, #tpu.memory_space<semaphore_mem>>
        %dma_start3A_110 = arith.constant 0 : i32
        %dma_start3A_111 = tpu.memref_slice %arg8[%mul3A_77, %dma_start3A_110] : memref<125x80xi32, #tpu.memory_space<vmem>> -> memref<1x80xi32, #tpu.memory_space<vmem>>
        %dma_start3A_112 = tpu.memref_squeeze %dma_start3A_111 : memref<1x80xi32, #tpu.memory_space<vmem>> -> memref<80xi32, #tpu.memory_space<vmem>>
        %dma_start3A_113 = arith.constant 0 : i32
        %dma_start3A_114 = arith.constant 0 : i32
        %dma_start3A_115 = tpu.memref_slice %arg11[%dma_start3A_113, %dma_start3A_114] : memref<10240x128xf32, #tpu.memory_space<vmem_shared>> -> memref<10240x128xf32, #tpu.memory_space<vmem_shared>>
        tpu.enqueue_indirect_dma source(%arg9 : memref<80x128xf32, #tpu.memory_space<vmem>>) target(%dma_start3A_115 : memref<10240x128xf32, #tpu.memory_space<vmem_shared>>) offsets(%dma_start3A_112 : memref<80xi32, #tpu.memory_space<vmem>>) semaphore(%run_scoped3A_109 : memref<!tpu.dma_semaphore, #tpu.memory_space<semaphore_mem>>) {add = true}
        %dma_wait3A_116 = arith.constant 0 : i32
        %dma_wait3A_117 = tpu.memref_slice %arg8[%mul3A_77, %dma_wait3A_116] : memref<125x80xi32, #tpu.memory_space<vmem>> -> memref<1x80xi32, #tpu.memory_space<vmem>>
        %dma_wait3A_118 = tpu.memref_squeeze %dma_wait3A_117 : memref<1x80xi32, #tpu.memory_space<vmem>> -> memref<80xi32, #tpu.memory_space<vmem>>
        %dma_wait3A_119 = arith.constant 0 : i32
        %dma_wait3A_120 = arith.constant 0 : i32
        %dma_wait3A_121 = tpu.memref_slice %arg11[%dma_wait3A_119, %dma_wait3A_120] : memref<10240x128xf32, #tpu.memory_space<vmem_shared>> -> memref<10240x128xf32, #tpu.memory_space<vmem_shared>>
        tpu.wait_indirect_dma semaphore(%run_scoped3A_109 : memref<!tpu.dma_semaphore, #tpu.memory_space<semaphore_mem>>) src(%arg9 : memref<80x128xf32, #tpu.memory_space<vmem>>) dst(%dma_wait3A_121 : memref<10240x128xf32, #tpu.memory_space<vmem_shared>>)
        tpu.yield
      }) : () -> ()
      %add3A_87 = arith.constant 2 : i32
      %add3A_88 = arith.addi %mul3A_77, %add3A_87 : i32
      %mul3A_89 = arith.constant 80 : i32
      %mul3A_90 = arith.muli %add3A_88, %mul3A_89 : i32
      %multiple_of3A_91 = tpu.assume_multiple %mul3A_90, 8 : i32
      %dma_start3A_92 = tpu.memref_slice %arg7[%multiple_of3A_91] : memref<10000xi32, #tpu.memory_space<vmem>> -> memref<80xi32, #tpu.memory_space<vmem>>
      %dma_start3A_93 = arith.constant 0 : i32
      %dma_start3A_94 = arith.constant 0 : i32
      %dma_start3A_95 = tpu.memref_slice %arg2[%dma_start3A_93, %dma_start3A_94] : memref<10240x128xf32, #tpu.memory_space<hbm>> -> memref<10240x128xf32, #tpu.memory_space<hbm>>
      tpu.enqueue_indirect_dma source(%dma_start3A_95 : memref<10240x128xf32, #tpu.memory_space<hbm>>) target(%arg9 : memref<80x128xf32, #tpu.memory_space<vmem>>) offsets(%dma_start3A_92 : memref<80xi32, #tpu.memory_space<vmem>>) semaphore(%arg12 : memref<!tpu.dma_semaphore, #tpu.memory_space<semaphore_mem>>)
      %mul3A_96 = arith.constant 80 : i32
      %mul3A_97 = arith.muli %add3A_79, %mul3A_96 : i32
      %multiple_of3A_98 = tpu.assume_multiple %mul3A_97, 8 : i32
      %dma_wait3A_99 = tpu.memref_slice %arg7[%multiple_of3A_98] : memref<10000xi32, #tpu.memory_space<vmem>> -> memref<80xi32, #tpu.memory_space<vmem>>
      %dma_wait3A_100 = arith.constant 0 : i32
      %dma_wait3A_101 = arith.constant 0 : i32
      %dma_wait3A_102 = tpu.memref_slice %arg2[%dma_wait3A_100, %dma_wait3A_101] : memref<10240x128xf32, #tpu.memory_space<hbm>> -> memref<10240x128xf32, #tpu.memory_space<hbm>>
      tpu.wait_indirect_dma semaphore(%arg13 : memref<!tpu.dma_semaphore, #tpu.memory_space<semaphore_mem>>) src(%dma_wait3A_102 : memref<10240x128xf32, #tpu.memory_space<hbm>>) dst(%arg10 : memref<80x128xf32, #tpu.memory_space<vmem>>)
      "tpu.region"() ({
        %run_scoped3A_109 = tpu.sem_alloc : memref<!tpu.dma_semaphore, #tpu.memory_space<semaphore_mem>>
        %dma_start3A_110 = arith.constant 0 : i32
        %dma_start3A_111 = tpu.memref_slice %arg8[%add3A_79, %dma_start3A_110] : memref<125x80xi32, #tpu.memory_space<vmem>> -> memref<1x80xi32, #tpu.memory_space<vmem>>
        %dma_start3A_112 = tpu.memref_squeeze %dma_start3A_111 : memref<1x80xi32, #tpu.memory_space<vmem>> -> memref<80xi32, #tpu.memory_space<vmem>>
        %dma_start3A_113 = arith.constant 0 : i32
        %dma_start3A_114 = arith.constant 0 : i32
        %dma_start3A_115 = tpu.memref_slice %arg11[%dma_start3A_113, %dma_start3A_114] : memref<10240x128xf32, #tpu.memory_space<vmem_shared>> -> memref<10240x128xf32, #tpu.memory_space<vmem_shared>>
        tpu.enqueue_indirect_dma source(%arg10 : memref<80x128xf32, #tpu.memory_space<vmem>>) target(%dma_start3A_115 : memref<10240x128xf32, #tpu.memory_space<vmem_shared>>) offsets(%dma_start3A_112 : memref<80xi32, #tpu.memory_space<vmem>>) semaphore(%run_scoped3A_109 : memref<!tpu.dma_semaphore, #tpu.memory_space<semaphore_mem>>) {add = true}
        %dma_wait3A_116 = arith.constant 0 : i32
        %dma_wait3A_117 = tpu.memref_slice %arg8[%add3A_79, %dma_wait3A_116] : memref<125x80xi32, #tpu.memory_space<vmem>> -> memref<1x80xi32, #tpu.memory_space<vmem>>
        %dma_wait3A_118 = tpu.memref_squeeze %dma_wait3A_117 : memref<1x80xi32, #tpu.memory_space<vmem>> -> memref<80xi32, #tpu.memory_space<vmem>>
        %dma_wait3A_119 = arith.constant 0 : i32
        %dma_wait3A_120 = arith.constant 0 : i32
        %dma_wait3A_121 = tpu.memref_slice %arg11[%dma_wait3A_119, %dma_wait3A_120] : memref<10240x128xf32, #tpu.memory_space<vmem_shared>> -> memref<10240x128xf32, #tpu.memory_space<vmem_shared>>
        tpu.wait_indirect_dma semaphore(%run_scoped3A_109 : memref<!tpu.dma_semaphore, #tpu.memory_space<semaphore_mem>>) src(%arg10 : memref<80x128xf32, #tpu.memory_space<vmem>>) dst(%dma_wait3A_121 : memref<10240x128xf32, #tpu.memory_space<vmem_shared>>)
        tpu.yield
      }) : () -> ()
      %add3A_103 = arith.constant 2 : i32
      %add3A_104 = arith.addi %add3A_79, %add3A_103 : i32
      %lt3A = arith.constant 125 : i32
      %lt3A_105 = arith.cmpi slt, %add3A_104, %lt3A : i32
      %convert_element_type3A_106 = arith.extui %lt3A_105 : i1 to i32
      %cond3A_107 = arith.constant 0 : i32
      %cond3A_108 = arith.cmpi ne, %convert_element_type3A_106, %cond3A_107 : i32
      scf.if %cond3A_108 {
        %add3A_109 = arith.constant 2 : i32
        %add3A_110 = arith.addi %add3A_79, %add3A_109 : i32
        %mul3A_111 = arith.constant 80 : i32
        %mul3A_112 = arith.muli %add3A_110, %mul3A_111 : i32
        %multiple_of3A_113 = tpu.assume_multiple %mul3A_112, 8 : i32
        %dma_start3A_114 = tpu.memref_slice %arg7[%multiple_of3A_113] : memref<10000xi32, #tpu.memory_space<vmem>> -> memref<80xi32, #tpu.memory_space<vmem>>
        %dma_start3A_115 = arith.constant 0 : i32
        %dma_start3A_116 = arith.constant 0 : i32
        %dma_start3A_117 = tpu.memref_slice %arg2[%dma_start3A_115, %dma_start3A_116] : memref<10240x128xf32, #tpu.memory_space<hbm>> -> memref<10240x128xf32, #tpu.memory_space<hbm>>
        tpu.enqueue_indirect_dma source(%dma_start3A_117 : memref<10240x128xf32, #tpu.memory_space<hbm>>) target(%arg10 : memref<80x128xf32, #tpu.memory_space<vmem>>) offsets(%dma_start3A_114 : memref<80xi32, #tpu.memory_space<vmem>>) semaphore(%arg13 : memref<!tpu.dma_semaphore, #tpu.memory_space<semaphore_mem>>)
      } else {
      }
    }
    %scan3A_60 = arith.constant 62 : i32
    %multiple_of3A_61 = arith.constant 9920 : i32
    %multiple_of3A_62 = tpu.assume_multiple %multiple_of3A_61, 8 : i32
    %dma_wait3A_63 = tpu.memref_slice %arg7[%multiple_of3A_62] : memref<10000xi32, #tpu.memory_space<vmem>> -> memref<80xi32, #tpu.memory_space<vmem>>
    %dma_wait3A_64 = arith.constant 0 : i32
    %dma_wait3A_65 = arith.constant 0 : i32
    %dma_wait3A_66 = tpu.memref_slice %arg2[%dma_wait3A_64, %dma_wait3A_65] : memref<10240x128xf32, #tpu.memory_space<hbm>> -> memref<10240x128xf32, #tpu.memory_space<hbm>>
    tpu.wait_indirect_dma semaphore(%arg12 : memref<!tpu.dma_semaphore, #tpu.memory_space<semaphore_mem>>) src(%dma_wait3A_66 : memref<10240x128xf32, #tpu.memory_space<hbm>>) dst(%arg9 : memref<80x128xf32, #tpu.memory_space<vmem>>)
    %run_scoped3A = arith.constant 124 : i32
    "tpu.region"() ({
      %run_scoped3A_75 = tpu.sem_alloc : memref<!tpu.dma_semaphore, #tpu.memory_space<semaphore_mem>>
      %dma_start3A_76 = arith.constant 0 : i32
      %dma_start3A_77 = tpu.memref_slice %arg8[%run_scoped3A, %dma_start3A_76] : memref<125x80xi32, #tpu.memory_space<vmem>> -> memref<1x80xi32, #tpu.memory_space<vmem>>
      %dma_start3A_78 = tpu.memref_squeeze %dma_start3A_77 : memref<1x80xi32, #tpu.memory_space<vmem>> -> memref<80xi32, #tpu.memory_space<vmem>>
      %dma_start3A_79 = arith.constant 0 : i32
      %dma_start3A_80 = arith.constant 0 : i32
      %dma_start3A_81 = tpu.memref_slice %arg11[%dma_start3A_79, %dma_start3A_80] : memref<10240x128xf32, #tpu.memory_space<vmem_shared>> -> memref<10240x128xf32, #tpu.memory_space<vmem_shared>>
      tpu.enqueue_indirect_dma source(%arg9 : memref<80x128xf32, #tpu.memory_space<vmem>>) target(%dma_start3A_81 : memref<10240x128xf32, #tpu.memory_space<vmem_shared>>) offsets(%dma_start3A_78 : memref<80xi32, #tpu.memory_space<vmem>>) semaphore(%run_scoped3A_75 : memref<!tpu.dma_semaphore, #tpu.memory_space<semaphore_mem>>) {add = true}
      %dma_wait3A_82 = arith.constant 0 : i32
      %dma_wait3A_83 = tpu.memref_slice %arg8[%run_scoped3A, %dma_wait3A_82] : memref<125x80xi32, #tpu.memory_space<vmem>> -> memref<1x80xi32, #tpu.memory_space<vmem>>
      %dma_wait3A_84 = tpu.memref_squeeze %dma_wait3A_83 : memref<1x80xi32, #tpu.memory_space<vmem>> -> memref<80xi32, #tpu.memory_space<vmem>>
      %dma_wait3A_85 = arith.constant 0 : i32
      %dma_wait3A_86 = arith.constant 0 : i32
      %dma_wait3A_87 = tpu.memref_slice %arg11[%dma_wait3A_85, %dma_wait3A_86] : memref<10240x128xf32, #tpu.memory_space<vmem_shared>> -> memref<10240x128xf32, #tpu.memory_space<vmem_shared>>
      tpu.wait_indirect_dma semaphore(%run_scoped3A_75 : memref<!tpu.dma_semaphore, #tpu.memory_space<semaphore_mem>>) src(%arg9 : memref<80x128xf32, #tpu.memory_space<vmem>>) dst(%dma_wait3A_87 : memref<10240x128xf32, #tpu.memory_space<vmem_shared>>)
      tpu.yield
    }) : () -> ()
    %barrier3A_67 = arith.constant 0 : index
    tpu.barrier barrier_id(%barrier3A_67)
    %eq3A = arith.constant 0 : i32
    %eq3A_68 = arith.cmpi eq, %arg0, %eq3A : i32
    %convert_element_type3A = arith.extui %eq3A_68 : i1 to i32
    %cond3A = arith.constant 0 : i32
    %cond3A_69 = arith.cmpi ne, %convert_element_type3A, %cond3A : i32
    scf.if %cond3A_69 {
      "tpu.region"() ({
        %run_scoped3A_75 = tpu.sem_alloc : memref<!tpu.dma_semaphore, #tpu.memory_space<semaphore_mem>>
        %dma_start3A_76 = arith.constant 0 : i32
        %dma_start3A_77 = tpu.memref_slice %arg5[%mul3A_2, %dma_start3A_76] : memref<10240x128xf32, #tpu.memory_space<hbm>> -> memref<640x128xf32, #tpu.memory_space<hbm>>
        %dma_start3A_78 = arith.constant 0 : i32
        %dma_start3A_79 = tpu.memref_slice %arg11[%mul3A_2, %dma_start3A_78] : memref<10240x128xf32, #tpu.memory_space<vmem_shared>> -> memref<640x128xf32, #tpu.memory_space<vmem_shared>>
        tpu.enqueue_dma source(%dma_start3A_79 : memref<640x128xf32, #tpu.memory_space<vmem_shared>>) target(%dma_start3A_77 : memref<640x128xf32, #tpu.memory_space<hbm>>) target_semaphore(%run_scoped3A_75 : memref<!tpu.dma_semaphore, #tpu.memory_space<semaphore_mem>>)
        %dma_wait3A_80 = arith.constant 0 : i32
        %dma_wait3A_81 = tpu.memref_slice %arg5[%mul3A_2, %dma_wait3A_80] : memref<10240x128xf32, #tpu.memory_space<hbm>> -> memref<640x128xf32, #tpu.memory_space<hbm>>
        %dma_wait3A_82 = arith.constant 0 : i32
        %dma_wait3A_83 = tpu.memref_slice %arg11[%mul3A_2, %dma_wait3A_82] : memref<10240x128xf32, #tpu.memory_space<vmem_shared>> -> memref<640x128xf32, #tpu.memory_space<vmem_shared>>
        tpu.wait_dma2 semaphore(%run_scoped3A_75 : memref<!tpu.dma_semaphore, #tpu.memory_space<semaphore_mem>>) src(%dma_wait3A_83 : memref<640x128xf32, #tpu.memory_space<vmem_shared>>) dst(%dma_wait3A_81 : memref<640x128xf32, #tpu.memory_space<hbm>>)
        tpu.yield
      }) : () -> ()
    } else {
    }
    %eq3A_70 = arith.constant 1 : i32
    %eq3A_71 = arith.cmpi eq, %arg0, %eq3A_70 : i32
    %convert_element_type3A_72 = arith.extui %eq3A_71 : i1 to i32
    %cond3A_73 = arith.constant 0 : i32
    %cond3A_74 = arith.cmpi ne, %convert_element_type3A_72, %cond3A_73 : i32
    scf.if %cond3A_74 {
      "tpu.region"() ({
        %run_scoped3A_75 = tpu.sem_alloc : memref<!tpu.dma_semaphore, #tpu.memory_space<semaphore_mem>>
        %dma_start3A_76 = arith.constant 0 : i32
        %dma_start3A_77 = tpu.memref_slice %arg6[%mul3A_2, %dma_start3A_76] : memref<10240x128xf32, #tpu.memory_space<hbm>> -> memref<640x128xf32, #tpu.memory_space<hbm>>
        %dma_start3A_78 = arith.constant 0 : i32
        %dma_start3A_79 = tpu.memref_slice %arg11[%mul3A_2, %dma_start3A_78] : memref<10240x128xf32, #tpu.memory_space<vmem_shared>> -> memref<640x128xf32, #tpu.memory_space<vmem_shared>>
        tpu.enqueue_dma source(%dma_start3A_79 : memref<640x128xf32, #tpu.memory_space<vmem_shared>>) target(%dma_start3A_77 : memref<640x128xf32, #tpu.memory_space<hbm>>) target_semaphore(%run_scoped3A_75 : memref<!tpu.dma_semaphore, #tpu.memory_space<semaphore_mem>>)
        %dma_wait3A_80 = arith.constant 0 : i32
        %dma_wait3A_81 = tpu.memref_slice %arg6[%mul3A_2, %dma_wait3A_80] : memref<10240x128xf32, #tpu.memory_space<hbm>> -> memref<640x128xf32, #tpu.memory_space<hbm>>
        %dma_wait3A_82 = arith.constant 0 : i32
        %dma_wait3A_83 = tpu.memref_slice %arg11[%mul3A_2, %dma_wait3A_82] : memref<10240x128xf32, #tpu.memory_space<vmem_shared>> -> memref<640x128xf32, #tpu.memory_space<vmem_shared>>
        tpu.wait_dma2 semaphore(%run_scoped3A_75 : memref<!tpu.dma_semaphore, #tpu.memory_space<semaphore_mem>>) src(%dma_wait3A_83 : memref<640x128xf32, #tpu.memory_space<vmem_shared>>) dst(%dma_wait3A_81 : memref<640x128xf32, #tpu.memory_space<hbm>>)
        tpu.yield
      }) : () -> ()
    } else {
    }
    return
  }
}

#map = affine_map<(d0, d1) -> (0, 0)>
#map1 = affine_map<(d0, d1) -> (0)>
#map2 = affine_map<(d0, d1) -> (0, 0, 0)>
module attributes {stable_mosaic.version = 14 : i64} {
  func.func @segsum(%arg0: i32, %arg1: i32, %arg2: memref<10240x128xf32, #tpu.memory_space<hbm>>, %arg3: memref<320000xi32, #tpu.memory_space<hbm>>, %arg4: memref<32x125x80xi32, #tpu.memory_space<hbm>>, %arg5: memref<10240x128xf32, #tpu.memory_space<hbm>>, %arg6: memref<10240x128xf32, #tpu.memory_space<hbm>>, %arg7: memref<10000xi32, #tpu.memory_space<vmem>>, %arg8: memref<125x80xi32, #tpu.memory_space<vmem>>, %arg9: memref<80x128xf32, #tpu.memory_space<vmem>>, %arg10: memref<80x128xf32, #tpu.memory_space<vmem>>, %arg11: memref<10240x128xf32, #tpu.memory_space<vmem_shared>>, %arg12: memref<!tpu.dma_semaphore, #tpu.memory_space<semaphore_mem>>, %arg13: memref<!tpu.dma_semaphore, #tpu.memory_space<semaphore_mem>>) attributes {dimension_semantics = [#tpu.dimension_semantics<core_parallel>, #tpu.dimension_semantics<subcore_parallel>], iteration_bounds = array<i64: 2, 16>, scalar_prefetch = 0 : i64, scratch_operands = 7 : i64, tpu.core_type = #tpu.core_type<sc_vector_subcore>, window_params = [{transform_indices = #map}, {transform_indices = #map1}, {transform_indices = #map2}, {transform_indices = #map}, {transform_indices = #map}]} {
    %mul3A = arith.constant 2 : i32
    %mul3A_0 = arith.muli %arg1, %mul3A : i32
    %add3A = arith.addi %mul3A_0, %arg0 : i32
    %mul3A_1 = arith.constant 640 : i32
    %mul3A_2 = arith.muli %arg1, %mul3A_1 : i32
    %mul3A_3 = arith.constant 10000 : i32
    %mul3A_4 = arith.muli %add3A, %mul3A_3 : i32
    %dma_start3A = tpu.memref_slice %arg3[%mul3A_4] : memref<320000xi32, #tpu.memory_space<hbm>> -> memref<10000xi32, #tpu.memory_space<hbm>>
    %dma_start3A_5 = tpu.memref_slice %arg3[%mul3A_4] : memref<320000xi32, #tpu.memory_space<hbm>> -> memref<10000xi32, #tpu.memory_space<hbm>>
    tpu.enqueue_dma source(%dma_start3A_5 : memref<10000xi32, #tpu.memory_space<hbm>>) target(%arg7 : memref<10000xi32, #tpu.memory_space<vmem>>) target_semaphore(%arg12 : memref<!tpu.dma_semaphore, #tpu.memory_space<semaphore_mem>>)
    %dma_start3A_6 = arith.constant 0 : i32
    %dma_start3A_7 = arith.constant 0 : i32
    %dma_start3A_8 = tpu.memref_slice %arg4[%add3A, %dma_start3A_6, %dma_start3A_7] : memref<32x125x80xi32, #tpu.memory_space<hbm>> -> memref<1x125x80xi32, #tpu.memory_space<hbm>>
    %dma_start3A_9 = tpu.memref_squeeze %dma_start3A_8 : memref<1x125x80xi32, #tpu.memory_space<hbm>> -> memref<125x80xi32, #tpu.memory_space<hbm>>
    %dma_start3A_10 = arith.constant 0 : i32
    %dma_start3A_11 = arith.constant 0 : i32
    %dma_start3A_12 = tpu.memref_slice %arg4[%add3A, %dma_start3A_10, %dma_start3A_11] : memref<32x125x80xi32, #tpu.memory_space<hbm>> -> memref<1x125x80xi32, #tpu.memory_space<hbm>>
    %dma_start3A_13 = tpu.memref_squeeze %dma_start3A_12 : memref<1x125x80xi32, #tpu.memory_space<hbm>> -> memref<125x80xi32, #tpu.memory_space<hbm>>
    tpu.enqueue_dma source(%dma_start3A_13 : memref<125x80xi32, #tpu.memory_space<hbm>>) target(%arg8 : memref<125x80xi32, #tpu.memory_space<vmem>>) target_semaphore(%arg13 : memref<!tpu.dma_semaphore, #tpu.memory_space<semaphore_mem>>)
    %scan3A = arith.constant 0 : i32
    %scan3A_14 = arith.constant 0 : i32
    %scan3A_15 = arith.constant 80 : i32
    %scan3A_16 = arith.addi %scan3A_14, %scan3A_15 : i32
    %scan3A_17 = arith.constant 1 : i32
    scf.for %scan3A_75 = %scan3A_14 to %scan3A_16 step %scan3A_17  : i32 {
      %broadcast_in_dim3A = arith.constant 0.000000e+00 : f32
      %broadcast_in_dim3A_76 = vector.broadcast %broadcast_in_dim3A : f32 to vector<16xf32>
      %swap3A = arith.index_cast %scan3A_75 : i32 to index
      %swap3A_77 = arith.constant 0 : index
      %swap3A_78 = tpu.vector_load %arg9[%swap3A, %swap3A_77] {strides = array<i32>} : memref<80x128xf32, #tpu.memory_space<vmem>>, vector<1x16xf32>,
      %swap3A_79 = vector.shape_cast %swap3A_78 : vector<1x16xf32> to vector<16xf32>
      %swap3A_80 = vector.shape_cast %broadcast_in_dim3A_76 : vector<16xf32> to vector<1x16xf32>
      tpu.vector_store %arg9[%swap3A, %swap3A_77], %swap3A_80 {strides = array<i32>} : memref<80x128xf32, #tpu.memory_space<vmem>>, vector<1x16xf32>,
      %broadcast_in_dim3A_81 = arith.constant 0.000000e+00 : f32
      %broadcast_in_dim3A_82 = vector.broadcast %broadcast_in_dim3A_81 : f32 to vector<16xf32>
      %swap3A_83 = arith.index_cast %scan3A_75 : i32 to index
      %swap3A_84 = arith.constant 16 : index
      %swap3A_85 = tpu.vector_load %arg9[%swap3A_83, %swap3A_84] {strides = array<i32>} : memref<80x128xf32, #tpu.memory_space<vmem>>, vector<1x16xf32>,
      %swap3A_86 = vector.shape_cast %swap3A_85 : vector<1x16xf32> to vector<16xf32>
      %swap3A_87 = vector.shape_cast %broadcast_in_dim3A_82 : vector<16xf32> to vector<1x16xf32>
      tpu.vector_store %arg9[%swap3A_83, %swap3A_84], %swap3A_87 {strides = array<i32>} : memref<80x128xf32, #tpu.memory_space<vmem>>, vector<1x16xf32>,
      %broadcast_in_dim3A_88 = arith.constant 0.000000e+00 : f32
      %broadcast_in_dim3A_89 = vector.broadcast %broadcast_in_dim3A_88 : f32 to vector<16xf32>
      %swap3A_90 = arith.index_cast %scan3A_75 : i32 to index
      %swap3A_91 = arith.constant 32 : index
      %swap3A_92 = tpu.vector_load %arg9[%swap3A_90, %swap3A_91] {strides = array<i32>} : memref<80x128xf32, #tpu.memory_space<vmem>>, vector<1x16xf32>,
      %swap3A_93 = vector.shape_cast %swap3A_92 : vector<1x16xf32> to vector<16xf32>
      %swap3A_94 = vector.shape_cast %broadcast_in_dim3A_89 : vector<16xf32> to vector<1x16xf32>
      tpu.vector_store %arg9[%swap3A_90, %swap3A_91], %swap3A_94 {strides = array<i32>} : memref<80x128xf32, #tpu.memory_space<vmem>>, vector<1x16xf32>,
      %broadcast_in_dim3A_95 = arith.constant 0.000000e+00 : f32
      %broadcast_in_dim3A_96 = vector.broadcast %broadcast_in_dim3A_95 : f32 to vector<16xf32>
      %swap3A_97 = arith.index_cast %scan3A_75 : i32 to index
      %swap3A_98 = arith.constant 48 : index
      %swap3A_99 = tpu.vector_load %arg9[%swap3A_97, %swap3A_98] {strides = array<i32>} : memref<80x128xf32, #tpu.memory_space<vmem>>, vector<1x16xf32>,
      %swap3A_100 = vector.shape_cast %swap3A_99 : vector<1x16xf32> to vector<16xf32>
      %swap3A_101 = vector.shape_cast %broadcast_in_dim3A_96 : vector<16xf32> to vector<1x16xf32>
      tpu.vector_store %arg9[%swap3A_97, %swap3A_98], %swap3A_101 {strides = array<i32>} : memref<80x128xf32, #tpu.memory_space<vmem>>, vector<1x16xf32>,
      %broadcast_in_dim3A_102 = arith.constant 0.000000e+00 : f32
      %broadcast_in_dim3A_103 = vector.broadcast %broadcast_in_dim3A_102 : f32 to vector<16xf32>
      %swap3A_104 = arith.index_cast %scan3A_75 : i32 to index
      %swap3A_105 = arith.constant 64 : index
      %swap3A_106 = tpu.vector_load %arg9[%swap3A_104, %swap3A_105] {strides = array<i32>} : memref<80x128xf32, #tpu.memory_space<vmem>>, vector<1x16xf32>,
      %swap3A_107 = vector.shape_cast %swap3A_106 : vector<1x16xf32> to vector<16xf32>
      %swap3A_108 = vector.shape_cast %broadcast_in_dim3A_103 : vector<16xf32> to vector<1x16xf32>
      tpu.vector_store %arg9[%swap3A_104, %swap3A_105], %swap3A_108 {strides = array<i32>} : memref<80x128xf32, #tpu.memory_space<vmem>>, vector<1x16xf32>,
      %broadcast_in_dim3A_109 = arith.constant 0.000000e+00 : f32
      %broadcast_in_dim3A_110 = vector.broadcast %broadcast_in_dim3A_109 : f32 to vector<16xf32>
      %swap3A_111 = arith.index_cast %scan3A_75 : i32 to index
      %swap3A_112 = arith.constant 80 : index
      %swap3A_113 = tpu.vector_load %arg9[%swap3A_111, %swap3A_112] {strides = array<i32>} : memref<80x128xf32, #tpu.memory_space<vmem>>, vector<1x16xf32>,
      %swap3A_114 = vector.shape_cast %swap3A_113 : vector<1x16xf32> to vector<16xf32>
      %swap3A_115 = vector.shape_cast %broadcast_in_dim3A_110 : vector<16xf32> to vector<1x16xf32>
      tpu.vector_store %arg9[%swap3A_111, %swap3A_112], %swap3A_115 {strides = array<i32>} : memref<80x128xf32, #tpu.memory_space<vmem>>, vector<1x16xf32>,
      %broadcast_in_dim3A_116 = arith.constant 0.000000e+00 : f32
      %broadcast_in_dim3A_117 = vector.broadcast %broadcast_in_dim3A_116 : f32 to vector<16xf32>
      %swap3A_118 = arith.index_cast %scan3A_75 : i32 to index
      %swap3A_119 = arith.constant 96 : index
      %swap3A_120 = tpu.vector_load %arg9[%swap3A_118, %swap3A_119] {strides = array<i32>} : memref<80x128xf32, #tpu.memory_space<vmem>>, vector<1x16xf32>,
      %swap3A_121 = vector.shape_cast %swap3A_120 : vector<1x16xf32> to vector<16xf32>
      %swap3A_122 = vector.shape_cast %broadcast_in_dim3A_117 : vector<16xf32> to vector<1x16xf32>
      tpu.vector_store %arg9[%swap3A_118, %swap3A_119], %swap3A_122 {strides = array<i32>} : memref<80x128xf32, #tpu.memory_space<vmem>>, vector<1x16xf32>,
      %broadcast_in_dim3A_123 = arith.constant 0.000000e+00 : f32
      %broadcast_in_dim3A_124 = vector.broadcast %broadcast_in_dim3A_123 : f32 to vector<16xf32>
      %swap3A_125 = arith.index_cast %scan3A_75 : i32 to index
      %swap3A_126 = arith.constant 112 : index
      %swap3A_127 = tpu.vector_load %arg9[%swap3A_125, %swap3A_126] {strides = array<i32>} : memref<80x128xf32, #tpu.memory_space<vmem>>, vector<1x16xf32>,
      %swap3A_128 = vector.shape_cast %swap3A_127 : vector<1x16xf32> to vector<16xf32>
      %swap3A_129 = vector.shape_cast %broadcast_in_dim3A_124 : vector<16xf32> to vector<1x16xf32>
      tpu.vector_store %arg9[%swap3A_125, %swap3A_126], %swap3A_129 {strides = array<i32>} : memref<80x128xf32, #tpu.memory_space<vmem>>, vector<1x16xf32>,
    }
    %scan3A_18 = arith.constant 80 : i32
    %add3A_19 = arith.constant 0 : i32
    %add3A_20 = arith.addi %mul3A_2, %add3A_19 : i32
    "tpu.region"() ({
      %run_scoped3A_75 = tpu.sem_alloc : memref<!tpu.dma_semaphore, #tpu.memory_space<semaphore_mem>>
      %dma_start3A_76 = arith.constant 0 : i32
      %dma_start3A_77 = tpu.memref_slice %arg11[%add3A_20, %dma_start3A_76] : memref<10240x128xf32, #tpu.memory_space<vmem_shared>> -> memref<80x128xf32, #tpu.memory_space<vmem_shared>>
      %dma_start3A_78 = arith.constant 0 : i32
      %dma_start3A_79 = tpu.memref_slice %arg11[%add3A_20, %dma_start3A_78] : memref<10240x128xf32, #tpu.memory_space<vmem_shared>> -> memref<80x128xf32, #tpu.memory_space<vmem_shared>>
      tpu.enqueue_dma source(%arg9 : memref<80x128xf32, #tpu.memory_space<vmem>>) target(%dma_start3A_79 : memref<80x128xf32, #tpu.memory_space<vmem_shared>>) target_semaphore(%run_scoped3A_75 : memref<!tpu.dma_semaphore, #tpu.memory_space<semaphore_mem>>)
      %dma_wait3A_80 = arith.constant 0 : i32
      %dma_wait3A_81 = tpu.memref_slice %arg11[%add3A_20, %dma_wait3A_80] : memref<10240x128xf32, #tpu.memory_space<vmem_shared>> -> memref<80x128xf32, #tpu.memory_space<vmem_shared>>
      %dma_wait3A_82 = arith.constant 0 : i32
      %dma_wait3A_83 = tpu.memref_slice %arg11[%add3A_20, %dma_wait3A_82] : memref<10240x128xf32, #tpu.memory_space<vmem_shared>> -> memref<80x128xf32, #tpu.memory_space<vmem_shared>>
      tpu.wait_dma2 semaphore(%run_scoped3A_75 : memref<!tpu.dma_semaphore, #tpu.memory_space<semaphore_mem>>) src(%arg9 : memref<80x128xf32, #tpu.memory_space<vmem>>) dst(%dma_wait3A_83 : memref<80x128xf32, #tpu.memory_space<vmem_shared>>)
      tpu.yield
    }) : () -> ()
    %add3A_21 = arith.constant 80 : i32
    %add3A_22 = arith.addi %mul3A_2, %add3A_21 : i32
    "tpu.region"() ({
      %run_scoped3A_75 = tpu.sem_alloc : memref<!tpu.dma_semaphore, #tpu.memory_space<semaphore_mem>>
      %dma_start3A_76 = arith.constant 0 : i32
      %dma_start3A_77 = tpu.memref_slice %arg11[%add3A_22, %dma_start3A_76] : memref<10240x128xf32, #tpu.memory_space<vmem_shared>> -> memref<80x128xf32, #tpu.memory_space<vmem_shared>>
      %dma_start3A_78 = arith.constant 0 : i32
      %dma_start3A_79 = tpu.memref_slice %arg11[%add3A_22, %dma_start3A_78] : memref<10240x128xf32, #tpu.memory_space<vmem_shared>> -> memref<80x128xf32, #tpu.memory_space<vmem_shared>>
      tpu.enqueue_dma source(%arg9 : memref<80x128xf32, #tpu.memory_space<vmem>>) target(%dma_start3A_79 : memref<80x128xf32, #tpu.memory_space<vmem_shared>>) target_semaphore(%run_scoped3A_75 : memref<!tpu.dma_semaphore, #tpu.memory_space<semaphore_mem>>)
      %dma_wait3A_80 = arith.constant 0 : i32
      %dma_wait3A_81 = tpu.memref_slice %arg11[%add3A_22, %dma_wait3A_80] : memref<10240x128xf32, #tpu.memory_space<vmem_shared>> -> memref<80x128xf32, #tpu.memory_space<vmem_shared>>
      %dma_wait3A_82 = arith.constant 0 : i32
      %dma_wait3A_83 = tpu.memref_slice %arg11[%add3A_22, %dma_wait3A_82] : memref<10240x128xf32, #tpu.memory_space<vmem_shared>> -> memref<80x128xf32, #tpu.memory_space<vmem_shared>>
      tpu.wait_dma2 semaphore(%run_scoped3A_75 : memref<!tpu.dma_semaphore, #tpu.memory_space<semaphore_mem>>) src(%arg9 : memref<80x128xf32, #tpu.memory_space<vmem>>) dst(%dma_wait3A_83 : memref<80x128xf32, #tpu.memory_space<vmem_shared>>)
      tpu.yield
    }) : () -> ()
    %add3A_23 = arith.constant 160 : i32
    %add3A_24 = arith.addi %mul3A_2, %add3A_23 : i32
    "tpu.region"() ({
      %run_scoped3A_75 = tpu.sem_alloc : memref<!tpu.dma_semaphore, #tpu.memory_space<semaphore_mem>>
      %dma_start3A_76 = arith.constant 0 : i32
      %dma_start3A_77 = tpu.memref_slice %arg11[%add3A_24, %dma_start3A_76] : memref<10240x128xf32, #tpu.memory_space<vmem_shared>> -> memref<80x128xf32, #tpu.memory_space<vmem_shared>>
      %dma_start3A_78 = arith.constant 0 : i32
      %dma_start3A_79 = tpu.memref_slice %arg11[%add3A_24, %dma_start3A_78] : memref<10240x128xf32, #tpu.memory_space<vmem_shared>> -> memref<80x128xf32, #tpu.memory_space<vmem_shared>>
      tpu.enqueue_dma source(%arg9 : memref<80x128xf32, #tpu.memory_space<vmem>>) target(%dma_start3A_79 : memref<80x128xf32, #tpu.memory_space<vmem_shared>>) target_semaphore(%run_scoped3A_75 : memref<!tpu.dma_semaphore, #tpu.memory_space<semaphore_mem>>)
      %dma_wait3A_80 = arith.constant 0 : i32
      %dma_wait3A_81 = tpu.memref_slice %arg11[%add3A_24, %dma_wait3A_80] : memref<10240x128xf32, #tpu.memory_space<vmem_shared>> -> memref<80x128xf32, #tpu.memory_space<vmem_shared>>
      %dma_wait3A_82 = arith.constant 0 : i32
      %dma_wait3A_83 = tpu.memref_slice %arg11[%add3A_24, %dma_wait3A_82] : memref<10240x128xf32, #tpu.memory_space<vmem_shared>> -> memref<80x128xf32, #tpu.memory_space<vmem_shared>>
      tpu.wait_dma2 semaphore(%run_scoped3A_75 : memref<!tpu.dma_semaphore, #tpu.memory_space<semaphore_mem>>) src(%arg9 : memref<80x128xf32, #tpu.memory_space<vmem>>) dst(%dma_wait3A_83 : memref<80x128xf32, #tpu.memory_space<vmem_shared>>)
      tpu.yield
    }) : () -> ()
    %add3A_25 = arith.constant 240 : i32
    %add3A_26 = arith.addi %mul3A_2, %add3A_25 : i32
    "tpu.region"() ({
      %run_scoped3A_75 = tpu.sem_alloc : memref<!tpu.dma_semaphore, #tpu.memory_space<semaphore_mem>>
      %dma_start3A_76 = arith.constant 0 : i32
      %dma_start3A_77 = tpu.memref_slice %arg11[%add3A_26, %dma_start3A_76] : memref<10240x128xf32, #tpu.memory_space<vmem_shared>> -> memref<80x128xf32, #tpu.memory_space<vmem_shared>>
      %dma_start3A_78 = arith.constant 0 : i32
      %dma_start3A_79 = tpu.memref_slice %arg11[%add3A_26, %dma_start3A_78] : memref<10240x128xf32, #tpu.memory_space<vmem_shared>> -> memref<80x128xf32, #tpu.memory_space<vmem_shared>>
      tpu.enqueue_dma source(%arg9 : memref<80x128xf32, #tpu.memory_space<vmem>>) target(%dma_start3A_79 : memref<80x128xf32, #tpu.memory_space<vmem_shared>>) target_semaphore(%run_scoped3A_75 : memref<!tpu.dma_semaphore, #tpu.memory_space<semaphore_mem>>)
      %dma_wait3A_80 = arith.constant 0 : i32
      %dma_wait3A_81 = tpu.memref_slice %arg11[%add3A_26, %dma_wait3A_80] : memref<10240x128xf32, #tpu.memory_space<vmem_shared>> -> memref<80x128xf32, #tpu.memory_space<vmem_shared>>
      %dma_wait3A_82 = arith.constant 0 : i32
      %dma_wait3A_83 = tpu.memref_slice %arg11[%add3A_26, %dma_wait3A_82] : memref<10240x128xf32, #tpu.memory_space<vmem_shared>> -> memref<80x128xf32, #tpu.memory_space<vmem_shared>>
      tpu.wait_dma2 semaphore(%run_scoped3A_75 : memref<!tpu.dma_semaphore, #tpu.memory_space<semaphore_mem>>) src(%arg9 : memref<80x128xf32, #tpu.memory_space<vmem>>) dst(%dma_wait3A_83 : memref<80x128xf32, #tpu.memory_space<vmem_shared>>)
      tpu.yield
    }) : () -> ()
    %add3A_27 = arith.constant 320 : i32
    %add3A_28 = arith.addi %mul3A_2, %add3A_27 : i32
    "tpu.region"() ({
      %run_scoped3A_75 = tpu.sem_alloc : memref<!tpu.dma_semaphore, #tpu.memory_space<semaphore_mem>>
      %dma_start3A_76 = arith.constant 0 : i32
      %dma_start3A_77 = tpu.memref_slice %arg11[%add3A_28, %dma_start3A_76] : memref<10240x128xf32, #tpu.memory_space<vmem_shared>> -> memref<80x128xf32, #tpu.memory_space<vmem_shared>>
      %dma_start3A_78 = arith.constant 0 : i32
      %dma_start3A_79 = tpu.memref_slice %arg11[%add3A_28, %dma_start3A_78] : memref<10240x128xf32, #tpu.memory_space<vmem_shared>> -> memref<80x128xf32, #tpu.memory_space<vmem_shared>>
      tpu.enqueue_dma source(%arg9 : memref<80x128xf32, #tpu.memory_space<vmem>>) target(%dma_start3A_79 : memref<80x128xf32, #tpu.memory_space<vmem_shared>>) target_semaphore(%run_scoped3A_75 : memref<!tpu.dma_semaphore, #tpu.memory_space<semaphore_mem>>)
      %dma_wait3A_80 = arith.constant 0 : i32
      %dma_wait3A_81 = tpu.memref_slice %arg11[%add3A_28, %dma_wait3A_80] : memref<10240x128xf32, #tpu.memory_space<vmem_shared>> -> memref<80x128xf32, #tpu.memory_space<vmem_shared>>
      %dma_wait3A_82 = arith.constant 0 : i32
      %dma_wait3A_83 = tpu.memref_slice %arg11[%add3A_28, %dma_wait3A_82] : memref<10240x128xf32, #tpu.memory_space<vmem_shared>> -> memref<80x128xf32, #tpu.memory_space<vmem_shared>>
      tpu.wait_dma2 semaphore(%run_scoped3A_75 : memref<!tpu.dma_semaphore, #tpu.memory_space<semaphore_mem>>) src(%arg9 : memref<80x128xf32, #tpu.memory_space<vmem>>) dst(%dma_wait3A_83 : memref<80x128xf32, #tpu.memory_space<vmem_shared>>)
      tpu.yield
    }) : () -> ()
    %add3A_29 = arith.constant 400 : i32
    %add3A_30 = arith.addi %mul3A_2, %add3A_29 : i32
    "tpu.region"() ({
      %run_scoped3A_75 = tpu.sem_alloc : memref<!tpu.dma_semaphore, #tpu.memory_space<semaphore_mem>>
      %dma_start3A_76 = arith.constant 0 : i32
      %dma_start3A_77 = tpu.memref_slice %arg11[%add3A_30, %dma_start3A_76] : memref<10240x128xf32, #tpu.memory_space<vmem_shared>> -> memref<80x128xf32, #tpu.memory_space<vmem_shared>>
      %dma_start3A_78 = arith.constant 0 : i32
      %dma_start3A_79 = tpu.memref_slice %arg11[%add3A_30, %dma_start3A_78] : memref<10240x128xf32, #tpu.memory_space<vmem_shared>> -> memref<80x128xf32, #tpu.memory_space<vmem_shared>>
      tpu.enqueue_dma source(%arg9 : memref<80x128xf32, #tpu.memory_space<vmem>>) target(%dma_start3A_79 : memref<80x128xf32, #tpu.memory_space<vmem_shared>>) target_semaphore(%run_scoped3A_75 : memref<!tpu.dma_semaphore, #tpu.memory_space<semaphore_mem>>)
      %dma_wait3A_80 = arith.constant 0 : i32
      %dma_wait3A_81 = tpu.memref_slice %arg11[%add3A_30, %dma_wait3A_80] : memref<10240x128xf32, #tpu.memory_space<vmem_shared>> -> memref<80x128xf32, #tpu.memory_space<vmem_shared>>
      %dma_wait3A_82 = arith.constant 0 : i32
      %dma_wait3A_83 = tpu.memref_slice %arg11[%add3A_30, %dma_wait3A_82] : memref<10240x128xf32, #tpu.memory_space<vmem_shared>> -> memref<80x128xf32, #tpu.memory_space<vmem_shared>>
      tpu.wait_dma2 semaphore(%run_scoped3A_75 : memref<!tpu.dma_semaphore, #tpu.memory_space<semaphore_mem>>) src(%arg9 : memref<80x128xf32, #tpu.memory_space<vmem>>) dst(%dma_wait3A_83 : memref<80x128xf32, #tpu.memory_space<vmem_shared>>)
      tpu.yield
    }) : () -> ()
    %add3A_31 = arith.constant 480 : i32
    %add3A_32 = arith.addi %mul3A_2, %add3A_31 : i32
    "tpu.region"() ({
      %run_scoped3A_75 = tpu.sem_alloc : memref<!tpu.dma_semaphore, #tpu.memory_space<semaphore_mem>>
      %dma_start3A_76 = arith.constant 0 : i32
      %dma_start3A_77 = tpu.memref_slice %arg11[%add3A_32, %dma_start3A_76] : memref<10240x128xf32, #tpu.memory_space<vmem_shared>> -> memref<80x128xf32, #tpu.memory_space<vmem_shared>>
      %dma_start3A_78 = arith.constant 0 : i32
      %dma_start3A_79 = tpu.memref_slice %arg11[%add3A_32, %dma_start3A_78] : memref<10240x128xf32, #tpu.memory_space<vmem_shared>> -> memref<80x128xf32, #tpu.memory_space<vmem_shared>>
      tpu.enqueue_dma source(%arg9 : memref<80x128xf32, #tpu.memory_space<vmem>>) target(%dma_start3A_79 : memref<80x128xf32, #tpu.memory_space<vmem_shared>>) target_semaphore(%run_scoped3A_75 : memref<!tpu.dma_semaphore, #tpu.memory_space<semaphore_mem>>)
      %dma_wait3A_80 = arith.constant 0 : i32
      %dma_wait3A_81 = tpu.memref_slice %arg11[%add3A_32, %dma_wait3A_80] : memref<10240x128xf32, #tpu.memory_space<vmem_shared>> -> memref<80x128xf32, #tpu.memory_space<vmem_shared>>
      %dma_wait3A_82 = arith.constant 0 : i32
      %dma_wait3A_83 = tpu.memref_slice %arg11[%add3A_32, %dma_wait3A_82] : memref<10240x128xf32, #tpu.memory_space<vmem_shared>> -> memref<80x128xf32, #tpu.memory_space<vmem_shared>>
      tpu.wait_dma2 semaphore(%run_scoped3A_75 : memref<!tpu.dma_semaphore, #tpu.memory_space<semaphore_mem>>) src(%arg9 : memref<80x128xf32, #tpu.memory_space<vmem>>) dst(%dma_wait3A_83 : memref<80x128xf32, #tpu.memory_space<vmem_shared>>)
      tpu.yield
    }) : () -> ()
    %add3A_33 = arith.constant 560 : i32
    %add3A_34 = arith.addi %mul3A_2, %add3A_33 : i32
    "tpu.region"() ({
      %run_scoped3A_75 = tpu.sem_alloc : memref<!tpu.dma_semaphore, #tpu.memory_space<semaphore_mem>>
      %dma_start3A_76 = arith.constant 0 : i32
      %dma_start3A_77 = tpu.memref_slice %arg11[%add3A_34, %dma_start3A_76] : memref<10240x128xf32, #tpu.memory_space<vmem_shared>> -> memref<80x128xf32, #tpu.memory_space<vmem_shared>>
      %dma_start3A_78 = arith.constant 0 : i32
      %dma_start3A_79 = tpu.memref_slice %arg11[%add3A_34, %dma_start3A_78] : memref<10240x128xf32, #tpu.memory_space<vmem_shared>> -> memref<80x128xf32, #tpu.memory_space<vmem_shared>>
      tpu.enqueue_dma source(%arg9 : memref<80x128xf32, #tpu.memory_space<vmem>>) target(%dma_start3A_79 : memref<80x128xf32, #tpu.memory_space<vmem_shared>>) target_semaphore(%run_scoped3A_75 : memref<!tpu.dma_semaphore, #tpu.memory_space<semaphore_mem>>)
      %dma_wait3A_80 = arith.constant 0 : i32
      %dma_wait3A_81 = tpu.memref_slice %arg11[%add3A_34, %dma_wait3A_80] : memref<10240x128xf32, #tpu.memory_space<vmem_shared>> -> memref<80x128xf32, #tpu.memory_space<vmem_shared>>
      %dma_wait3A_82 = arith.constant 0 : i32
      %dma_wait3A_83 = tpu.memref_slice %arg11[%add3A_34, %dma_wait3A_82] : memref<10240x128xf32, #tpu.memory_space<vmem_shared>> -> memref<80x128xf32, #tpu.memory_space<vmem_shared>>
      tpu.wait_dma2 semaphore(%run_scoped3A_75 : memref<!tpu.dma_semaphore, #tpu.memory_space<semaphore_mem>>) src(%arg9 : memref<80x128xf32, #tpu.memory_space<vmem>>) dst(%dma_wait3A_83 : memref<80x128xf32, #tpu.memory_space<vmem_shared>>)
      tpu.yield
    }) : () -> ()
    %dma_wait3A = tpu.memref_slice %arg3[%mul3A_4] : memref<320000xi32, #tpu.memory_space<hbm>> -> memref<10000xi32, #tpu.memory_space<hbm>>
    %dma_wait3A_35 = tpu.memref_slice %arg3[%mul3A_4] : memref<320000xi32, #tpu.memory_space<hbm>> -> memref<10000xi32, #tpu.memory_space<hbm>>
    tpu.wait_dma2 semaphore(%arg12 : memref<!tpu.dma_semaphore, #tpu.memory_space<semaphore_mem>>) src(%dma_wait3A_35 : memref<10000xi32, #tpu.memory_space<hbm>>) dst(%arg7 : memref<10000xi32, #tpu.memory_space<vmem>>)
    %dma_wait3A_36 = arith.constant 0 : i32
    %dma_wait3A_37 = arith.constant 0 : i32
    %dma_wait3A_38 = tpu.memref_slice %arg4[%add3A, %dma_wait3A_36, %dma_wait3A_37] : memref<32x125x80xi32, #tpu.memory_space<hbm>> -> memref<1x125x80xi32, #tpu.memory_space<hbm>>
    %dma_wait3A_39 = tpu.memref_squeeze %dma_wait3A_38 : memref<1x125x80xi32, #tpu.memory_space<hbm>> -> memref<125x80xi32, #tpu.memory_space<hbm>>
    %dma_wait3A_40 = arith.constant 0 : i32
    %dma_wait3A_41 = arith.constant 0 : i32
    %dma_wait3A_42 = tpu.memref_slice %arg4[%add3A, %dma_wait3A_40, %dma_wait3A_41] : memref<32x125x80xi32, #tpu.memory_space<hbm>> -> memref<1x125x80xi32, #tpu.memory_space<hbm>>
    %dma_wait3A_43 = tpu.memref_squeeze %dma_wait3A_42 : memref<1x125x80xi32, #tpu.memory_space<hbm>> -> memref<125x80xi32, #tpu.memory_space<hbm>>
    tpu.wait_dma2 semaphore(%arg13 : memref<!tpu.dma_semaphore, #tpu.memory_space<semaphore_mem>>) src(%dma_wait3A_43 : memref<125x80xi32, #tpu.memory_space<hbm>>) dst(%arg8 : memref<125x80xi32, #tpu.memory_space<vmem>>)
    %multiple_of3A = arith.constant 0 : i32
    %multiple_of3A_44 = tpu.assume_multiple %multiple_of3A, 8 : i32
    %dma_start3A_45 = tpu.memref_slice %arg7[%multiple_of3A_44] : memref<10000xi32, #tpu.memory_space<vmem>> -> memref<80xi32, #tpu.memory_space<vmem>>
    %dma_start3A_46 = arith.constant 0 : i32
    %dma_start3A_47 = arith.constant 0 : i32
    %dma_start3A_48 = tpu.memref_slice %arg2[%dma_start3A_46, %dma_start3A_47] : memref<10240x128xf32, #tpu.memory_space<hbm>> -> memref<10240x128xf32, #tpu.memory_space<hbm>>
    tpu.enqueue_indirect_dma source(%dma_start3A_48 : memref<10240x128xf32, #tpu.memory_space<hbm>>) target(%arg9 : memref<80x128xf32, #tpu.memory_space<vmem>>) offsets(%dma_start3A_45 : memref<80xi32, #tpu.memory_space<vmem>>) semaphore(%arg12 : memref<!tpu.dma_semaphore, #tpu.memory_space<semaphore_mem>>)
    %multiple_of3A_49 = arith.constant 80 : i32
    %multiple_of3A_50 = tpu.assume_multiple %multiple_of3A_49, 8 : i32
    %dma_start3A_51 = tpu.memref_slice %arg7[%multiple_of3A_50] : memref<10000xi32, #tpu.memory_space<vmem>> -> memref<80xi32, #tpu.memory_space<vmem>>
    %dma_start3A_52 = arith.constant 0 : i32
    %dma_start3A_53 = arith.constant 0 : i32
    %dma_start3A_54 = tpu.memref_slice %arg2[%dma_start3A_52, %dma_start3A_53] : memref<10240x128xf32, #tpu.memory_space<hbm>> -> memref<10240x128xf32, #tpu.memory_space<hbm>>
    tpu.enqueue_indirect_dma source(%dma_start3A_54 : memref<10240x128xf32, #tpu.memory_space<hbm>>) target(%arg10 : memref<80x128xf32, #tpu.memory_space<vmem>>) offsets(%dma_start3A_51 : memref<80xi32, #tpu.memory_space<vmem>>) semaphore(%arg13 : memref<!tpu.dma_semaphore, #tpu.memory_space<semaphore_mem>>)
    %barrier3A = arith.constant 0 : index
    tpu.barrier barrier_id(%barrier3A)
    %scan3A_55 = arith.constant 0 : i32
    %scan3A_56 = arith.constant 0 : i32
    %scan3A_57 = arith.constant 62 : i32
    %scan3A_58 = arith.addi %scan3A_56, %scan3A_57 : i32
    %scan3A_59 = arith.constant 1 : i32
    scf.for %scan3A_75 = %scan3A_56 to %scan3A_58 step %scan3A_59  : i32 {
      %mul3A_76 = arith.constant 2 : i32
      %mul3A_77 = arith.muli %mul3A_76, %scan3A_75 : i32
      %add3A_78 = arith.constant 1 : i32
      %add3A_79 = arith.addi %mul3A_77, %add3A_78 : i32
      %mul3A_80 = arith.constant 80 : i32
      %mul3A_81 = arith.muli %mul3A_77, %mul3A_80 : i32
      %multiple_of3A_82 = tpu.assume_multiple %mul3A_81, 8 : i32
      %dma_wait3A_83 = tpu.memref_slice %arg7[%multiple_of3A_82] : memref<10000xi32, #tpu.memory_space<vmem>> -> memref<80xi32, #tpu.memory_space<vmem>>
      %dma_wait3A_84 = arith.constant 0 : i32
      %dma_wait3A_85 = arith.constant 0 : i32
      %dma_wait3A_86 = tpu.memref_slice %arg2[%dma_wait3A_84, %dma_wait3A_85] : memref<10240x128xf32, #tpu.memory_space<hbm>> -> memref<10240x128xf32, #tpu.memory_space<hbm>>
      tpu.wait_indirect_dma semaphore(%arg12 : memref<!tpu.dma_semaphore, #tpu.memory_space<semaphore_mem>>) src(%dma_wait3A_86 : memref<10240x128xf32, #tpu.memory_space<hbm>>) dst(%arg9 : memref<80x128xf32, #tpu.memory_space<vmem>>)
      "tpu.region"() ({
        %run_scoped3A_109 = tpu.sem_alloc : memref<!tpu.dma_semaphore, #tpu.memory_space<semaphore_mem>>
        %dma_start3A_110 = arith.constant 0 : i32
        %dma_start3A_111 = tpu.memref_slice %arg8[%mul3A_77, %dma_start3A_110] : memref<125x80xi32, #tpu.memory_space<vmem>> -> memref<1x80xi32, #tpu.memory_space<vmem>>
        %dma_start3A_112 = tpu.memref_squeeze %dma_start3A_111 : memref<1x80xi32, #tpu.memory_space<vmem>> -> memref<80xi32, #tpu.memory_space<vmem>>
        %dma_start3A_113 = arith.constant 0 : i32
        %dma_start3A_114 = arith.constant 0 : i32
        %dma_start3A_115 = tpu.memref_slice %arg11[%dma_start3A_113, %dma_start3A_114] : memref<10240x128xf32, #tpu.memory_space<vmem_shared>> -> memref<10240x128xf32, #tpu.memory_space<vmem_shared>>
        tpu.enqueue_indirect_dma source(%arg9 : memref<80x128xf32, #tpu.memory_space<vmem>>) target(%dma_start3A_115 : memref<10240x128xf32, #tpu.memory_space<vmem_shared>>) offsets(%dma_start3A_112 : memref<80xi32, #tpu.memory_space<vmem>>) semaphore(%run_scoped3A_109 : memref<!tpu.dma_semaphore, #tpu.memory_space<semaphore_mem>>) {add = true}
        %dma_wait3A_116 = arith.constant 0 : i32
        %dma_wait3A_117 = tpu.memref_slice %arg8[%mul3A_77, %dma_wait3A_116] : memref<125x80xi32, #tpu.memory_space<vmem>> -> memref<1x80xi32, #tpu.memory_space<vmem>>
        %dma_wait3A_118 = tpu.memref_squeeze %dma_wait3A_117 : memref<1x80xi32, #tpu.memory_space<vmem>> -> memref<80xi32, #tpu.memory_space<vmem>>
        %dma_wait3A_119 = arith.constant 0 : i32
        %dma_wait3A_120 = arith.constant 0 : i32
        %dma_wait3A_121 = tpu.memref_slice %arg11[%dma_wait3A_119, %dma_wait3A_120] : memref<10240x128xf32, #tpu.memory_space<vmem_shared>> -> memref<10240x128xf32, #tpu.memory_space<vmem_shared>>
        tpu.wait_indirect_dma semaphore(%run_scoped3A_109 : memref<!tpu.dma_semaphore, #tpu.memory_space<semaphore_mem>>) src(%arg9 : memref<80x128xf32, #tpu.memory_space<vmem>>) dst(%dma_wait3A_121 : memref<10240x128xf32, #tpu.memory_space<vmem_shared>>)
        tpu.yield
      }) : () -> ()
      %add3A_87 = arith.constant 2 : i32
      %add3A_88 = arith.addi %mul3A_77, %add3A_87 : i32
      %mul3A_89 = arith.constant 80 : i32
      %mul3A_90 = arith.muli %add3A_88, %mul3A_89 : i32
      %multiple_of3A_91 = tpu.assume_multiple %mul3A_90, 8 : i32
      %dma_start3A_92 = tpu.memref_slice %arg7[%multiple_of3A_91] : memref<10000xi32, #tpu.memory_space<vmem>> -> memref<80xi32, #tpu.memory_space<vmem>>
      %dma_start3A_93 = arith.constant 0 : i32
      %dma_start3A_94 = arith.constant 0 : i32
      %dma_start3A_95 = tpu.memref_slice %arg2[%dma_start3A_93, %dma_start3A_94] : memref<10240x128xf32, #tpu.memory_space<hbm>> -> memref<10240x128xf32, #tpu.memory_space<hbm>>
      tpu.enqueue_indirect_dma source(%dma_start3A_95 : memref<10240x128xf32, #tpu.memory_space<hbm>>) target(%arg9 : memref<80x128xf32, #tpu.memory_space<vmem>>) offsets(%dma_start3A_92 : memref<80xi32, #tpu.memory_space<vmem>>) semaphore(%arg12 : memref<!tpu.dma_semaphore, #tpu.memory_space<semaphore_mem>>)
      %mul3A_96 = arith.constant 80 : i32
      %mul3A_97 = arith.muli %add3A_79, %mul3A_96 : i32
      %multiple_of3A_98 = tpu.assume_multiple %mul3A_97, 8 : i32
      %dma_wait3A_99 = tpu.memref_slice %arg7[%multiple_of3A_98] : memref<10000xi32, #tpu.memory_space<vmem>> -> memref<80xi32, #tpu.memory_space<vmem>>
      %dma_wait3A_100 = arith.constant 0 : i32
      %dma_wait3A_101 = arith.constant 0 : i32
      %dma_wait3A_102 = tpu.memref_slice %arg2[%dma_wait3A_100, %dma_wait3A_101] : memref<10240x128xf32, #tpu.memory_space<hbm>> -> memref<10240x128xf32, #tpu.memory_space<hbm>>
      tpu.wait_indirect_dma semaphore(%arg13 : memref<!tpu.dma_semaphore, #tpu.memory_space<semaphore_mem>>) src(%dma_wait3A_102 : memref<10240x128xf32, #tpu.memory_space<hbm>>) dst(%arg10 : memref<80x128xf32, #tpu.memory_space<vmem>>)
      "tpu.region"() ({
        %run_scoped3A_109 = tpu.sem_alloc : memref<!tpu.dma_semaphore, #tpu.memory_space<semaphore_mem>>
        %dma_start3A_110 = arith.constant 0 : i32
        %dma_start3A_111 = tpu.memref_slice %arg8[%add3A_79, %dma_start3A_110] : memref<125x80xi32, #tpu.memory_space<vmem>> -> memref<1x80xi32, #tpu.memory_space<vmem>>
        %dma_start3A_112 = tpu.memref_squeeze %dma_start3A_111 : memref<1x80xi32, #tpu.memory_space<vmem>> -> memref<80xi32, #tpu.memory_space<vmem>>
        %dma_start3A_113 = arith.constant 0 : i32
        %dma_start3A_114 = arith.constant 0 : i32
        %dma_start3A_115 = tpu.memref_slice %arg11[%dma_start3A_113, %dma_start3A_114] : memref<10240x128xf32, #tpu.memory_space<vmem_shared>> -> memref<10240x128xf32, #tpu.memory_space<vmem_shared>>
        tpu.enqueue_indirect_dma source(%arg10 : memref<80x128xf32, #tpu.memory_space<vmem>>) target(%dma_start3A_115 : memref<10240x128xf32, #tpu.memory_space<vmem_shared>>) offsets(%dma_start3A_112 : memref<80xi32, #tpu.memory_space<vmem>>) semaphore(%run_scoped3A_109 : memref<!tpu.dma_semaphore, #tpu.memory_space<semaphore_mem>>) {add = true}
        %dma_wait3A_116 = arith.constant 0 : i32
        %dma_wait3A_117 = tpu.memref_slice %arg8[%add3A_79, %dma_wait3A_116] : memref<125x80xi32, #tpu.memory_space<vmem>> -> memref<1x80xi32, #tpu.memory_space<vmem>>
        %dma_wait3A_118 = tpu.memref_squeeze %dma_wait3A_117 : memref<1x80xi32, #tpu.memory_space<vmem>> -> memref<80xi32, #tpu.memory_space<vmem>>
        %dma_wait3A_119 = arith.constant 0 : i32
        %dma_wait3A_120 = arith.constant 0 : i32
        %dma_wait3A_121 = tpu.memref_slice %arg11[%dma_wait3A_119, %dma_wait3A_120] : memref<10240x128xf32, #tpu.memory_space<vmem_shared>> -> memref<10240x128xf32, #tpu.memory_space<vmem_shared>>
        tpu.wait_indirect_dma semaphore(%run_scoped3A_109 : memref<!tpu.dma_semaphore, #tpu.memory_space<semaphore_mem>>) src(%arg10 : memref<80x128xf32, #tpu.memory_space<vmem>>) dst(%dma_wait3A_121 : memref<10240x128xf32, #tpu.memory_space<vmem_shared>>)
        tpu.yield
      }) : () -> ()
      %add3A_103 = arith.constant 2 : i32
      %add3A_104 = arith.addi %add3A_79, %add3A_103 : i32
      %lt3A = arith.constant 125 : i32
      %lt3A_105 = arith.cmpi slt, %add3A_104, %lt3A : i32
      %convert_element_type3A_106 = arith.extui %lt3A_105 : i1 to i32
      %cond3A_107 = arith.constant 0 : i32
      %cond3A_108 = arith.cmpi ne, %convert_element_type3A_106, %cond3A_107 : i32
      scf.if %cond3A_108 {
        %add3A_109 = arith.constant 2 : i32
        %add3A_110 = arith.addi %add3A_79, %add3A_109 : i32
        %mul3A_111 = arith.constant 80 : i32
        %mul3A_112 = arith.muli %add3A_110, %mul3A_111 : i32
        %multiple_of3A_113 = tpu.assume_multiple %mul3A_112, 8 : i32
        %dma_start3A_114 = tpu.memref_slice %arg7[%multiple_of3A_113] : memref<10000xi32, #tpu.memory_space<vmem>> -> memref<80xi32, #tpu.memory_space<vmem>>
        %dma_start3A_115 = arith.constant 0 : i32
        %dma_start3A_116 = arith.constant 0 : i32
        %dma_start3A_117 = tpu.memref_slice %arg2[%dma_start3A_115, %dma_start3A_116] : memref<10240x128xf32, #tpu.memory_space<hbm>> -> memref<10240x128xf32, #tpu.memory_space<hbm>>
        tpu.enqueue_indirect_dma source(%dma_start3A_117 : memref<10240x128xf32, #tpu.memory_space<hbm>>) target(%arg10 : memref<80x128xf32, #tpu.memory_space<vmem>>) offsets(%dma_start3A_114 : memref<80xi32, #tpu.memory_space<vmem>>) semaphore(%arg13 : memref<!tpu.dma_semaphore, #tpu.memory_space<semaphore_mem>>)
      } else {
      }
    }
    %scan3A_60 = arith.constant 62 : i32
    %multiple_of3A_61 = arith.constant 9920 : i32
    %multiple_of3A_62 = tpu.assume_multiple %multiple_of3A_61, 8 : i32
    %dma_wait3A_63 = tpu.memref_slice %arg7[%multiple_of3A_62] : memref<10000xi32, #tpu.memory_space<vmem>> -> memref<80xi32, #tpu.memory_space<vmem>>
    %dma_wait3A_64 = arith.constant 0 : i32
    %dma_wait3A_65 = arith.constant 0 : i32
    %dma_wait3A_66 = tpu.memref_slice %arg2[%dma_wait3A_64, %dma_wait3A_65] : memref<10240x128xf32, #tpu.memory_space<hbm>> -> memref<10240x128xf32, #tpu.memory_space<hbm>>
    tpu.wait_indirect_dma semaphore(%arg12 : memref<!tpu.dma_semaphore, #tpu.memory_space<semaphore_mem>>) src(%dma_wait3A_66 : memref<10240x128xf32, #tpu.memory_space<hbm>>) dst(%arg9 : memref<80x128xf32, #tpu.memory_space<vmem>>)
    %run_scoped3A = arith.constant 124 : i32
    "tpu.region"() ({
      %run_scoped3A_75 = tpu.sem_alloc : memref<!tpu.dma_semaphore, #tpu.memory_space<semaphore_mem>>
      %dma_start3A_76 = arith.constant 0 : i32
      %dma_start3A_77 = tpu.memref_slice %arg8[%run_scoped3A, %dma_start3A_76] : memref<125x80xi32, #tpu.memory_space<vmem>> -> memref<1x80xi32, #tpu.memory_space<vmem>>
      %dma_start3A_78 = tpu.memref_squeeze %dma_start3A_77 : memref<1x80xi32, #tpu.memory_space<vmem>> -> memref<80xi32, #tpu.memory_space<vmem>>
      %dma_start3A_79 = arith.constant 0 : i32
      %dma_start3A_80 = arith.constant 0 : i32
      %dma_start3A_81 = tpu.memref_slice %arg11[%dma_start3A_79, %dma_start3A_80] : memref<10240x128xf32, #tpu.memory_space<vmem_shared>> -> memref<10240x128xf32, #tpu.memory_space<vmem_shared>>
      tpu.enqueue_indirect_dma source(%arg9 : memref<80x128xf32, #tpu.memory_space<vmem>>) target(%dma_start3A_81 : memref<10240x128xf32, #tpu.memory_space<vmem_shared>>) offsets(%dma_start3A_78 : memref<80xi32, #tpu.memory_space<vmem>>) semaphore(%run_scoped3A_75 : memref<!tpu.dma_semaphore, #tpu.memory_space<semaphore_mem>>) {add = true}
      %dma_wait3A_82 = arith.constant 0 : i32
      %dma_wait3A_83 = tpu.memref_slice %arg8[%run_scoped3A, %dma_wait3A_82] : memref<125x80xi32, #tpu.memory_space<vmem>> -> memref<1x80xi32, #tpu.memory_space<vmem>>
      %dma_wait3A_84 = tpu.memref_squeeze %dma_wait3A_83 : memref<1x80xi32, #tpu.memory_space<vmem>> -> memref<80xi32, #tpu.memory_space<vmem>>
      %dma_wait3A_85 = arith.constant 0 : i32
      %dma_wait3A_86 = arith.constant 0 : i32
      %dma_wait3A_87 = tpu.memref_slice %arg11[%dma_wait3A_85, %dma_wait3A_86] : memref<10240x128xf32, #tpu.memory_space<vmem_shared>> -> memref<10240x128xf32, #tpu.memory_space<vmem_shared>>
      tpu.wait_indirect_dma semaphore(%run_scoped3A_75 : memref<!tpu.dma_semaphore, #tpu.memory_space<semaphore_mem>>) src(%arg9 : memref<80x128xf32, #tpu.memory_space<vmem>>) dst(%dma_wait3A_87 : memref<10240x128xf32, #tpu.memory_space<vmem_shared>>)
      tpu.yield
    }) : () -> ()
    %barrier3A_67 = arith.constant 0 : index
    tpu.barrier barrier_id(%barrier3A_67)
    %eq3A = arith.constant 0 : i32
    %eq3A_68 = arith.cmpi eq, %arg0, %eq3A : i32
    %convert_element_type3A = arith.extui %eq3A_68 : i1 to i32
    %cond3A = arith.constant 0 : i32
    %cond3A_69 = arith.cmpi ne, %convert_element_type3A, %cond3A : i32
    scf.if %cond3A_69 {
      "tpu.region"() ({
        %run_scoped3A_75 = tpu.sem_alloc : memref<!tpu.dma_semaphore, #tpu.memory_space<semaphore_mem>>
        %dma_start3A_76 = arith.constant 0 : i32
        %dma_start3A_77 = tpu.memref_slice %arg5[%mul3A_2, %dma_start3A_76] : memref<10240x128xf32, #tpu.memory_space<hbm>> -> memref<640x128xf32, #tpu.memory_space<hbm>>
        %dma_start3A_78 = arith.constant 0 : i32
        %dma_start3A_79 = tpu.memref_slice %arg11[%mul3A_2, %dma_start3A_78] : memref<10240x128xf32, #tpu.memory_space<vmem_shared>> -> memref<640x128xf32, #tpu.memory_space<vmem_shared>>
        tpu.enqueue_dma source(%dma_start3A_79 : memref<640x128xf32, #tpu.memory_space<vmem_shared>>) target(%dma_start3A_77 : memref<640x128xf32, #tpu.memory_space<hbm>>) target_semaphore(%run_scoped3A_75 : memref<!tpu.dma_semaphore, #tpu.memory_space<semaphore_mem>>)
        %dma_wait3A_80 = arith.constant 0 : i32
        %dma_wait3A_81 = tpu.memref_slice %arg5[%mul3A_2, %dma_wait3A_80] : memref<10240x128xf32, #tpu.memory_space<hbm>> -> memref<640x128xf32, #tpu.memory_space<hbm>>
        %dma_wait3A_82 = arith.constant 0 : i32
        %dma_wait3A_83 = tpu.memref_slice %arg11[%mul3A_2, %dma_wait3A_82] : memref<10240x128xf32, #tpu.memory_space<vmem_shared>> -> memref<640x128xf32, #tpu.memory_space<vmem_shared>>
        tpu.wait_dma2 semaphore(%run_scoped3A_75 : memref<!tpu.dma_semaphore, #tpu.memory_space<semaphore_mem>>) src(%dma_wait3A_83 : memref<640x128xf32, #tpu.memory_space<vmem_shared>>) dst(%dma_wait3A_81 : memref<640x128xf32, #tpu.memory_space<hbm>>)
        tpu.yield
      }) : () -> ()
    } else {
    }
    %eq3A_70 = arith.constant 1 : i32
    %eq3A_71 = arith.cmpi eq, %arg0, %eq3A_70 : i32
    %convert_element_type3A_72 = arith.extui %eq3A_71 : i1 to i32
    %cond3A_73 = arith.constant 0 : i32
    %cond3A_74 = arith.cmpi ne, %convert_element_type3A_72, %cond3A_73 : i32
    scf.if %cond3A_74 {
      "tpu.region"() ({
        %run_scoped3A_75 = tpu.sem_alloc : memref<!tpu.dma_semaphore, #tpu.memory_space<semaphore_mem>>
        %dma_start3A_76 = arith.constant 0 : i32
        %dma_start3A_77 = tpu.memref_slice %arg6[%mul3A_2, %dma_start3A_76] : memref<10240x128xf32, #tpu.memory_space<hbm>> -> memref<640x128xf32, #tpu.memory_space<hbm>>
        %dma_start3A_78 = arith.constant 0 : i32
        %dma_start3A_79 = tpu.memref_slice %arg11[%mul3A_2, %dma_start3A_78] : memref<10240x128xf32, #tpu.memory_space<vmem_shared>> -> memref<640x128xf32, #tpu.memory_space<vmem_shared>>
        tpu.enqueue_dma source(%dma_start3A_79 : memref<640x128xf32, #tpu.memory_space<vmem_shared>>) target(%dma_start3A_77 : memref<640x128xf32, #tpu.memory_space<hbm>>) target_semaphore(%run_scoped3A_75 : memref<!tpu.dma_semaphore, #tpu.memory_space<semaphore_mem>>)
        %dma_wait3A_80 = arith.constant 0 : i32
        %dma_wait3A_81 = tpu.memref_slice %arg6[%mul3A_2, %dma_wait3A_80] : memref<10240x128xf32, #tpu.memory_space<hbm>> -> memref<640x128xf32, #tpu.memory_space<hbm>>
        %dma_wait3A_82 = arith.constant 0 : i32
        %dma_wait3A_83 = tpu.memref_slice %arg11[%mul3A_2, %dma_wait3A_82] : memref<10240x128xf32, #tpu.memory_space<vmem_shared>> -> memref<640x128xf32, #tpu.memory_space<vmem_shared>>
        tpu.wait_dma2 semaphore(%run_scoped3A_75 : memref<!tpu.dma_semaphore, #tpu.memory_space<semaphore_mem>>) src(%dma_wait3A_83 : memref<640x128xf32, #tpu.memory_space<vmem_shared>>) dst(%dma_wait3A_81 : memref<640x128xf32, #tpu.memory_space<hbm>>)
        tpu.yield
      }) : () -> ()
    } else {
    }
    return
  }
}

#map = affine_map<(d0, d1) -> (0, 0)>
#map1 = affine_map<(d0, d1) -> (0)>
#map2 = affine_map<(d0, d1) -> (0, 0, 0)>
module attributes {stable_mosaic.version = 14 : i64} {
  func.func @segsum(%arg0: i32, %arg1: i32, %arg2: memref<10240x128xf32, #tpu.memory_space<hbm>>, %arg3: memref<320000xi32, #tpu.memory_space<hbm>>, %arg4: memref<32x125x80xi32, #tpu.memory_space<hbm>>, %arg5: memref<10240x128xf32, #tpu.memory_space<hbm>>, %arg6: memref<10240x128xf32, #tpu.memory_space<hbm>>, %arg7: memref<10000xi32, #tpu.memory_space<vmem>>, %arg8: memref<125x80xi32, #tpu.memory_space<vmem>>, %arg9: memref<80x128xf32, #tpu.memory_space<vmem>>, %arg10: memref<80x128xf32, #tpu.memory_space<vmem>>, %arg11: memref<10240x128xf32, #tpu.memory_space<vmem_shared>>, %arg12: memref<!tpu.dma_semaphore, #tpu.memory_space<semaphore_mem>>, %arg13: memref<!tpu.dma_semaphore, #tpu.memory_space<semaphore_mem>>) attributes {dimension_semantics = [#tpu.dimension_semantics<core_parallel>, #tpu.dimension_semantics<subcore_parallel>], iteration_bounds = array<i64: 2, 16>, scalar_prefetch = 0 : i64, scratch_operands = 7 : i64, tpu.core_type = #tpu.core_type<sc_vector_subcore>, window_params = [{transform_indices = #map}, {transform_indices = #map1}, {transform_indices = #map2}, {transform_indices = #map}, {transform_indices = #map}]} {
    %mul3A = arith.constant 2 : i32
    %mul3A_0 = arith.muli %arg1, %mul3A : i32
    %add3A = arith.addi %mul3A_0, %arg0 : i32
    %mul3A_1 = arith.constant 640 : i32
    %mul3A_2 = arith.muli %arg1, %mul3A_1 : i32
    %mul3A_3 = arith.constant 10000 : i32
    %mul3A_4 = arith.muli %add3A, %mul3A_3 : i32
    %dma_start3A = tpu.memref_slice %arg3[%mul3A_4] : memref<320000xi32, #tpu.memory_space<hbm>> -> memref<10000xi32, #tpu.memory_space<hbm>>
    %dma_start3A_5 = tpu.memref_slice %arg3[%mul3A_4] : memref<320000xi32, #tpu.memory_space<hbm>> -> memref<10000xi32, #tpu.memory_space<hbm>>
    tpu.enqueue_dma source(%dma_start3A_5 : memref<10000xi32, #tpu.memory_space<hbm>>) target(%arg7 : memref<10000xi32, #tpu.memory_space<vmem>>) target_semaphore(%arg12 : memref<!tpu.dma_semaphore, #tpu.memory_space<semaphore_mem>>)
    %dma_start3A_6 = arith.constant 0 : i32
    %dma_start3A_7 = arith.constant 0 : i32
    %dma_start3A_8 = tpu.memref_slice %arg4[%add3A, %dma_start3A_6, %dma_start3A_7] : memref<32x125x80xi32, #tpu.memory_space<hbm>> -> memref<1x125x80xi32, #tpu.memory_space<hbm>>
    %dma_start3A_9 = tpu.memref_squeeze %dma_start3A_8 : memref<1x125x80xi32, #tpu.memory_space<hbm>> -> memref<125x80xi32, #tpu.memory_space<hbm>>
    %dma_start3A_10 = arith.constant 0 : i32
    %dma_start3A_11 = arith.constant 0 : i32
    %dma_start3A_12 = tpu.memref_slice %arg4[%add3A, %dma_start3A_10, %dma_start3A_11] : memref<32x125x80xi32, #tpu.memory_space<hbm>> -> memref<1x125x80xi32, #tpu.memory_space<hbm>>
    %dma_start3A_13 = tpu.memref_squeeze %dma_start3A_12 : memref<1x125x80xi32, #tpu.memory_space<hbm>> -> memref<125x80xi32, #tpu.memory_space<hbm>>
    tpu.enqueue_dma source(%dma_start3A_13 : memref<125x80xi32, #tpu.memory_space<hbm>>) target(%arg8 : memref<125x80xi32, #tpu.memory_space<vmem>>) target_semaphore(%arg13 : memref<!tpu.dma_semaphore, #tpu.memory_space<semaphore_mem>>)
    %scan3A = arith.constant 0 : i32
    %scan3A_14 = arith.constant 0 : i32
    %scan3A_15 = arith.constant 80 : i32
    %scan3A_16 = arith.addi %scan3A_14, %scan3A_15 : i32
    %scan3A_17 = arith.constant 1 : i32
    scf.for %scan3A_75 = %scan3A_14 to %scan3A_16 step %scan3A_17  : i32 {
      %broadcast_in_dim3A = arith.constant 0.000000e+00 : f32
      %broadcast_in_dim3A_76 = vector.broadcast %broadcast_in_dim3A : f32 to vector<16xf32>
      %swap3A = arith.index_cast %scan3A_75 : i32 to index
      %swap3A_77 = arith.constant 0 : index
      %swap3A_78 = tpu.vector_load %arg9[%swap3A, %swap3A_77] {strides = array<i32>} : memref<80x128xf32, #tpu.memory_space<vmem>>, vector<1x16xf32>,
      %swap3A_79 = vector.shape_cast %swap3A_78 : vector<1x16xf32> to vector<16xf32>
      %swap3A_80 = vector.shape_cast %broadcast_in_dim3A_76 : vector<16xf32> to vector<1x16xf32>
      tpu.vector_store %arg9[%swap3A, %swap3A_77], %swap3A_80 {strides = array<i32>} : memref<80x128xf32, #tpu.memory_space<vmem>>, vector<1x16xf32>,
      %broadcast_in_dim3A_81 = arith.constant 0.000000e+00 : f32
      %broadcast_in_dim3A_82 = vector.broadcast %broadcast_in_dim3A_81 : f32 to vector<16xf32>
      %swap3A_83 = arith.index_cast %scan3A_75 : i32 to index
      %swap3A_84 = arith.constant 16 : index
      %swap3A_85 = tpu.vector_load %arg9[%swap3A_83, %swap3A_84] {strides = array<i32>} : memref<80x128xf32, #tpu.memory_space<vmem>>, vector<1x16xf32>,
      %swap3A_86 = vector.shape_cast %swap3A_85 : vector<1x16xf32> to vector<16xf32>
      %swap3A_87 = vector.shape_cast %broadcast_in_dim3A_82 : vector<16xf32> to vector<1x16xf32>
      tpu.vector_store %arg9[%swap3A_83, %swap3A_84], %swap3A_87 {strides = array<i32>} : memref<80x128xf32, #tpu.memory_space<vmem>>, vector<1x16xf32>,
      %broadcast_in_dim3A_88 = arith.constant 0.000000e+00 : f32
      %broadcast_in_dim3A_89 = vector.broadcast %broadcast_in_dim3A_88 : f32 to vector<16xf32>
      %swap3A_90 = arith.index_cast %scan3A_75 : i32 to index
      %swap3A_91 = arith.constant 32 : index
      %swap3A_92 = tpu.vector_load %arg9[%swap3A_90, %swap3A_91] {strides = array<i32>} : memref<80x128xf32, #tpu.memory_space<vmem>>, vector<1x16xf32>,
      %swap3A_93 = vector.shape_cast %swap3A_92 : vector<1x16xf32> to vector<16xf32>
      %swap3A_94 = vector.shape_cast %broadcast_in_dim3A_89 : vector<16xf32> to vector<1x16xf32>
      tpu.vector_store %arg9[%swap3A_90, %swap3A_91], %swap3A_94 {strides = array<i32>} : memref<80x128xf32, #tpu.memory_space<vmem>>, vector<1x16xf32>,
      %broadcast_in_dim3A_95 = arith.constant 0.000000e+00 : f32
      %broadcast_in_dim3A_96 = vector.broadcast %broadcast_in_dim3A_95 : f32 to vector<16xf32>
      %swap3A_97 = arith.index_cast %scan3A_75 : i32 to index
      %swap3A_98 = arith.constant 48 : index
      %swap3A_99 = tpu.vector_load %arg9[%swap3A_97, %swap3A_98] {strides = array<i32>} : memref<80x128xf32, #tpu.memory_space<vmem>>, vector<1x16xf32>,
      %swap3A_100 = vector.shape_cast %swap3A_99 : vector<1x16xf32> to vector<16xf32>
      %swap3A_101 = vector.shape_cast %broadcast_in_dim3A_96 : vector<16xf32> to vector<1x16xf32>
      tpu.vector_store %arg9[%swap3A_97, %swap3A_98], %swap3A_101 {strides = array<i32>} : memref<80x128xf32, #tpu.memory_space<vmem>>, vector<1x16xf32>,
      %broadcast_in_dim3A_102 = arith.constant 0.000000e+00 : f32
      %broadcast_in_dim3A_103 = vector.broadcast %broadcast_in_dim3A_102 : f32 to vector<16xf32>
      %swap3A_104 = arith.index_cast %scan3A_75 : i32 to index
      %swap3A_105 = arith.constant 64 : index
      %swap3A_106 = tpu.vector_load %arg9[%swap3A_104, %swap3A_105] {strides = array<i32>} : memref<80x128xf32, #tpu.memory_space<vmem>>, vector<1x16xf32>,
      %swap3A_107 = vector.shape_cast %swap3A_106 : vector<1x16xf32> to vector<16xf32>
      %swap3A_108 = vector.shape_cast %broadcast_in_dim3A_103 : vector<16xf32> to vector<1x16xf32>
      tpu.vector_store %arg9[%swap3A_104, %swap3A_105], %swap3A_108 {strides = array<i32>} : memref<80x128xf32, #tpu.memory_space<vmem>>, vector<1x16xf32>,
      %broadcast_in_dim3A_109 = arith.constant 0.000000e+00 : f32
      %broadcast_in_dim3A_110 = vector.broadcast %broadcast_in_dim3A_109 : f32 to vector<16xf32>
      %swap3A_111 = arith.index_cast %scan3A_75 : i32 to index
      %swap3A_112 = arith.constant 80 : index
      %swap3A_113 = tpu.vector_load %arg9[%swap3A_111, %swap3A_112] {strides = array<i32>} : memref<80x128xf32, #tpu.memory_space<vmem>>, vector<1x16xf32>,
      %swap3A_114 = vector.shape_cast %swap3A_113 : vector<1x16xf32> to vector<16xf32>
      %swap3A_115 = vector.shape_cast %broadcast_in_dim3A_110 : vector<16xf32> to vector<1x16xf32>
      tpu.vector_store %arg9[%swap3A_111, %swap3A_112], %swap3A_115 {strides = array<i32>} : memref<80x128xf32, #tpu.memory_space<vmem>>, vector<1x16xf32>,
      %broadcast_in_dim3A_116 = arith.constant 0.000000e+00 : f32
      %broadcast_in_dim3A_117 = vector.broadcast %broadcast_in_dim3A_116 : f32 to vector<16xf32>
      %swap3A_118 = arith.index_cast %scan3A_75 : i32 to index
      %swap3A_119 = arith.constant 96 : index
      %swap3A_120 = tpu.vector_load %arg9[%swap3A_118, %swap3A_119] {strides = array<i32>} : memref<80x128xf32, #tpu.memory_space<vmem>>, vector<1x16xf32>,
      %swap3A_121 = vector.shape_cast %swap3A_120 : vector<1x16xf32> to vector<16xf32>
      %swap3A_122 = vector.shape_cast %broadcast_in_dim3A_117 : vector<16xf32> to vector<1x16xf32>
      tpu.vector_store %arg9[%swap3A_118, %swap3A_119], %swap3A_122 {strides = array<i32>} : memref<80x128xf32, #tpu.memory_space<vmem>>, vector<1x16xf32>,
      %broadcast_in_dim3A_123 = arith.constant 0.000000e+00 : f32
      %broadcast_in_dim3A_124 = vector.broadcast %broadcast_in_dim3A_123 : f32 to vector<16xf32>
      %swap3A_125 = arith.index_cast %scan3A_75 : i32 to index
      %swap3A_126 = arith.constant 112 : index
      %swap3A_127 = tpu.vector_load %arg9[%swap3A_125, %swap3A_126] {strides = array<i32>} : memref<80x128xf32, #tpu.memory_space<vmem>>, vector<1x16xf32>,
      %swap3A_128 = vector.shape_cast %swap3A_127 : vector<1x16xf32> to vector<16xf32>
      %swap3A_129 = vector.shape_cast %broadcast_in_dim3A_124 : vector<16xf32> to vector<1x16xf32>
      tpu.vector_store %arg9[%swap3A_125, %swap3A_126], %swap3A_129 {strides = array<i32>} : memref<80x128xf32, #tpu.memory_space<vmem>>, vector<1x16xf32>,
    }
    %scan3A_18 = arith.constant 80 : i32
    %add3A_19 = arith.constant 0 : i32
    %add3A_20 = arith.addi %mul3A_2, %add3A_19 : i32
    "tpu.region"() ({
      %run_scoped3A_75 = tpu.sem_alloc : memref<!tpu.dma_semaphore, #tpu.memory_space<semaphore_mem>>
      %dma_start3A_76 = arith.constant 0 : i32
      %dma_start3A_77 = tpu.memref_slice %arg11[%add3A_20, %dma_start3A_76] : memref<10240x128xf32, #tpu.memory_space<vmem_shared>> -> memref<80x128xf32, #tpu.memory_space<vmem_shared>>
      %dma_start3A_78 = arith.constant 0 : i32
      %dma_start3A_79 = tpu.memref_slice %arg11[%add3A_20, %dma_start3A_78] : memref<10240x128xf32, #tpu.memory_space<vmem_shared>> -> memref<80x128xf32, #tpu.memory_space<vmem_shared>>
      tpu.enqueue_dma source(%arg9 : memref<80x128xf32, #tpu.memory_space<vmem>>) target(%dma_start3A_79 : memref<80x128xf32, #tpu.memory_space<vmem_shared>>) target_semaphore(%run_scoped3A_75 : memref<!tpu.dma_semaphore, #tpu.memory_space<semaphore_mem>>)
      %dma_wait3A_80 = arith.constant 0 : i32
      %dma_wait3A_81 = tpu.memref_slice %arg11[%add3A_20, %dma_wait3A_80] : memref<10240x128xf32, #tpu.memory_space<vmem_shared>> -> memref<80x128xf32, #tpu.memory_space<vmem_shared>>
      %dma_wait3A_82 = arith.constant 0 : i32
      %dma_wait3A_83 = tpu.memref_slice %arg11[%add3A_20, %dma_wait3A_82] : memref<10240x128xf32, #tpu.memory_space<vmem_shared>> -> memref<80x128xf32, #tpu.memory_space<vmem_shared>>
      tpu.wait_dma2 semaphore(%run_scoped3A_75 : memref<!tpu.dma_semaphore, #tpu.memory_space<semaphore_mem>>) src(%arg9 : memref<80x128xf32, #tpu.memory_space<vmem>>) dst(%dma_wait3A_83 : memref<80x128xf32, #tpu.memory_space<vmem_shared>>)
      tpu.yield
    }) : () -> ()
    %add3A_21 = arith.constant 80 : i32
    %add3A_22 = arith.addi %mul3A_2, %add3A_21 : i32
    "tpu.region"() ({
      %run_scoped3A_75 = tpu.sem_alloc : memref<!tpu.dma_semaphore, #tpu.memory_space<semaphore_mem>>
      %dma_start3A_76 = arith.constant 0 : i32
      %dma_start3A_77 = tpu.memref_slice %arg11[%add3A_22, %dma_start3A_76] : memref<10240x128xf32, #tpu.memory_space<vmem_shared>> -> memref<80x128xf32, #tpu.memory_space<vmem_shared>>
      %dma_start3A_78 = arith.constant 0 : i32
      %dma_start3A_79 = tpu.memref_slice %arg11[%add3A_22, %dma_start3A_78] : memref<10240x128xf32, #tpu.memory_space<vmem_shared>> -> memref<80x128xf32, #tpu.memory_space<vmem_shared>>
      tpu.enqueue_dma source(%arg9 : memref<80x128xf32, #tpu.memory_space<vmem>>) target(%dma_start3A_79 : memref<80x128xf32, #tpu.memory_space<vmem_shared>>) target_semaphore(%run_scoped3A_75 : memref<!tpu.dma_semaphore, #tpu.memory_space<semaphore_mem>>)
      %dma_wait3A_80 = arith.constant 0 : i32
      %dma_wait3A_81 = tpu.memref_slice %arg11[%add3A_22, %dma_wait3A_80] : memref<10240x128xf32, #tpu.memory_space<vmem_shared>> -> memref<80x128xf32, #tpu.memory_space<vmem_shared>>
      %dma_wait3A_82 = arith.constant 0 : i32
      %dma_wait3A_83 = tpu.memref_slice %arg11[%add3A_22, %dma_wait3A_82] : memref<10240x128xf32, #tpu.memory_space<vmem_shared>> -> memref<80x128xf32, #tpu.memory_space<vmem_shared>>
      tpu.wait_dma2 semaphore(%run_scoped3A_75 : memref<!tpu.dma_semaphore, #tpu.memory_space<semaphore_mem>>) src(%arg9 : memref<80x128xf32, #tpu.memory_space<vmem>>) dst(%dma_wait3A_83 : memref<80x128xf32, #tpu.memory_space<vmem_shared>>)
      tpu.yield
    }) : () -> ()
    %add3A_23 = arith.constant 160 : i32
    %add3A_24 = arith.addi %mul3A_2, %add3A_23 : i32
    "tpu.region"() ({
      %run_scoped3A_75 = tpu.sem_alloc : memref<!tpu.dma_semaphore, #tpu.memory_space<semaphore_mem>>
      %dma_start3A_76 = arith.constant 0 : i32
      %dma_start3A_77 = tpu.memref_slice %arg11[%add3A_24, %dma_start3A_76] : memref<10240x128xf32, #tpu.memory_space<vmem_shared>> -> memref<80x128xf32, #tpu.memory_space<vmem_shared>>
      %dma_start3A_78 = arith.constant 0 : i32
      %dma_start3A_79 = tpu.memref_slice %arg11[%add3A_24, %dma_start3A_78] : memref<10240x128xf32, #tpu.memory_space<vmem_shared>> -> memref<80x128xf32, #tpu.memory_space<vmem_shared>>
      tpu.enqueue_dma source(%arg9 : memref<80x128xf32, #tpu.memory_space<vmem>>) target(%dma_start3A_79 : memref<80x128xf32, #tpu.memory_space<vmem_shared>>) target_semaphore(%run_scoped3A_75 : memref<!tpu.dma_semaphore, #tpu.memory_space<semaphore_mem>>)
      %dma_wait3A_80 = arith.constant 0 : i32
      %dma_wait3A_81 = tpu.memref_slice %arg11[%add3A_24, %dma_wait3A_80] : memref<10240x128xf32, #tpu.memory_space<vmem_shared>> -> memref<80x128xf32, #tpu.memory_space<vmem_shared>>
      %dma_wait3A_82 = arith.constant 0 : i32
      %dma_wait3A_83 = tpu.memref_slice %arg11[%add3A_24, %dma_wait3A_82] : memref<10240x128xf32, #tpu.memory_space<vmem_shared>> -> memref<80x128xf32, #tpu.memory_space<vmem_shared>>
      tpu.wait_dma2 semaphore(%run_scoped3A_75 : memref<!tpu.dma_semaphore, #tpu.memory_space<semaphore_mem>>) src(%arg9 : memref<80x128xf32, #tpu.memory_space<vmem>>) dst(%dma_wait3A_83 : memref<80x128xf32, #tpu.memory_space<vmem_shared>>)
      tpu.yield
    }) : () -> ()
    %add3A_25 = arith.constant 240 : i32
    %add3A_26 = arith.addi %mul3A_2, %add3A_25 : i32
    "tpu.region"() ({
      %run_scoped3A_75 = tpu.sem_alloc : memref<!tpu.dma_semaphore, #tpu.memory_space<semaphore_mem>>
      %dma_start3A_76 = arith.constant 0 : i32
      %dma_start3A_77 = tpu.memref_slice %arg11[%add3A_26, %dma_start3A_76] : memref<10240x128xf32, #tpu.memory_space<vmem_shared>> -> memref<80x128xf32, #tpu.memory_space<vmem_shared>>
      %dma_start3A_78 = arith.constant 0 : i32
      %dma_start3A_79 = tpu.memref_slice %arg11[%add3A_26, %dma_start3A_78] : memref<10240x128xf32, #tpu.memory_space<vmem_shared>> -> memref<80x128xf32, #tpu.memory_space<vmem_shared>>
      tpu.enqueue_dma source(%arg9 : memref<80x128xf32, #tpu.memory_space<vmem>>) target(%dma_start3A_79 : memref<80x128xf32, #tpu.memory_space<vmem_shared>>) target_semaphore(%run_scoped3A_75 : memref<!tpu.dma_semaphore, #tpu.memory_space<semaphore_mem>>)
      %dma_wait3A_80 = arith.constant 0 : i32
      %dma_wait3A_81 = tpu.memref_slice %arg11[%add3A_26, %dma_wait3A_80] : memref<10240x128xf32, #tpu.memory_space<vmem_shared>> -> memref<80x128xf32, #tpu.memory_space<vmem_shared>>
      %dma_wait3A_82 = arith.constant 0 : i32
      %dma_wait3A_83 = tpu.memref_slice %arg11[%add3A_26, %dma_wait3A_82] : memref<10240x128xf32, #tpu.memory_space<vmem_shared>> -> memref<80x128xf32, #tpu.memory_space<vmem_shared>>
      tpu.wait_dma2 semaphore(%run_scoped3A_75 : memref<!tpu.dma_semaphore, #tpu.memory_space<semaphore_mem>>) src(%arg9 : memref<80x128xf32, #tpu.memory_space<vmem>>) dst(%dma_wait3A_83 : memref<80x128xf32, #tpu.memory_space<vmem_shared>>)
      tpu.yield
    }) : () -> ()
    %add3A_27 = arith.constant 320 : i32
    %add3A_28 = arith.addi %mul3A_2, %add3A_27 : i32
    "tpu.region"() ({
      %run_scoped3A_75 = tpu.sem_alloc : memref<!tpu.dma_semaphore, #tpu.memory_space<semaphore_mem>>
      %dma_start3A_76 = arith.constant 0 : i32
      %dma_start3A_77 = tpu.memref_slice %arg11[%add3A_28, %dma_start3A_76] : memref<10240x128xf32, #tpu.memory_space<vmem_shared>> -> memref<80x128xf32, #tpu.memory_space<vmem_shared>>
      %dma_start3A_78 = arith.constant 0 : i32
      %dma_start3A_79 = tpu.memref_slice %arg11[%add3A_28, %dma_start3A_78] : memref<10240x128xf32, #tpu.memory_space<vmem_shared>> -> memref<80x128xf32, #tpu.memory_space<vmem_shared>>
      tpu.enqueue_dma source(%arg9 : memref<80x128xf32, #tpu.memory_space<vmem>>) target(%dma_start3A_79 : memref<80x128xf32, #tpu.memory_space<vmem_shared>>) target_semaphore(%run_scoped3A_75 : memref<!tpu.dma_semaphore, #tpu.memory_space<semaphore_mem>>)
      %dma_wait3A_80 = arith.constant 0 : i32
      %dma_wait3A_81 = tpu.memref_slice %arg11[%add3A_28, %dma_wait3A_80] : memref<10240x128xf32, #tpu.memory_space<vmem_shared>> -> memref<80x128xf32, #tpu.memory_space<vmem_shared>>
      %dma_wait3A_82 = arith.constant 0 : i32
      %dma_wait3A_83 = tpu.memref_slice %arg11[%add3A_28, %dma_wait3A_82] : memref<10240x128xf32, #tpu.memory_space<vmem_shared>> -> memref<80x128xf32, #tpu.memory_space<vmem_shared>>
      tpu.wait_dma2 semaphore(%run_scoped3A_75 : memref<!tpu.dma_semaphore, #tpu.memory_space<semaphore_mem>>) src(%arg9 : memref<80x128xf32, #tpu.memory_space<vmem>>) dst(%dma_wait3A_83 : memref<80x128xf32, #tpu.memory_space<vmem_shared>>)
      tpu.yield
    }) : () -> ()
    %add3A_29 = arith.constant 400 : i32
    %add3A_30 = arith.addi %mul3A_2, %add3A_29 : i32
    "tpu.region"() ({
      %run_scoped3A_75 = tpu.sem_alloc : memref<!tpu.dma_semaphore, #tpu.memory_space<semaphore_mem>>
      %dma_start3A_76 = arith.constant 0 : i32
      %dma_start3A_77 = tpu.memref_slice %arg11[%add3A_30, %dma_start3A_76] : memref<10240x128xf32, #tpu.memory_space<vmem_shared>> -> memref<80x128xf32, #tpu.memory_space<vmem_shared>>
      %dma_start3A_78 = arith.constant 0 : i32
      %dma_start3A_79 = tpu.memref_slice %arg11[%add3A_30, %dma_start3A_78] : memref<10240x128xf32, #tpu.memory_space<vmem_shared>> -> memref<80x128xf32, #tpu.memory_space<vmem_shared>>
      tpu.enqueue_dma source(%arg9 : memref<80x128xf32, #tpu.memory_space<vmem>>) target(%dma_start3A_79 : memref<80x128xf32, #tpu.memory_space<vmem_shared>>) target_semaphore(%run_scoped3A_75 : memref<!tpu.dma_semaphore, #tpu.memory_space<semaphore_mem>>)
      %dma_wait3A_80 = arith.constant 0 : i32
      %dma_wait3A_81 = tpu.memref_slice %arg11[%add3A_30, %dma_wait3A_80] : memref<10240x128xf32, #tpu.memory_space<vmem_shared>> -> memref<80x128xf32, #tpu.memory_space<vmem_shared>>
      %dma_wait3A_82 = arith.constant 0 : i32
      %dma_wait3A_83 = tpu.memref_slice %arg11[%add3A_30, %dma_wait3A_82] : memref<10240x128xf32, #tpu.memory_space<vmem_shared>> -> memref<80x128xf32, #tpu.memory_space<vmem_shared>>
      tpu.wait_dma2 semaphore(%run_scoped3A_75 : memref<!tpu.dma_semaphore, #tpu.memory_space<semaphore_mem>>) src(%arg9 : memref<80x128xf32, #tpu.memory_space<vmem>>) dst(%dma_wait3A_83 : memref<80x128xf32, #tpu.memory_space<vmem_shared>>)
      tpu.yield
    }) : () -> ()
    %add3A_31 = arith.constant 480 : i32
    %add3A_32 = arith.addi %mul3A_2, %add3A_31 : i32
    "tpu.region"() ({
      %run_scoped3A_75 = tpu.sem_alloc : memref<!tpu.dma_semaphore, #tpu.memory_space<semaphore_mem>>
      %dma_start3A_76 = arith.constant 0 : i32
      %dma_start3A_77 = tpu.memref_slice %arg11[%add3A_32, %dma_start3A_76] : memref<10240x128xf32, #tpu.memory_space<vmem_shared>> -> memref<80x128xf32, #tpu.memory_space<vmem_shared>>
      %dma_start3A_78 = arith.constant 0 : i32
      %dma_start3A_79 = tpu.memref_slice %arg11[%add3A_32, %dma_start3A_78] : memref<10240x128xf32, #tpu.memory_space<vmem_shared>> -> memref<80x128xf32, #tpu.memory_space<vmem_shared>>
      tpu.enqueue_dma source(%arg9 : memref<80x128xf32, #tpu.memory_space<vmem>>) target(%dma_start3A_79 : memref<80x128xf32, #tpu.memory_space<vmem_shared>>) target_semaphore(%run_scoped3A_75 : memref<!tpu.dma_semaphore, #tpu.memory_space<semaphore_mem>>)
      %dma_wait3A_80 = arith.constant 0 : i32
      %dma_wait3A_81 = tpu.memref_slice %arg11[%add3A_32, %dma_wait3A_80] : memref<10240x128xf32, #tpu.memory_space<vmem_shared>> -> memref<80x128xf32, #tpu.memory_space<vmem_shared>>
      %dma_wait3A_82 = arith.constant 0 : i32
      %dma_wait3A_83 = tpu.memref_slice %arg11[%add3A_32, %dma_wait3A_82] : memref<10240x128xf32, #tpu.memory_space<vmem_shared>> -> memref<80x128xf32, #tpu.memory_space<vmem_shared>>
      tpu.wait_dma2 semaphore(%run_scoped3A_75 : memref<!tpu.dma_semaphore, #tpu.memory_space<semaphore_mem>>) src(%arg9 : memref<80x128xf32, #tpu.memory_space<vmem>>) dst(%dma_wait3A_83 : memref<80x128xf32, #tpu.memory_space<vmem_shared>>)
      tpu.yield
    }) : () -> ()
    %add3A_33 = arith.constant 560 : i32
    %add3A_34 = arith.addi %mul3A_2, %add3A_33 : i32
    "tpu.region"() ({
      %run_scoped3A_75 = tpu.sem_alloc : memref<!tpu.dma_semaphore, #tpu.memory_space<semaphore_mem>>
      %dma_start3A_76 = arith.constant 0 : i32
      %dma_start3A_77 = tpu.memref_slice %arg11[%add3A_34, %dma_start3A_76] : memref<10240x128xf32, #tpu.memory_space<vmem_shared>> -> memref<80x128xf32, #tpu.memory_space<vmem_shared>>
      %dma_start3A_78 = arith.constant 0 : i32
      %dma_start3A_79 = tpu.memref_slice %arg11[%add3A_34, %dma_start3A_78] : memref<10240x128xf32, #tpu.memory_space<vmem_shared>> -> memref<80x128xf32, #tpu.memory_space<vmem_shared>>
      tpu.enqueue_dma source(%arg9 : memref<80x128xf32, #tpu.memory_space<vmem>>) target(%dma_start3A_79 : memref<80x128xf32, #tpu.memory_space<vmem_shared>>) target_semaphore(%run_scoped3A_75 : memref<!tpu.dma_semaphore, #tpu.memory_space<semaphore_mem>>)
      %dma_wait3A_80 = arith.constant 0 : i32
      %dma_wait3A_81 = tpu.memref_slice %arg11[%add3A_34, %dma_wait3A_80] : memref<10240x128xf32, #tpu.memory_space<vmem_shared>> -> memref<80x128xf32, #tpu.memory_space<vmem_shared>>
      %dma_wait3A_82 = arith.constant 0 : i32
      %dma_wait3A_83 = tpu.memref_slice %arg11[%add3A_34, %dma_wait3A_82] : memref<10240x128xf32, #tpu.memory_space<vmem_shared>> -> memref<80x128xf32, #tpu.memory_space<vmem_shared>>
      tpu.wait_dma2 semaphore(%run_scoped3A_75 : memref<!tpu.dma_semaphore, #tpu.memory_space<semaphore_mem>>) src(%arg9 : memref<80x128xf32, #tpu.memory_space<vmem>>) dst(%dma_wait3A_83 : memref<80x128xf32, #tpu.memory_space<vmem_shared>>)
      tpu.yield
    }) : () -> ()
    %dma_wait3A = tpu.memref_slice %arg3[%mul3A_4] : memref<320000xi32, #tpu.memory_space<hbm>> -> memref<10000xi32, #tpu.memory_space<hbm>>
    %dma_wait3A_35 = tpu.memref_slice %arg3[%mul3A_4] : memref<320000xi32, #tpu.memory_space<hbm>> -> memref<10000xi32, #tpu.memory_space<hbm>>
    tpu.wait_dma2 semaphore(%arg12 : memref<!tpu.dma_semaphore, #tpu.memory_space<semaphore_mem>>) src(%dma_wait3A_35 : memref<10000xi32, #tpu.memory_space<hbm>>) dst(%arg7 : memref<10000xi32, #tpu.memory_space<vmem>>)
    %dma_wait3A_36 = arith.constant 0 : i32
    %dma_wait3A_37 = arith.constant 0 : i32
    %dma_wait3A_38 = tpu.memref_slice %arg4[%add3A, %dma_wait3A_36, %dma_wait3A_37] : memref<32x125x80xi32, #tpu.memory_space<hbm>> -> memref<1x125x80xi32, #tpu.memory_space<hbm>>
    %dma_wait3A_39 = tpu.memref_squeeze %dma_wait3A_38 : memref<1x125x80xi32, #tpu.memory_space<hbm>> -> memref<125x80xi32, #tpu.memory_space<hbm>>
    %dma_wait3A_40 = arith.constant 0 : i32
    %dma_wait3A_41 = arith.constant 0 : i32
    %dma_wait3A_42 = tpu.memref_slice %arg4[%add3A, %dma_wait3A_40, %dma_wait3A_41] : memref<32x125x80xi32, #tpu.memory_space<hbm>> -> memref<1x125x80xi32, #tpu.memory_space<hbm>>
    %dma_wait3A_43 = tpu.memref_squeeze %dma_wait3A_42 : memref<1x125x80xi32, #tpu.memory_space<hbm>> -> memref<125x80xi32, #tpu.memory_space<hbm>>
    tpu.wait_dma2 semaphore(%arg13 : memref<!tpu.dma_semaphore, #tpu.memory_space<semaphore_mem>>) src(%dma_wait3A_43 : memref<125x80xi32, #tpu.memory_space<hbm>>) dst(%arg8 : memref<125x80xi32, #tpu.memory_space<vmem>>)
    %multiple_of3A = arith.constant 0 : i32
    %multiple_of3A_44 = tpu.assume_multiple %multiple_of3A, 8 : i32
    %dma_start3A_45 = tpu.memref_slice %arg7[%multiple_of3A_44] : memref<10000xi32, #tpu.memory_space<vmem>> -> memref<80xi32, #tpu.memory_space<vmem>>
    %dma_start3A_46 = arith.constant 0 : i32
    %dma_start3A_47 = arith.constant 0 : i32
    %dma_start3A_48 = tpu.memref_slice %arg2[%dma_start3A_46, %dma_start3A_47] : memref<10240x128xf32, #tpu.memory_space<hbm>> -> memref<10240x128xf32, #tpu.memory_space<hbm>>
    tpu.enqueue_indirect_dma source(%dma_start3A_48 : memref<10240x128xf32, #tpu.memory_space<hbm>>) target(%arg9 : memref<80x128xf32, #tpu.memory_space<vmem>>) offsets(%dma_start3A_45 : memref<80xi32, #tpu.memory_space<vmem>>) semaphore(%arg12 : memref<!tpu.dma_semaphore, #tpu.memory_space<semaphore_mem>>)
    %multiple_of3A_49 = arith.constant 80 : i32
    %multiple_of3A_50 = tpu.assume_multiple %multiple_of3A_49, 8 : i32
    %dma_start3A_51 = tpu.memref_slice %arg7[%multiple_of3A_50] : memref<10000xi32, #tpu.memory_space<vmem>> -> memref<80xi32, #tpu.memory_space<vmem>>
    %dma_start3A_52 = arith.constant 0 : i32
    %dma_start3A_53 = arith.constant 0 : i32
    %dma_start3A_54 = tpu.memref_slice %arg2[%dma_start3A_52, %dma_start3A_53] : memref<10240x128xf32, #tpu.memory_space<hbm>> -> memref<10240x128xf32, #tpu.memory_space<hbm>>
    tpu.enqueue_indirect_dma source(%dma_start3A_54 : memref<10240x128xf32, #tpu.memory_space<hbm>>) target(%arg10 : memref<80x128xf32, #tpu.memory_space<vmem>>) offsets(%dma_start3A_51 : memref<80xi32, #tpu.memory_space<vmem>>) semaphore(%arg13 : memref<!tpu.dma_semaphore, #tpu.memory_space<semaphore_mem>>)
    %barrier3A = arith.constant 0 : index
    tpu.barrier barrier_id(%barrier3A)
    %scan3A_55 = arith.constant 0 : i32
    %scan3A_56 = arith.constant 0 : i32
    %scan3A_57 = arith.constant 62 : i32
    %scan3A_58 = arith.addi %scan3A_56, %scan3A_57 : i32
    %scan3A_59 = arith.constant 1 : i32
    scf.for %scan3A_75 = %scan3A_56 to %scan3A_58 step %scan3A_59  : i32 {
      %mul3A_76 = arith.constant 2 : i32
      %mul3A_77 = arith.muli %mul3A_76, %scan3A_75 : i32
      %add3A_78 = arith.constant 1 : i32
      %add3A_79 = arith.addi %mul3A_77, %add3A_78 : i32
      %mul3A_80 = arith.constant 80 : i32
      %mul3A_81 = arith.muli %mul3A_77, %mul3A_80 : i32
      %multiple_of3A_82 = tpu.assume_multiple %mul3A_81, 8 : i32
      %dma_wait3A_83 = tpu.memref_slice %arg7[%multiple_of3A_82] : memref<10000xi32, #tpu.memory_space<vmem>> -> memref<80xi32, #tpu.memory_space<vmem>>
      %dma_wait3A_84 = arith.constant 0 : i32
      %dma_wait3A_85 = arith.constant 0 : i32
      %dma_wait3A_86 = tpu.memref_slice %arg2[%dma_wait3A_84, %dma_wait3A_85] : memref<10240x128xf32, #tpu.memory_space<hbm>> -> memref<10240x128xf32, #tpu.memory_space<hbm>>
      tpu.wait_indirect_dma semaphore(%arg12 : memref<!tpu.dma_semaphore, #tpu.memory_space<semaphore_mem>>) src(%dma_wait3A_86 : memref<10240x128xf32, #tpu.memory_space<hbm>>) dst(%arg9 : memref<80x128xf32, #tpu.memory_space<vmem>>)
      "tpu.region"() ({
        %run_scoped3A_109 = tpu.sem_alloc : memref<!tpu.dma_semaphore, #tpu.memory_space<semaphore_mem>>
        %dma_start3A_110 = arith.constant 0 : i32
        %dma_start3A_111 = tpu.memref_slice %arg8[%mul3A_77, %dma_start3A_110] : memref<125x80xi32, #tpu.memory_space<vmem>> -> memref<1x80xi32, #tpu.memory_space<vmem>>
        %dma_start3A_112 = tpu.memref_squeeze %dma_start3A_111 : memref<1x80xi32, #tpu.memory_space<vmem>> -> memref<80xi32, #tpu.memory_space<vmem>>
        %dma_start3A_113 = arith.constant 0 : i32
        %dma_start3A_114 = arith.constant 0 : i32
        %dma_start3A_115 = tpu.memref_slice %arg11[%dma_start3A_113, %dma_start3A_114] : memref<10240x128xf32, #tpu.memory_space<vmem_shared>> -> memref<10240x128xf32, #tpu.memory_space<vmem_shared>>
        tpu.enqueue_indirect_dma source(%arg9 : memref<80x128xf32, #tpu.memory_space<vmem>>) target(%dma_start3A_115 : memref<10240x128xf32, #tpu.memory_space<vmem_shared>>) offsets(%dma_start3A_112 : memref<80xi32, #tpu.memory_space<vmem>>) semaphore(%run_scoped3A_109 : memref<!tpu.dma_semaphore, #tpu.memory_space<semaphore_mem>>) {add = true}
        %dma_wait3A_116 = arith.constant 0 : i32
        %dma_wait3A_117 = tpu.memref_slice %arg8[%mul3A_77, %dma_wait3A_116] : memref<125x80xi32, #tpu.memory_space<vmem>> -> memref<1x80xi32, #tpu.memory_space<vmem>>
        %dma_wait3A_118 = tpu.memref_squeeze %dma_wait3A_117 : memref<1x80xi32, #tpu.memory_space<vmem>> -> memref<80xi32, #tpu.memory_space<vmem>>
        %dma_wait3A_119 = arith.constant 0 : i32
        %dma_wait3A_120 = arith.constant 0 : i32
        %dma_wait3A_121 = tpu.memref_slice %arg11[%dma_wait3A_119, %dma_wait3A_120] : memref<10240x128xf32, #tpu.memory_space<vmem_shared>> -> memref<10240x128xf32, #tpu.memory_space<vmem_shared>>
        tpu.wait_indirect_dma semaphore(%run_scoped3A_109 : memref<!tpu.dma_semaphore, #tpu.memory_space<semaphore_mem>>) src(%arg9 : memref<80x128xf32, #tpu.memory_space<vmem>>) dst(%dma_wait3A_121 : memref<10240x128xf32, #tpu.memory_space<vmem_shared>>)
        tpu.yield
      }) : () -> ()
      %add3A_87 = arith.constant 2 : i32
      %add3A_88 = arith.addi %mul3A_77, %add3A_87 : i32
      %mul3A_89 = arith.constant 80 : i32
      %mul3A_90 = arith.muli %add3A_88, %mul3A_89 : i32
      %multiple_of3A_91 = tpu.assume_multiple %mul3A_90, 8 : i32
      %dma_start3A_92 = tpu.memref_slice %arg7[%multiple_of3A_91] : memref<10000xi32, #tpu.memory_space<vmem>> -> memref<80xi32, #tpu.memory_space<vmem>>
      %dma_start3A_93 = arith.constant 0 : i32
      %dma_start3A_94 = arith.constant 0 : i32
      %dma_start3A_95 = tpu.memref_slice %arg2[%dma_start3A_93, %dma_start3A_94] : memref<10240x128xf32, #tpu.memory_space<hbm>> -> memref<10240x128xf32, #tpu.memory_space<hbm>>
      tpu.enqueue_indirect_dma source(%dma_start3A_95 : memref<10240x128xf32, #tpu.memory_space<hbm>>) target(%arg9 : memref<80x128xf32, #tpu.memory_space<vmem>>) offsets(%dma_start3A_92 : memref<80xi32, #tpu.memory_space<vmem>>) semaphore(%arg12 : memref<!tpu.dma_semaphore, #tpu.memory_space<semaphore_mem>>)
      %mul3A_96 = arith.constant 80 : i32
      %mul3A_97 = arith.muli %add3A_79, %mul3A_96 : i32
      %multiple_of3A_98 = tpu.assume_multiple %mul3A_97, 8 : i32
      %dma_wait3A_99 = tpu.memref_slice %arg7[%multiple_of3A_98] : memref<10000xi32, #tpu.memory_space<vmem>> -> memref<80xi32, #tpu.memory_space<vmem>>
      %dma_wait3A_100 = arith.constant 0 : i32
      %dma_wait3A_101 = arith.constant 0 : i32
      %dma_wait3A_102 = tpu.memref_slice %arg2[%dma_wait3A_100, %dma_wait3A_101] : memref<10240x128xf32, #tpu.memory_space<hbm>> -> memref<10240x128xf32, #tpu.memory_space<hbm>>
      tpu.wait_indirect_dma semaphore(%arg13 : memref<!tpu.dma_semaphore, #tpu.memory_space<semaphore_mem>>) src(%dma_wait3A_102 : memref<10240x128xf32, #tpu.memory_space<hbm>>) dst(%arg10 : memref<80x128xf32, #tpu.memory_space<vmem>>)
      "tpu.region"() ({
        %run_scoped3A_109 = tpu.sem_alloc : memref<!tpu.dma_semaphore, #tpu.memory_space<semaphore_mem>>
        %dma_start3A_110 = arith.constant 0 : i32
        %dma_start3A_111 = tpu.memref_slice %arg8[%add3A_79, %dma_start3A_110] : memref<125x80xi32, #tpu.memory_space<vmem>> -> memref<1x80xi32, #tpu.memory_space<vmem>>
        %dma_start3A_112 = tpu.memref_squeeze %dma_start3A_111 : memref<1x80xi32, #tpu.memory_space<vmem>> -> memref<80xi32, #tpu.memory_space<vmem>>
        %dma_start3A_113 = arith.constant 0 : i32
        %dma_start3A_114 = arith.constant 0 : i32
        %dma_start3A_115 = tpu.memref_slice %arg11[%dma_start3A_113, %dma_start3A_114] : memref<10240x128xf32, #tpu.memory_space<vmem_shared>> -> memref<10240x128xf32, #tpu.memory_space<vmem_shared>>
        tpu.enqueue_indirect_dma source(%arg10 : memref<80x128xf32, #tpu.memory_space<vmem>>) target(%dma_start3A_115 : memref<10240x128xf32, #tpu.memory_space<vmem_shared>>) offsets(%dma_start3A_112 : memref<80xi32, #tpu.memory_space<vmem>>) semaphore(%run_scoped3A_109 : memref<!tpu.dma_semaphore, #tpu.memory_space<semaphore_mem>>) {add = true}
        %dma_wait3A_116 = arith.constant 0 : i32
        %dma_wait3A_117 = tpu.memref_slice %arg8[%add3A_79, %dma_wait3A_116] : memref<125x80xi32, #tpu.memory_space<vmem>> -> memref<1x80xi32, #tpu.memory_space<vmem>>
        %dma_wait3A_118 = tpu.memref_squeeze %dma_wait3A_117 : memref<1x80xi32, #tpu.memory_space<vmem>> -> memref<80xi32, #tpu.memory_space<vmem>>
        %dma_wait3A_119 = arith.constant 0 : i32
        %dma_wait3A_120 = arith.constant 0 : i32
        %dma_wait3A_121 = tpu.memref_slice %arg11[%dma_wait3A_119, %dma_wait3A_120] : memref<10240x128xf32, #tpu.memory_space<vmem_shared>> -> memref<10240x128xf32, #tpu.memory_space<vmem_shared>>
        tpu.wait_indirect_dma semaphore(%run_scoped3A_109 : memref<!tpu.dma_semaphore, #tpu.memory_space<semaphore_mem>>) src(%arg10 : memref<80x128xf32, #tpu.memory_space<vmem>>) dst(%dma_wait3A_121 : memref<10240x128xf32, #tpu.memory_space<vmem_shared>>)
        tpu.yield
      }) : () -> ()
      %add3A_103 = arith.constant 2 : i32
      %add3A_104 = arith.addi %add3A_79, %add3A_103 : i32
      %lt3A = arith.constant 125 : i32
      %lt3A_105 = arith.cmpi slt, %add3A_104, %lt3A : i32
      %convert_element_type3A_106 = arith.extui %lt3A_105 : i1 to i32
      %cond3A_107 = arith.constant 0 : i32
      %cond3A_108 = arith.cmpi ne, %convert_element_type3A_106, %cond3A_107 : i32
      scf.if %cond3A_108 {
        %add3A_109 = arith.constant 2 : i32
        %add3A_110 = arith.addi %add3A_79, %add3A_109 : i32
        %mul3A_111 = arith.constant 80 : i32
        %mul3A_112 = arith.muli %add3A_110, %mul3A_111 : i32
        %multiple_of3A_113 = tpu.assume_multiple %mul3A_112, 8 : i32
        %dma_start3A_114 = tpu.memref_slice %arg7[%multiple_of3A_113] : memref<10000xi32, #tpu.memory_space<vmem>> -> memref<80xi32, #tpu.memory_space<vmem>>
        %dma_start3A_115 = arith.constant 0 : i32
        %dma_start3A_116 = arith.constant 0 : i32
        %dma_start3A_117 = tpu.memref_slice %arg2[%dma_start3A_115, %dma_start3A_116] : memref<10240x128xf32, #tpu.memory_space<hbm>> -> memref<10240x128xf32, #tpu.memory_space<hbm>>
        tpu.enqueue_indirect_dma source(%dma_start3A_117 : memref<10240x128xf32, #tpu.memory_space<hbm>>) target(%arg10 : memref<80x128xf32, #tpu.memory_space<vmem>>) offsets(%dma_start3A_114 : memref<80xi32, #tpu.memory_space<vmem>>) semaphore(%arg13 : memref<!tpu.dma_semaphore, #tpu.memory_space<semaphore_mem>>)
      } else {
      }
    }
    %scan3A_60 = arith.constant 62 : i32
    %multiple_of3A_61 = arith.constant 9920 : i32
    %multiple_of3A_62 = tpu.assume_multiple %multiple_of3A_61, 8 : i32
    %dma_wait3A_63 = tpu.memref_slice %arg7[%multiple_of3A_62] : memref<10000xi32, #tpu.memory_space<vmem>> -> memref<80xi32, #tpu.memory_space<vmem>>
    %dma_wait3A_64 = arith.constant 0 : i32
    %dma_wait3A_65 = arith.constant 0 : i32
    %dma_wait3A_66 = tpu.memref_slice %arg2[%dma_wait3A_64, %dma_wait3A_65] : memref<10240x128xf32, #tpu.memory_space<hbm>> -> memref<10240x128xf32, #tpu.memory_space<hbm>>
    tpu.wait_indirect_dma semaphore(%arg12 : memref<!tpu.dma_semaphore, #tpu.memory_space<semaphore_mem>>) src(%dma_wait3A_66 : memref<10240x128xf32, #tpu.memory_space<hbm>>) dst(%arg9 : memref<80x128xf32, #tpu.memory_space<vmem>>)
    %run_scoped3A = arith.constant 124 : i32
    "tpu.region"() ({
      %run_scoped3A_75 = tpu.sem_alloc : memref<!tpu.dma_semaphore, #tpu.memory_space<semaphore_mem>>
      %dma_start3A_76 = arith.constant 0 : i32
      %dma_start3A_77 = tpu.memref_slice %arg8[%run_scoped3A, %dma_start3A_76] : memref<125x80xi32, #tpu.memory_space<vmem>> -> memref<1x80xi32, #tpu.memory_space<vmem>>
      %dma_start3A_78 = tpu.memref_squeeze %dma_start3A_77 : memref<1x80xi32, #tpu.memory_space<vmem>> -> memref<80xi32, #tpu.memory_space<vmem>>
      %dma_start3A_79 = arith.constant 0 : i32
      %dma_start3A_80 = arith.constant 0 : i32
      %dma_start3A_81 = tpu.memref_slice %arg11[%dma_start3A_79, %dma_start3A_80] : memref<10240x128xf32, #tpu.memory_space<vmem_shared>> -> memref<10240x128xf32, #tpu.memory_space<vmem_shared>>
      tpu.enqueue_indirect_dma source(%arg9 : memref<80x128xf32, #tpu.memory_space<vmem>>) target(%dma_start3A_81 : memref<10240x128xf32, #tpu.memory_space<vmem_shared>>) offsets(%dma_start3A_78 : memref<80xi32, #tpu.memory_space<vmem>>) semaphore(%run_scoped3A_75 : memref<!tpu.dma_semaphore, #tpu.memory_space<semaphore_mem>>) {add = true}
      %dma_wait3A_82 = arith.constant 0 : i32
      %dma_wait3A_83 = tpu.memref_slice %arg8[%run_scoped3A, %dma_wait3A_82] : memref<125x80xi32, #tpu.memory_space<vmem>> -> memref<1x80xi32, #tpu.memory_space<vmem>>
      %dma_wait3A_84 = tpu.memref_squeeze %dma_wait3A_83 : memref<1x80xi32, #tpu.memory_space<vmem>> -> memref<80xi32, #tpu.memory_space<vmem>>
      %dma_wait3A_85 = arith.constant 0 : i32
      %dma_wait3A_86 = arith.constant 0 : i32
      %dma_wait3A_87 = tpu.memref_slice %arg11[%dma_wait3A_85, %dma_wait3A_86] : memref<10240x128xf32, #tpu.memory_space<vmem_shared>> -> memref<10240x128xf32, #tpu.memory_space<vmem_shared>>
      tpu.wait_indirect_dma semaphore(%run_scoped3A_75 : memref<!tpu.dma_semaphore, #tpu.memory_space<semaphore_mem>>) src(%arg9 : memref<80x128xf32, #tpu.memory_space<vmem>>) dst(%dma_wait3A_87 : memref<10240x128xf32, #tpu.memory_space<vmem_shared>>)
      tpu.yield
    }) : () -> ()
    %barrier3A_67 = arith.constant 0 : index
    tpu.barrier barrier_id(%barrier3A_67)
    %eq3A = arith.constant 0 : i32
    %eq3A_68 = arith.cmpi eq, %arg0, %eq3A : i32
    %convert_element_type3A = arith.extui %eq3A_68 : i1 to i32
    %cond3A = arith.constant 0 : i32
    %cond3A_69 = arith.cmpi ne, %convert_element_type3A, %cond3A : i32
    scf.if %cond3A_69 {
      "tpu.region"() ({
        %run_scoped3A_75 = tpu.sem_alloc : memref<!tpu.dma_semaphore, #tpu.memory_space<semaphore_mem>>
        %dma_start3A_76 = arith.constant 0 : i32
        %dma_start3A_77 = tpu.memref_slice %arg5[%mul3A_2, %dma_start3A_76] : memref<10240x128xf32, #tpu.memory_space<hbm>> -> memref<640x128xf32, #tpu.memory_space<hbm>>
        %dma_start3A_78 = arith.constant 0 : i32
        %dma_start3A_79 = tpu.memref_slice %arg11[%mul3A_2, %dma_start3A_78] : memref<10240x128xf32, #tpu.memory_space<vmem_shared>> -> memref<640x128xf32, #tpu.memory_space<vmem_shared>>
        tpu.enqueue_dma source(%dma_start3A_79 : memref<640x128xf32, #tpu.memory_space<vmem_shared>>) target(%dma_start3A_77 : memref<640x128xf32, #tpu.memory_space<hbm>>) target_semaphore(%run_scoped3A_75 : memref<!tpu.dma_semaphore, #tpu.memory_space<semaphore_mem>>)
        %dma_wait3A_80 = arith.constant 0 : i32
        %dma_wait3A_81 = tpu.memref_slice %arg5[%mul3A_2, %dma_wait3A_80] : memref<10240x128xf32, #tpu.memory_space<hbm>> -> memref<640x128xf32, #tpu.memory_space<hbm>>
        %dma_wait3A_82 = arith.constant 0 : i32
        %dma_wait3A_83 = tpu.memref_slice %arg11[%mul3A_2, %dma_wait3A_82] : memref<10240x128xf32, #tpu.memory_space<vmem_shared>> -> memref<640x128xf32, #tpu.memory_space<vmem_shared>>
        tpu.wait_dma2 semaphore(%run_scoped3A_75 : memref<!tpu.dma_semaphore, #tpu.memory_space<semaphore_mem>>) src(%dma_wait3A_83 : memref<640x128xf32, #tpu.memory_space<vmem_shared>>) dst(%dma_wait3A_81 : memref<640x128xf32, #tpu.memory_space<hbm>>)
        tpu.yield
      }) : () -> ()
    } else {
    }
    %eq3A_70 = arith.constant 1 : i32
    %eq3A_71 = arith.cmpi eq, %arg0, %eq3A_70 : i32
    %convert_element_type3A_72 = arith.extui %eq3A_71 : i1 to i32
    %cond3A_73 = arith.constant 0 : i32
    %cond3A_74 = arith.cmpi ne, %convert_element_type3A_72, %cond3A_73 : i32
    scf.if %cond3A_74 {
      "tpu.region"() ({
        %run_scoped3A_75 = tpu.sem_alloc : memref<!tpu.dma_semaphore, #tpu.memory_space<semaphore_mem>>
        %dma_start3A_76 = arith.constant 0 : i32
        %dma_start3A_77 = tpu.memref_slice %arg6[%mul3A_2, %dma_start3A_76] : memref<10240x128xf32, #tpu.memory_space<hbm>> -> memref<640x128xf32, #tpu.memory_space<hbm>>
        %dma_start3A_78 = arith.constant 0 : i32
        %dma_start3A_79 = tpu.memref_slice %arg11[%mul3A_2, %dma_start3A_78] : memref<10240x128xf32, #tpu.memory_space<vmem_shared>> -> memref<640x128xf32, #tpu.memory_space<vmem_shared>>
        tpu.enqueue_dma source(%dma_start3A_79 : memref<640x128xf32, #tpu.memory_space<vmem_shared>>) target(%dma_start3A_77 : memref<640x128xf32, #tpu.memory_space<hbm>>) target_semaphore(%run_scoped3A_75 : memref<!tpu.dma_semaphore, #tpu.memory_space<semaphore_mem>>)
        %dma_wait3A_80 = arith.constant 0 : i32
        %dma_wait3A_81 = tpu.memref_slice %arg6[%mul3A_2, %dma_wait3A_80] : memref<10240x128xf32, #tpu.memory_space<hbm>> -> memref<640x128xf32, #tpu.memory_space<hbm>>
        %dma_wait3A_82 = arith.constant 0 : i32
        %dma_wait3A_83 = tpu.memref_slice %arg11[%mul3A_2, %dma_wait3A_82] : memref<10240x128xf32, #tpu.memory_space<vmem_shared>> -> memref<640x128xf32, #tpu.memory_space<vmem_shared>>
        tpu.wait_dma2 semaphore(%run_scoped3A_75 : memref<!tpu.dma_semaphore, #tpu.memory_space<semaphore_mem>>) src(%dma_wait3A_83 : memref<640x128xf32, #tpu.memory_space<vmem_shared>>) dst(%dma_wait3A_81 : memref<640x128xf32, #tpu.memory_space<hbm>>)
        tpu.yield
      }) : () -> ()
    } else {
    }
    return
  }
}

module attributes {stable_mosaic.version = 14 : i64} {
  func.func @_mm_fused(%arg0: i32, %arg1: memref<10240x128xf32, #tpu.memory_space<vmem>>, %arg2: memref<10240x128xf32, #tpu.memory_space<vmem>>, %arg3: memref<10240x128xf32, #tpu.memory_space<vmem>>, %arg4: memref<1x128xf32, #tpu.memory_space<vmem>>, %arg5: memref<128x128xf32, #tpu.memory_space<vmem>>, %arg6: memref<10240x128xf32, #tpu.memory_space<vmem>>) attributes {dimension_semantics = [#tpu.dimension_semantics<arbitrary>], iteration_bounds = array<i64: 1>, scalar_prefetch = 0 : i64, scratch_operands = 0 : i64, tpu.core_type = #tpu.core_type<tc>, window_params = [{transform_indices = @transform_0, window_bounds = array<i64: 10240, 128>}, {transform_indices = @transform_1, window_bounds = array<i64: 10240, 128>}, {transform_indices = @transform_2, window_bounds = array<i64: 10240, 128>}, {pipeline_mode = #tpu.pipeline_mode<synchronous>, transform_indices = @transform_3, window_bounds = array<i64: 1, 128>}, {pipeline_mode = #tpu.pipeline_mode<synchronous>, transform_indices = @transform_4, window_bounds = array<i64: 128, 128>}, {transform_indices = @transform_5, window_bounds = array<i64: 10240, 128>}]} {
    %get3A = arith.constant 0 : index
    %get3A_0 = arith.constant 0 : index
    %get3A_1 = vector.load %arg1[%get3A, %get3A_0] : memref<10240x128xf32, #tpu.memory_space<vmem>>, vector<10240x128xf32>
    %get3A_2 = arith.constant 0 : index
    %get3A_3 = arith.constant 0 : index
    %get3A_4 = vector.load %arg2[%get3A_2, %get3A_3] : memref<10240x128xf32, #tpu.memory_space<vmem>>, vector<10240x128xf32>
    %add3A = arith.addf %get3A_1, %get3A_4 : vector<10240x128xf32>
    %get3A_5 = arith.constant 0 : index
    %get3A_6 = arith.constant 0 : index
    %get3A_7 = vector.load %arg3[%get3A_5, %get3A_6] : memref<10240x128xf32, #tpu.memory_space<vmem>>, vector<10240x128xf32>
    %add3A_8 = arith.addf %add3A, %get3A_7 : vector<10240x128xf32>
    %get3A_9 = arith.constant 0 : index
    %get3A_10 = arith.constant 0 : index
    %get3A_11 = vector.load %arg4[%get3A_9, %get3A_10] : memref<1x128xf32, #tpu.memory_space<vmem>>, vector<1x128xf32>
    %add3A_12 = vector.broadcast %get3A_11 : vector<1x128xf32> to vector<10240x128xf32>
    %add3A_13 = arith.addf %add3A_8, %add3A_12 : vector<10240x128xf32>
    %max3A = arith.constant 0.000000e+00 : f32
    %max3A_14 = vector.broadcast %max3A : f32 to vector<10240x128xf32>
    %max3A_15 = arith.maximumf %add3A_13, %max3A_14 : vector<10240x128xf32>
    %get3A_16 = arith.constant 0 : index
    %get3A_17 = arith.constant 0 : index
    %get3A_18 = vector.load %arg5[%get3A_16, %get3A_17] : memref<128x128xf32, #tpu.memory_space<vmem>>, vector<128x128xf32>
    %dot_general3A = arith.constant dense<0.000000e+00> : vector<10240x128xf32>
    %dot_general3A_19 = tpu.matmul %max3A_15, %get3A_18, %dot_general3A {dimension_numbers = #tpu.dot_dimension_numbers<[1], [0], [0], [1], [0, 0, 1, 1], [], []>, transpose_lhs_hint = false} : vector<10240x128xf32>, vector<128x128xf32>, vector<10240x128xf32> -> vector<10240x128xf32>
    %swap3A = arith.constant 0 : index
    %swap3A_20 = arith.constant 0 : index
    %swap3A_21 = vector.load %arg6[%swap3A, %swap3A_20] : memref<10240x128xf32, #tpu.memory_space<vmem>>, vector<10240x128xf32>
    tpu.vector_store %arg6[%swap3A, %swap3A_20], %dot_general3A_19 {strides = array<i32>} : memref<10240x128xf32, #tpu.memory_space<vmem>>, vector<10240x128xf32>,
    return
  }
  func.func @transform_0(%arg0: i32) -> (i32, i32) {
    %c0_i32 = arith.constant 0 : i32
    %c0_i32_0 = arith.constant 0 : i32
    return %arg0, %c0_i32 : i32, i32
  }
  func.func @transform_1(%arg0: i32) -> (i32, i32) {
    %c0_i32 = arith.constant 0 : i32
    %c0_i32_0 = arith.constant 0 : i32
    return %arg0, %c0_i32 : i32, i32
  }
  func.func @transform_2(%arg0: i32) -> (i32, i32) {
    %c0_i32 = arith.constant 0 : i32
    %c0_i32_0 = arith.constant 0 : i32
    return %arg0, %c0_i32 : i32, i32
  }
  func.func @transform_3(%arg0: i32) -> (i32, i32) {
    %c0_i32 = arith.constant 0 : i32
    %c0_i32_0 = arith.constant 0 : i32
    %c0_i32_1 = arith.constant 0 : i32
    return %c0_i32, %c0_i32_0 : i32, i32
  }
  func.func @transform_4(%arg0: i32) -> (i32, i32) {
    %c0_i32 = arith.constant 0 : i32
    %c0_i32_0 = arith.constant 0 : i32
    %c0_i32_1 = arith.constant 0 : i32
    return %c0_i32, %c0_i32_0 : i32, i32
  }
  func.func @transform_5(%arg0: i32) -> (i32, i32) {
    %c0_i32 = arith.constant 0 : i32
    %c0_i32_0 = arith.constant 0 : i32
    return %arg0, %c0_i32 : i32, i32
  }
}

module attributes {stable_mosaic.version = 14 : i64} {
  func.func @_mm_pad(%arg0: i32, %arg1: memref<10000x128xf32, #tpu.memory_space<vmem>>, %arg2: memref<128x128xf32, #tpu.memory_space<vmem>>, %arg3: memref<10240x128xf32, #tpu.memory_space<vmem>>) attributes {dimension_semantics = [#tpu.dimension_semantics<arbitrary>], iteration_bounds = array<i64: 1>, scalar_prefetch = 0 : i64, scratch_operands = 0 : i64, tpu.core_type = #tpu.core_type<tc>, window_params = [{pipeline_mode = #tpu.pipeline_mode<synchronous>, transform_indices = @transform_0, window_bounds = array<i64: 10000, 128>}, {pipeline_mode = #tpu.pipeline_mode<synchronous>, transform_indices = @transform_1, window_bounds = array<i64: 128, 128>}, {pipeline_mode = #tpu.pipeline_mode<synchronous>, transform_indices = @transform_2, window_bounds = array<i64: 10240, 128>}]} {
    %get3A = arith.constant 0 : index
    %get3A_0 = arith.constant 0 : index
    %get3A_1 = vector.load %arg1[%get3A, %get3A_0] : memref<10000x128xf32, #tpu.memory_space<vmem>>, vector<10000x128xf32>
    %get3A_2 = arith.constant 0 : index
    %get3A_3 = arith.constant 0 : index
    %get3A_4 = vector.load %arg2[%get3A_2, %get3A_3] : memref<128x128xf32, #tpu.memory_space<vmem>>, vector<128x128xf32>
    %dot_general3A = arith.constant dense<0.000000e+00> : vector<10000x128xf32>
    %dot_general3A_5 = tpu.matmul %get3A_1, %get3A_4, %dot_general3A {dimension_numbers = #tpu.dot_dimension_numbers<[1], [0], [0], [1], [0, 0, 1, 1], [], []>, transpose_lhs_hint = false} : vector<10000x128xf32>, vector<128x128xf32>, vector<10000x128xf32> -> vector<10000x128xf32>
    %swap3A = arith.constant 0 : index
    %swap3A_6 = arith.constant 0 : index
    %swap3A_7 = vector.load %arg3[%swap3A, %swap3A_6] : memref<10240x128xf32, #tpu.memory_space<vmem>>, vector<10000x128xf32>
    tpu.vector_store %arg3[%swap3A, %swap3A_6], %dot_general3A_5 {strides = array<i32>} : memref<10240x128xf32, #tpu.memory_space<vmem>>, vector<10000x128xf32>,
    %broadcast_in_dim3A = arith.constant 0.000000e+00 : f32
    %broadcast_in_dim3A_8 = vector.broadcast %broadcast_in_dim3A : f32 to vector<240x128xf32>
    %swap3A_9 = arith.constant 10000 : index
    %swap3A_10 = arith.constant 0 : index
    %swap3A_11 = vector.load %arg3[%swap3A_9, %swap3A_10] : memref<10240x128xf32, #tpu.memory_space<vmem>>, vector<240x128xf32>
    tpu.vector_store %arg3[%swap3A_9, %swap3A_10], %broadcast_in_dim3A_8 {strides = array<i32>} : memref<10240x128xf32, #tpu.memory_space<vmem>>, vector<240x128xf32>,
    return
  }
  func.func @transform_0(%arg0: i32) -> (i32, i32) {
    %c0_i32 = arith.constant 0 : i32
    %c0_i32_0 = arith.constant 0 : i32
    %c0_i32_1 = arith.constant 0 : i32
    return %c0_i32, %c0_i32_0 : i32, i32
  }
  func.func @transform_1(%arg0: i32) -> (i32, i32) {
    %c0_i32 = arith.constant 0 : i32
    %c0_i32_0 = arith.constant 0 : i32
    %c0_i32_1 = arith.constant 0 : i32
    return %c0_i32, %c0_i32_0 : i32, i32
  }
  func.func @transform_2(%arg0: i32) -> (i32, i32) {
    %c0_i32 = arith.constant 0 : i32
    %c0_i32_0 = arith.constant 0 : i32
    %c0_i32_1 = arith.constant 0 : i32
    return %c0_i32, %c0_i32_0 : i32, i32
  }
}

module attributes {stable_mosaic.version = 14 : i64} {
  func.func @_relu_combine(%arg0: i32, %arg1: memref<10240x128xf32, #tpu.memory_space<vmem>>, %arg2: memref<10240x128xf32, #tpu.memory_space<vmem>>, %arg3: memref<10240x128xf32, #tpu.memory_space<vmem>>, %arg4: memref<1x128xf32, #tpu.memory_space<vmem>>, %arg5: memref<10240x128xf32, #tpu.memory_space<vmem>>) attributes {dimension_semantics = [#tpu.dimension_semantics<arbitrary>], iteration_bounds = array<i64: 1>, scalar_prefetch = 0 : i64, scratch_operands = 0 : i64, tpu.core_type = #tpu.core_type<tc>, window_params = [{transform_indices = @transform_0, window_bounds = array<i64: 10240, 128>}, {transform_indices = @transform_1, window_bounds = array<i64: 10240, 128>}, {transform_indices = @transform_2, window_bounds = array<i64: 10240, 128>}, {pipeline_mode = #tpu.pipeline_mode<synchronous>, transform_indices = @transform_3, window_bounds = array<i64: 1, 128>}, {transform_indices = @transform_4, window_bounds = array<i64: 10240, 128>}]} {
    %get3A = arith.constant 0 : index
    %get3A_0 = arith.constant 0 : index
    %get3A_1 = vector.load %arg1[%get3A, %get3A_0] : memref<10240x128xf32, #tpu.memory_space<vmem>>, vector<10240x128xf32>
    %get3A_2 = arith.constant 0 : index
    %get3A_3 = arith.constant 0 : index
    %get3A_4 = vector.load %arg2[%get3A_2, %get3A_3] : memref<10240x128xf32, #tpu.memory_space<vmem>>, vector<10240x128xf32>
    %add3A = arith.addf %get3A_1, %get3A_4 : vector<10240x128xf32>
    %get3A_5 = arith.constant 0 : index
    %get3A_6 = arith.constant 0 : index
    %get3A_7 = vector.load %arg3[%get3A_5, %get3A_6] : memref<10240x128xf32, #tpu.memory_space<vmem>>, vector<10240x128xf32>
    %add3A_8 = arith.addf %add3A, %get3A_7 : vector<10240x128xf32>
    %get3A_9 = arith.constant 0 : index
    %get3A_10 = arith.constant 0 : index
    %get3A_11 = vector.load %arg4[%get3A_9, %get3A_10] : memref<1x128xf32, #tpu.memory_space<vmem>>, vector<1x128xf32>
    %add3A_12 = vector.broadcast %get3A_11 : vector<1x128xf32> to vector<10240x128xf32>
    %add3A_13 = arith.addf %add3A_8, %add3A_12 : vector<10240x128xf32>
    %max3A = arith.constant 0.000000e+00 : f32
    %max3A_14 = vector.broadcast %max3A : f32 to vector<10240x128xf32>
    %max3A_15 = arith.maximumf %add3A_13, %max3A_14 : vector<10240x128xf32>
    %swap3A = arith.constant 0 : index
    %swap3A_16 = arith.constant 0 : index
    %swap3A_17 = vector.load %arg5[%swap3A, %swap3A_16] : memref<10240x128xf32, #tpu.memory_space<vmem>>, vector<10240x128xf32>
    tpu.vector_store %arg5[%swap3A, %swap3A_16], %max3A_15 {strides = array<i32>} : memref<10240x128xf32, #tpu.memory_space<vmem>>, vector<10240x128xf32>,
    return
  }
  func.func @transform_0(%arg0: i32) -> (i32, i32) {
    %c0_i32 = arith.constant 0 : i32
    %c0_i32_0 = arith.constant 0 : i32
    return %arg0, %c0_i32 : i32, i32
  }
  func.func @transform_1(%arg0: i32) -> (i32, i32) {
    %c0_i32 = arith.constant 0 : i32
    %c0_i32_0 = arith.constant 0 : i32
    return %arg0, %c0_i32 : i32, i32
  }
  func.func @transform_2(%arg0: i32) -> (i32, i32) {
    %c0_i32 = arith.constant 0 : i32
    %c0_i32_0 = arith.constant 0 : i32
    return %arg0, %c0_i32 : i32, i32
  }
  func.func @transform_3(%arg0: i32) -> (i32, i32) {
    %c0_i32 = arith.constant 0 : i32
    %c0_i32_0 = arith.constant 0 : i32
    %c0_i32_1 = arith.constant 0 : i32
    return %c0_i32, %c0_i32_0 : i32, i32
  }
  func.func @transform_4(%arg0: i32) -> (i32, i32) {
    %c0_i32 = arith.constant 0 : i32
    %c0_i32_0 = arith.constant 0 : i32
    return %arg0, %c0_i32 : i32, i32
  }
}

module attributes {stable_mosaic.version = 14 : i64} {
  func.func @_mm_final(%arg0: i32, %arg1: memref<10240x128xf32, #tpu.memory_space<vmem>>, %arg2: memref<10240x128xf32, #tpu.memory_space<vmem>>, %arg3: memref<10240x128xf32, #tpu.memory_space<vmem>>, %arg4: memref<1x64xf32, #tpu.memory_space<vmem>>, %arg5: memref<128x64xf32, #tpu.memory_space<vmem>>, %arg6: memref<10000x64xf32, #tpu.memory_space<vmem>>) attributes {dimension_semantics = [#tpu.dimension_semantics<arbitrary>], iteration_bounds = array<i64: 1>, scalar_prefetch = 0 : i64, scratch_operands = 0 : i64, tpu.core_type = #tpu.core_type<tc>, window_params = [{pipeline_mode = #tpu.pipeline_mode<synchronous>, transform_indices = @transform_0, window_bounds = array<i64: 10240, 128>}, {pipeline_mode = #tpu.pipeline_mode<synchronous>, transform_indices = @transform_1, window_bounds = array<i64: 10240, 128>}, {pipeline_mode = #tpu.pipeline_mode<synchronous>, transform_indices = @transform_2, window_bounds = array<i64: 10240, 128>}, {pipeline_mode = #tpu.pipeline_mode<synchronous>, transform_indices = @transform_3, window_bounds = array<i64: 1, 64>}, {pipeline_mode = #tpu.pipeline_mode<synchronous>, transform_indices = @transform_4, window_bounds = array<i64: 128, 64>}, {pipeline_mode = #tpu.pipeline_mode<synchronous>, transform_indices = @transform_5, window_bounds = array<i64: 10000, 64>}]} {
    %get3A = arith.constant 0 : index
    %get3A_0 = arith.constant 0 : index
    %get3A_1 = vector.load %arg1[%get3A, %get3A_0] : memref<10240x128xf32, #tpu.memory_space<vmem>>, vector<10000x128xf32>
    %get3A_2 = arith.constant 0 : index
    %get3A_3 = arith.constant 0 : index
    %get3A_4 = vector.load %arg2[%get3A_2, %get3A_3] : memref<10240x128xf32, #tpu.memory_space<vmem>>, vector<10000x128xf32>
    %add3A = arith.addf %get3A_1, %get3A_4 : vector<10000x128xf32>
    %get3A_5 = arith.constant 0 : index
    %get3A_6 = arith.constant 0 : index
    %get3A_7 = vector.load %arg3[%get3A_5, %get3A_6] : memref<10240x128xf32, #tpu.memory_space<vmem>>, vector<10000x128xf32>
    %add3A_8 = arith.addf %add3A, %get3A_7 : vector<10000x128xf32>
    %get3A_9 = arith.constant 0 : index
    %get3A_10 = arith.constant 0 : index
    %get3A_11 = vector.load %arg5[%get3A_9, %get3A_10] : memref<128x64xf32, #tpu.memory_space<vmem>>, vector<128x64xf32>
    %dot_general3A = arith.constant dense<0.000000e+00> : vector<10000x64xf32>
    %dot_general3A_12 = tpu.matmul %add3A_8, %get3A_11, %dot_general3A {dimension_numbers = #tpu.dot_dimension_numbers<[1], [0], [0], [1], [0, 0, 1, 1], [], []>, transpose_lhs_hint = false} : vector<10000x128xf32>, vector<128x64xf32>, vector<10000x64xf32> -> vector<10000x64xf32>
    %get3A_13 = arith.constant 0 : index
    %get3A_14 = arith.constant 0 : index
    %get3A_15 = vector.load %arg4[%get3A_13, %get3A_14] : memref<1x64xf32, #tpu.memory_space<vmem>>, vector<1x64xf32>
    %add3A_16 = vector.broadcast %get3A_15 : vector<1x64xf32> to vector<10000x64xf32>
    %add3A_17 = arith.addf %dot_general3A_12, %add3A_16 : vector<10000x64xf32>
    %swap3A = arith.constant 0 : index
    %swap3A_18 = arith.constant 0 : index
    %swap3A_19 = vector.load %arg6[%swap3A, %swap3A_18] : memref<10000x64xf32, #tpu.memory_space<vmem>>, vector<10000x64xf32>
    tpu.vector_store %arg6[%swap3A, %swap3A_18], %add3A_17 {strides = array<i32>} : memref<10000x64xf32, #tpu.memory_space<vmem>>, vector<10000x64xf32>,
    return
  }
  func.func @transform_0(%arg0: i32) -> (i32, i32) {
    %c0_i32 = arith.constant 0 : i32
    %c0_i32_0 = arith.constant 0 : i32
    %c0_i32_1 = arith.constant 0 : i32
    return %c0_i32, %c0_i32_0 : i32, i32
  }
  func.func @transform_1(%arg0: i32) -> (i32, i32) {
    %c0_i32 = arith.constant 0 : i32
    %c0_i32_0 = arith.constant 0 : i32
    %c0_i32_1 = arith.constant 0 : i32
    return %c0_i32, %c0_i32_0 : i32, i32
  }
  func.func @transform_2(%arg0: i32) -> (i32, i32) {
    %c0_i32 = arith.constant 0 : i32
    %c0_i32_0 = arith.constant 0 : i32
    %c0_i32_1 = arith.constant 0 : i32
    return %c0_i32, %c0_i32_0 : i32, i32
  }
  func.func @transform_3(%arg0: i32) -> (i32, i32) {
    %c0_i32 = arith.constant 0 : i32
    %c0_i32_0 = arith.constant 0 : i32
    %c0_i32_1 = arith.constant 0 : i32
    return %c0_i32, %c0_i32_0 : i32, i32
  }
  func.func @transform_4(%arg0: i32) -> (i32, i32) {
    %c0_i32 = arith.constant 0 : i32
    %c0_i32_0 = arith.constant 0 : i32
    %c0_i32_1 = arith.constant 0 : i32
    return %c0_i32, %c0_i32_0 : i32, i32
  }
  func.func @transform_5(%arg0: i32) -> (i32, i32) {
    %c0_i32 = arith.constant 0 : i32
    %c0_i32_0 = arith.constant 0 : i32
    %c0_i32_1 = arith.constant 0 : i32
    return %c0_i32, %c0_i32_0 : i32, i32
  }
}

</mosaic_0001>

<sc_bundles>
// kernel: kernel.12.cloned.1.call-start
scs
__scs_entry_jumppad:
0x0: {  	(pc) =	sbr.rel $0x88, $3  }
0x1: {  	(tag) =	ssettag $0x0;
	lr =	simm.s32 $0x1  }
0x2: {  	[smem:$0x3F99] =	sst lr;
	_ =	strace $0xD0000000  }
0x3: {  	_ = 	snop  }
0x4: {  	_ = 	snop  }
0x5: {  	_ = 	snop  }
0x6: {  	_ = 	snop  }
0x7: {  	_ = 	snop  }
__scs_overlays_trampoline_lowered:
0x8: {  	[smem:$0x3FA8] =	sst s0  }
0x9: {  	[smem:$0x3FA9] =	sst s1  }
0xa: {  	[smem:$0x3FAA] =	sst s2  }
0xb: {  	[smem:$0x3FAB] =	sst s3  }
0xc: {  	[smem:$0x3FAC] =	sst s4  }
0xd: {  	[smem:$0x3FAD] =	sst s5  }
0xe: {  	[smem:$0x3FAE] =	sst s6  }
0xf: {  	[smem:$0x3FAF] =	sst s7  }
0x10: {  	[smem:$0x3FB0] =	sst s8  }
0x11: {  	[smem:$0x3FB1] =	sst s9;
	s0 =	simm.s32 @!p0 $0x0  }
0x12: {  	s1 =	sld [smem:$0x3F97];
	s0 =	simm.s32 @p0 $0x1  }
0x13: {  	[smem:$0x3FB2] =	sst s0;
	s0 =	simm.s32 @!p1 $0x0  }
0x14: {  	s2 =	sld [smem:$0x3F96];
	s0 =	simm.s32 @p1 $0x1  }
0x15: {  	[smem:$0x3FB3] =	sst s0;
	s0 =	simm.s32 @!p2 $0x0  }
0x16: {  	s3 =	sld [smem:$0x3FDB];
	s0 =	simm.s32 @p2 $0x1  }
0x17: {  	s4 =	simm.s32 $0x1BF5;
	[smem:$0x3FB5] =	sst s0  }
0x18: {  	s0 =	sld [smem:$0x3F98];
	_ =	swait.ge [sflag:s4], $0x0  }
0x19: {  	s7 =	sld [smem:$0x3F99]  }
0x1a: {  	s8 =	sadd.s32 $0xFFFFE003, lr  }
0x1b: {  	s9 =	sadd.s32 $0xFFFFFEF7, lr;
	s5 =	simm.s32 $0xFFFFFFFF;
	p2 =	slt.u32 s8, $0xFFFFF086  }
0x1c: {  	p1 =	slt.u32 s9, $0xF7A;
	s5 =	simm.s32 @!p2 $0x0  }
0x1d: {  	s5 =	simm.s32 @p1 $0x1;
	p0 =	seq.s32 s7, s2  }
0x1e: {  	s7 =	smul.u32 @!p0 $0xF7A, s2;
	p2 =	seq.s32 @!p0 s5, $0x0  }
0x1f: {  	s9 =	smul.u32 $0xF7A, s1;
	s8 =	simm.s32 @!p0 $0x1BF5;
	p2 =	por !p2, p0  }
0x20: {  	[sflag:s8] =	ssyncset.s32 @!p0 $0xFFFFF086;
	s6 =	sadd.s32 @!p0 s3, s7;
	s7 =	simm.s32 @!p0 $0x108  }
0x21: {  	s3 =	sadd.s32 s3, s9;
	s6 =	sadd.s32 @!p0 $0x88, s6;
	s7 =	simm.s32 @p2 $0x1082  }
0x22: {  	[simem:s7], [sflag:s8] =	dma.local @!p0 [hbm:s6], $0xF7A  }
0x23: {  	s9 =	sor.u32 $0xD0000000, s2;
	s6 =	simm.s32 $0x108;
	_ =	swait.ge @!p0 [sflag:s8], $0x0  }
0x24: {  	s3 =	sadd.s32 $0x88, s3;
	s6 =	simm.s32 @!p1 $0x1082;
	[sflag:s4] =	ssyncset.s32 $0xFFFFF086  }
0x25: {  	[simem:s6], [sflag:s4] =	dma.local [hbm:s3], $0xF7A  }
0x26: {  	[smem:$0x3F99] =	sst s1;
	(tag) =	ssettag s2;
	_ =	strace s9  }
0x27: {  	s1 =	sld [smem:$0x3FA9]  }
0x28: {  	s2 =	sld [smem:$0x3FAA]  }
0x29: {  	s4 =	sld [smem:$0x3FAC]  }
0x2a: {  	p0 =	seq.s32 s5, $0x0;
	s5 =	sld [smem:$0x3FAD]  }
0x2b: {  	s6 =	sld [smem:$0x3FAE]  }
0x2c: {  	s7 =	sld [smem:$0x3FAF]  }
0x2d: {  	s3 =	simm.s32 $0x108;
	s8 =	sld [smem:$0x3FB0]  }
0x2e: {  	s3 =	simm.s32 @!p0 $0x1082;
	s9 =	sld [smem:$0x3FB1]  }
0x2f: {  	lr =	sadd.s32 s0, s3;
	s0 =	sld [smem:$0x3FA8]  }
0x30: {  	s3 =	sld [smem:$0x3FAB]  }
0x31: {  	[smem:$0x3FB4] =	sst s10  }
0x32: {  	s10 =	sld [smem:$0x3FB2];
	_ =	sdelay $0x3  }
0x33: {  	p0 =	seq.s32 s10, $0x1;
	s10 =	sld [smem:$0x3FB4];
	_ =	sdelay $0x3  }
0x34: {  	[smem:$0x3FB4] =	sst s10  }
0x35: {  	s10 =	sld [smem:$0x3FB3];
	_ =	sdelay $0x3  }
0x36: {  	p1 =	seq.s32 s10, $0x1;
	s10 =	sld [smem:$0x3FB4];
	_ =	sdelay $0x3  }
0x37: {  	[smem:$0x3FB4] =	sst s10  }
0x38: {  	s10 =	sld [smem:$0x3FB5]  }
0x39: {  	_ = 	snop;
	(pc) =	sbr.ind lr, $3  }
0x3a: {  	_ = 	snop  }
0x3b: {  	_ = 	snop  }
0x3c: {  	p2 =	seq.s32 s10, $0x1;
	s10 =	sld [smem:$0x3FB4]  }
0x3d: {  	_ =	shalt  }
0x3e: {  	_ =	shalt  }
0x3f: {  	_ =	shalt  }
0x40: {  	_ =	shalt  }
0x41: {  	_ =	shalt  }
0x42: {  	_ =	shalt  }
0x43: {  	_ =	shalt  }
0x44: {  	_ =	shalt  }
0x45: {  	_ =	shalt  }
0x46: {  	_ =	shalt  }
0x47: {  	_ =	shalt  }
0x48: {  	_ =	shalt  }
0x49: {  	_ =	shalt  }
0x4a: {  	_ =	shalt  }
0x4b: {  	_ =	shalt  }
0x4c: {  	_ =	shalt  }
0x4d: {  	_ =	shalt  }
0x4e: {  	_ =	shalt  }
0x4f: {  	_ =	shalt  }
0x50: {  	_ =	shalt  }
0x51: {  	_ =	shalt  }
0x52: {  	_ =	shalt  }
0x53: {  	_ =	shalt  }
0x54: {  	_ =	shalt  }
0x55: {  	_ =	shalt  }
0x56: {  	_ =	shalt  }
0x57: {  	_ =	shalt  }
0x58: {  	_ =	shalt  }
0x59: {  	_ =	shalt  }
0x5a: {  	_ =	shalt  }
0x5b: {  	_ =	shalt  }
0x5c: {  	_ =	shalt  }
0x5d: {  	_ =	shalt  }
0x5e: {  	_ =	shalt  }
0x5f: {  	_ =	shalt  }
0x60: {  	_ =	shalt  }
0x61: {  	_ =	shalt  }
0x62: {  	_ =	shalt  }
0x63: {  	_ =	shalt  }
0x64: {  	_ =	shalt  }
0x65: {  	_ =	shalt  }
0x66: {  	_ =	shalt  }
0x67: {  	_ =	shalt  }
0x68: {  	_ =	shalt  }
0x69: {  	_ =	shalt  }
0x6a: {  	_ =	shalt  }
0x6b: {  	_ =	shalt  }
0x6c: {  	_ =	shalt  }
0x6d: {  	_ =	shalt  }
0x6e: {  	_ =	shalt  }
0x6f: {  	_ =	shalt  }
0x70: {  	_ =	shalt  }
0x71: {  	_ =	shalt  }
0x72: {  	_ =	shalt  }
0x73: {  	_ =	shalt  }
0x74: {  	_ =	shalt  }
0x75: {  	_ =	shalt  }
0x76: {  	_ =	shalt  }
0x77: {  	_ =	shalt  }
0x78: {  	_ =	shalt  }
0x79: {  	_ =	shalt  }
0x7a: {  	_ =	shalt  }
0x7b: {  	_ =	shalt  }
0x7c: {  	_ =	shalt  }
0x7d: {  	_ =	shalt  }
0x7e: {  	_ =	shalt  }
0x7f: {  	_ =	shalt  }
0x80: {  	_ =	shalt  }
0x81: {  	_ =	shalt  }
0x82: {  	_ =	shalt  }
0x83: {  	_ =	shalt  }
0x84: {  	_ =	shalt  }
0x85: {  	_ =	shalt  }
0x86: {  	_ =	shalt  }
0x87: {  	_ =	shalt  }
.Lfunc_end0:
.L_simem_size_0:
called_computation.1_lowered:
.L_overlay_start_0:
0x88: {  	s2 =	sld [smem:$0x3FD9]  }
0x89: {  	s3 =	sld [smem:$0x3FFE];
	_ =	sdelay $0x1  }
0x8a: {  	s1 =	srdreg.scid  }
0x8b: {  	s0 =	sand.u32 $0x1, s1  }
0x8c: {  	s17 =	sshll.u32 s0, $0xA;
	s2 =	sadd.s32 s3, s2  }
0x8d: {  	s2 =	sadd.s32 s2, s17  }
0x8e: {  	[smem:$0x3FC0] =	sst s2  }
0x8f: {  	_ = 	snop  }
0x90: {  	s2 =	sld [smem:$0x3FD0];
	(tm) =	ssettm $0x1  }
0x91: {  	s18 =	sld [smem:$0x3FFB];
	_ =	sdelay $0x3  }
0x92: {  	_ =	strace s18  }
0x93: {  	s3 =	sld [smem:$0x3FFC];
	_ =	sdelay $0x3  }
0x94: {  	_ =	strace s3  }
0x95: {  	s3 =	sld [smem:$0x3FFD];
	_ =	sdelay $0x3  }
0x96: {  	_ =	strace s3  }
0x97: {  	_ =	strace $0x8FFFFFFF  }
0x98: {  	s19 =	sld [smem:$0x3FDB];
	_ =	sdelay $0x1  }
0x99: {  	s4 =	simm.s32 $_scs_section_size  }
0x9a: {  	s5 =	simm.s32 $_size__tile_overlayer_lowered;
	s6 =	simm.s32 $_tile_overlayer_lowered  }
0x9b: {  	s22 =	simm.s32 $0x1BFF;
	s21 =	sshll.u32 s6, $0x1;
	s3 =	sadd.s32 s4, s19  }
0x9c: {  	s7 =	simm.s32 $0x0;
	s20 =	sshll.u32 s5, $0x1;
	s5 =	sadd.s32 s21, s3  }
0x9d: {  	[timem:s7], [sflag:s22] =	dma.local [hbm:s5], s20  }
0x9e: {  	_ =	swait.ge [sflag:s22], s20  }
0x9f: {  	s4 =	ssub.s32 $0x0, s20;
	[sflag:s22] =	ssyncset.done $0x0  }
0xa0: {  	[sflag:s22] =	ssyncadd.s32 s4;
	_ =	sdelay $0x1  }
0xa1: {  	s23 =	simm.s32 $0x1B8B  }
0xa2: {  	_ =	swait.ge [sflag:s23], $0x1  }
0xa3: {  	[sflag:s23] =	ssyncset.done $0x0  }
0xa4: {  	s25 =	simm.s32 $0x1B8E;
	s24 =	sld [smem:$0x3FFE];
	[sflag:s23] =	ssyncadd.s32 $0xFFFFFFFF  }
0xa5: {  	s26 =	simm.s32 $execute0_lowered;
	[smem:$0x3FD2] =	sst s25  }
0xa6: {  	s5 =	sshll.u32 s26, $0x1;
	_ =	strace $0x80000049;
	[dreg:$0x1] =	wrdreg $0xFFFFFFFF  }
0xa7: {  	s28 =	simm.s32 $_size_execute0_lowered;
	s3 =	sadd.s32 s3, s5;
	[dreg:$0x0] =	wrdreg $0x0  }
0xa8: {  	s5 =	sshll.u32 s28, $0x1;
	[dreg:$0x2] =	wrdreg s3  }
0xa9: {  	[dreg:$0x3] =	wrdreg s5  }
0xaa: {  	[dreg:$0x4] =	wrdreg $0xC0  }
0xab: {  	_ =	task [dreg:s7], $0x5FFFF  }
0xac: {  	[dreg:$0x1] =	wrdreg $0xFFFFFFFF  }
0xad: {  	[dreg:$0x0] =	wrdreg $0x60  }
0xae: {  	[dreg:$0x2] =	wrdreg s24  }
0xaf: {  	[dreg:$0x3] =	wrdreg s2  }
0xb0: {  	[dreg:$0x4] =	wrdreg $0xB7800  }
0xb1: {  	[dreg:$0x5] =	wrdreg $0x9  }
0xb2: {  	_ =	task.clear_ibuf [dreg:s7], $0x6FFFF;
	_ =	strace $0x90000049  }
0xb3: {  	s29 =	simm.s32 $0x9;
	_ =	strace $0x8000004B  }
0xb4: {  	_ =	swait.ge [sflag:s29], $0x1  }
0xb5: {  	[sflag:s29] =	ssyncadd.s32 $0xFFFFFFFF  }
0xb6: {  	_ =	strace $0x9000004B  }
0xb7: {  	_ =	sfence  }
0xb8: {  	s30 =	sld [smem:$0x0];
	_ =	sdelay $0x2  }
0xb9: {  	s31 =	sshll.u32 s1, $0xD;
	s1 =	sshrl.u32 s1, $0x2  }
0xba: {  	s3 =	sand.u32 $0x4000, s31;
	s1 =	sadd.s32 s1, s30  }
0xbb: {  	s0 =	sor.u32 s3, s0;
	s1 =	sshll.u32 s1, $0x11  }
0xbc: {  	s0 =	sor.u32 s1, s0  }
0xbd: {  	s0 =	sadd.s32 $0x8F2B, s0  }
0xbe: {  	[sflag:s0] =	ssyncadd.remote.s32 $0x1  }
0xbf: {  	_ =	sfence.sel $0xFFFF  }
0xc0: {  	[dreg:$0x0] =	wrdreg $0xFFFFFFFF;
	(pc) =	sbr.abs _section_cstart, $3  }
0xc1: {  	[dreg:$0x1] =	wrdreg $0xFFFFFFFF  }
0xc2: {  	_ =	task.clear_ibuf [dreg:s7], $0x2FFFF;
	_ =	strace $0x9FFFFFFF  }
0xc3: {  	(tm) =	ssettm $0x7FFFFFFF  }
tec
execute0_lowered:
.L_overlay_start_1:
0x0: {  	(tag) =	ssettag $0x1  }
0x1: {  	s1 =	rddreg [dreg:$0x0]  }
0x2: {  	s2 =	srdreg.scid;
	s0 =	stileid.u32  }
0x3: {  	s7 =	rddreg [dreg:$0x1];
	s14 =	simm.s32 $0x5D400;
	s18 =	simm.s32 $0x6780  }
0x4: {  	s19 =	simm.s32 $0x3;
	s20 =	simm.s32 $0x1;
	s21 =	simm.s32 $0x2  }
0x5: {  	s22 =	simm.s32 $0x50;
	s23 =	simm.s32 $0x8F80;
	s24 =	simm.s32 $0x6480  }
0x6: {  	s25 =	simm.s32 $0x26C0;
	s26 =	simm.s32 $0x6500;
	s28 =	simm.s32 $0x6580  }
0x7: {  	s29 =	simm.s32 $0x0;
	s11 =	sand.u32 $0x1, s2;
	s3 =	sshll.u32 s0, $0x1  }
0x8: {  	s2 =	rddreg [dreg:$0x2];
	s9 =	smul.u32 $0x50000, s0;
	s4 =	sadd.s32 $0xD400, s1  }
0x9: {  	s16 =	smul.u32 $0x2800, s0;
	s6 =	sor.u32 s11, s3;
	s3 =	simm.s32 $0x0  }
0xa: {  	s8 =	ssub.s32 $0x2, s11;
	p0 =	seq.s32 s11, $0x1;
	s5 =	smul.u32 $0x4E2, s6  }
0xb: {  	[smem:$0x7FF] =	sst s3;
	s10 =	sshrl.u32 s8, $0x1;
	s30 =	sshrl.u32 s9, $0x2  }
0xc: {  	s31 =	sshll.u32 s6, $0xB;
	s14 =	simm.s32 @!p0 $0x35400;
	_ =	strace $0x8000004A  }
0xd: {  	s15 =	ssub.s32 s8, s10;
	s6 =	sadd.s32 s30, s2;
	s7 =	sadd.s32 s7, s31  }
0xe: {  	s5 =	sadd.s32 s5, s1;
	s8 =	sadd.s32 $0x2800, s6;
	s9 =	sadd.s32 $0x5000, s6  }
0xf: {  	s10 =	sadd.s32 $0x7800, s6;
	s11 =	sadd.s32 $0xA000, s6;
	s12 =	sadd.s32 $0xC800, s6  }
0x10: {  	s13 =	sadd.s32 $0xF000, s6;
	s1 =	sadd.s32 s14, s1;
	s14 =	sadd.s32 $0x11800, s6  }
0x11: {  	v0 =	vimm.f32 $0.0e+00;
	s15 =	smax.u32 s15, $0x1;
	s5 =	sadd.s32 $0x3600, s5;
	s16 =	sadd.s32 s1, s16  }
.LBB2_1:
0x12: {  	[tilespmem:s3], [sflag:$0x1] =	stream.linear.gather [hbm4b:s5+s3], $0x2710, $0x38;
	[tilespmem:$0x1F780] =	vst v63  }
0x13: {  	s0 =	simm.s32 $0x2780;
	s1 =	simm.s32 $0x0;
	s30 =	simm.s32 $0x200  }
0x14: {  	[tilespmem:s0], [sflag:$0x2] =	stream.linear.gather [hbm4b:s7+s3], $0x3E80, $0x38;
	[tilespmem:$0x1F780] =	vst v63  }
.LBB2_2:
0x15: {  	p0 =	sne.s32 s30, $0x9E00;
	[tilespmem:s1+$0x67F0] =	vst v0  }
0x16: {  	[tilespmem:s1+$0x6780] =	vst v0  }
0x17: {  	[tilespmem:s1+$0x6790] =	vst v0  }
.Ltmp0:
0x18: {  	[tilespmem:s1+$0x67A0] =	vst v0;
	(pc) =	sbr.rel @p0 .LBB2_2-.Ltmp0, $4  }
0x19: {  	[tilespmem:s1+$0x67B0] =	vst v0  }
0x1a: {  	[tilespmem:s1+$0x67C0] =	vst v0  }
0x1b: {  	[tilespmem:s1+$0x67D0] =	vst v0  }
0x1c: {  	[tilespmem:s1+$0x67E0] =	vst v0;
	s1 =	sshra.s32 s30, $0x2;
	s30 =	sadd.s32 $0x200, s30  }
0x1d: {  	[tilespmem:s1+$0x67F0] =	vst v0  }
0x1e: {  	[tilespmem:s1+$0x6780] =	vst v0  }
0x1f: {  	[tilespmem:s1+$0x6790] =	vst v0  }
0x20: {  	[tilespmem:s1+$0x67A0] =	vst v0  }
0x21: {  	[tilespmem:s1+$0x67B0] =	vst v0  }
0x22: {  	[tilespmem:s1+$0x67C0] =	vst v0  }
0x23: {  	[tilespmem:s1+$0x67D0] =	vst v0  }
0x24: {  	[tilespmem:s1+$0x67E0] =	vst v0  }
0x25: {  	[spmem:s6] =	stream.linear.scatter [tilespmem:s18], [sflag:$0x3], $0x2800, $0x38;
	[tilespmem:$0x1F780] =	vst v63  }
0x26: {  	_ =	swait.ge [sflag:s19], $0x2800  }
0x27: {  	[sflag:s19] =	ssyncset.done $0x0  }
0x28: {  	[sflag:s19] =	ssyncadd.s32 $0xFFFFD800  }
0x29: {  	[spmem:s8] =	stream.linear.scatter [tilespmem:s18], [sflag:$0x3], $0x2800, $0x38;
	[tilespmem:$0x1F780] =	vst v63  }
0x2a: {  	_ =	swait.ge [sflag:s19], $0x2800  }
0x2b: {  	[sflag:s19] =	ssyncset.done $0x0  }
0x2c: {  	[sflag:s19] =	ssyncadd.s32 $0xFFFFD800  }
0x2d: {  	[spmem:s9] =	stream.linear.scatter [tilespmem:s18], [sflag:$0x3], $0x2800, $0x38;
	[tilespmem:$0x1F780] =	vst v63  }
0x2e: {  	_ =	swait.ge [sflag:s19], $0x2800  }
0x2f: {  	[sflag:s19] =	ssyncset.done $0x0  }
0x30: {  	[sflag:s19] =	ssyncadd.s32 $0xFFFFD800  }
0x31: {  	[spmem:s10] =	stream.linear.scatter [tilespmem:s18], [sflag:$0x3], $0x2800, $0x38;
	[tilespmem:$0x1F780] =	vst v63  }
0x32: {  	_ =	swait.ge [sflag:s19], $0x2800  }
0x33: {  	[sflag:s19] =	ssyncset.done $0x0  }
0x34: {  	[sflag:s19] =	ssyncadd.s32 $0xFFFFD800  }
0x35: {  	[spmem:s11] =	stream.linear.scatter [tilespmem:s18], [sflag:$0x3], $0x2800, $0x38;
	[tilespmem:$0x1F780] =	vst v63  }
0x36: {  	_ =	swait.ge [sflag:s19], $0x2800  }
0x37: {  	[sflag:s19] =	ssyncset.done $0x0  }
0x38: {  	[sflag:s19] =	ssyncadd.s32 $0xFFFFD800  }
0x39: {  	[spmem:s12] =	stream.linear.scatter [tilespmem:s18], [sflag:$0x3], $0x2800, $0x38;
	[tilespmem:$0x1F780] =	vst v63  }
0x3a: {  	_ =	swait.ge [sflag:s19], $0x2800  }
0x3b: {  	[sflag:s19] =	ssyncset.done $0x0  }
0x3c: {  	[sflag:s19] =	ssyncadd.s32 $0xFFFFD800  }
0x3d: {  	[spmem:s13] =	stream.linear.scatter [tilespmem:s18], [sflag:$0x3], $0x2800, $0x38;
	[tilespmem:$0x1F780] =	vst v63  }
0x3e: {  	_ =	swait.ge [sflag:s19], $0x2800  }
0x3f: {  	[sflag:s19] =	ssyncset.done $0x0  }
0x40: {  	[sflag:s19] =	ssyncadd.s32 $0xFFFFD800  }
0x41: {  	[spmem:s14] =	stream.linear.scatter [tilespmem:s18], [sflag:$0x3], $0x2800, $0x38;
	[tilespmem:$0x1F780] =	vst v63  }
0x42: {  	_ =	swait.ge [sflag:s19], $0x2800  }
0x43: {  	[sflag:s19] =	ssyncset.done $0x0  }
0x44: {  	[sflag:s19] =	ssyncadd.s32 $0xFFFFD800  }
0x45: {  	_ =	swait.ge [sflag:s20], $0x2710  }
0x46: {  	[sflag:s20] =	ssyncset.done $0x0  }
0x47: {  	[sflag:s20] =	ssyncadd.s32 $0xFFFFD8F0  }
0x48: {  	_ =	swait.ge [sflag:s21], $0x3E80  }
0x49: {  	[sflag:s21] =	ssyncset.done $0x0  }
0x4a: {  	s0 =	simm.s32 $0x0;
	[sflag:s21] =	ssyncadd.s32 $0xFFFFC180  }
0x4b: {  	[tilespmem:s18], [sflag:$0x1] =	stream.indirect.gather [hbm4b:s4+s22], $0x80, s0, s22, $0xb8;
	[tilespmem:$0x1F780] =	vst v63  }
0x4c: {  	_ = 	snop  }
0x4d: {  	[tilespmem:s23], [sflag:$0x2] =	stream.indirect.gather [hbm4b:s4+s22], $0x80, s22, s22, $0xb8;
	[tilespmem:$0x1F780] =	vst v63  }
0x4e: {  	[bflag:$0x0] =	sbarrier.arrive $0xFFFF  }
0x4f: {  	_ =	swait.ge [sflag:s20], $0x2800  }
0x50: {  	[sflag:s20] =	ssyncset.done $0x0  }
0x51: {  	s17 =	simm.s32 $0x2780;
	[sflag:s20] =	ssyncadd.s32 $0xFFFFD800  }
0x52: {  	[spmem:s2] =	stream.indirect.scatter.add.f32 [tilespmem:s18], [sflag:$0x3], $0x80, s17, s22, $0xb8;
	[tilespmem:$0x1F780] =	vst v63  }
0x53: {  	_ =	swait.ge [sflag:s19], $0x2800  }
0x54: {  	[sflag:s19] =	ssyncset.done $0x0  }
0x55: {  	s0 =	simm.s32 $0xA0;
	[sflag:s19] =	ssyncadd.s32 $0xFFFFD800  }
0x56: {  	[tilespmem:s18], [sflag:$0x1] =	stream.indirect.gather [hbm4b:s4+s22], $0x80, s0, s22, $0xb8;
	[tilespmem:$0x1F780] =	vst v63  }
0x57: {  	_ =	swait.ge [sflag:s21], $0x2800  }
0x58: {  	[sflag:s21] =	ssyncset.done $0x0  }
0x59: {  	s17 =	simm.s32 $0x2800;
	[sflag:s21] =	ssyncadd.s32 $0xFFFFD800  }
0x5a: {  	[spmem:s2] =	stream.indirect.scatter.add.f32 [tilespmem:s23], [sflag:$0x3], $0x80, s17, s22, $0xb8;
	[tilespmem:$0x1F780] =	vst v63  }
0x5b: {  	_ =	swait.ge [sflag:s19], $0x2800  }
0x5c: {  	s30 =	simm.s32 $0xF0;
	[sflag:s19] =	ssyncset.done $0x0  }
0x5d: {  	s31 =	simm.s32 $0x400;
	s1 =	simm.s32 $0x190;
	[sflag:s19] =	ssyncadd.s32 $0xFFFFD800  }
.LBB2_4:
0x5e: {  	[tilespmem:s23], [sflag:$0x2] =	stream.indirect.gather [hbm4b:s4+s22], $0x80, s30, s22, $0xb8;
	[tilespmem:$0x1F780] =	vst v63  }
0x5f: {  	s0 =	smov.u32 s31;
	s30 =	smov.u32 s1  }
0x60: {  	p0 =	sne.s32 s31, $0xF000;
	s31 =	sadd.s32 $0x400, s31;
	_ =	swait.ge [sflag:s20], $0x2800  }
0x61: {  	s0 =	sshra.s32 s0, $0x2;
	[sflag:s20] =	ssyncset.done $0x0  }
0x62: {  	s17 =	sadd.s32 $0x2780, s0;
	[sflag:s20] =	ssyncadd.s32 $0xFFFFD800  }
0x63: {  	[spmem:s2] =	stream.indirect.scatter.add.f32 [tilespmem:s18], [sflag:$0x3], $0x80, s17, s22, $0xb8;
	[tilespmem:$0x1F780] =	vst v63  }
0x64: {  	_ =	swait.ge [sflag:s19], $0x2800  }
0x65: {  	[sflag:s19] =	ssyncset.done $0x0  }
0x66: {  	s17 =	sadd.s32 $0xFFFFFFB0, s1;
	[sflag:s19] =	ssyncadd.s32 $0xFFFFD800  }
0x67: {  	[tilespmem:s18], [sflag:$0x1] =	stream.indirect.gather [hbm4b:s4+s22], $0x80, s17, s22, $0xb8;
	[tilespmem:$0x1F780] =	vst v63  }
0x68: {  	_ =	swait.ge [sflag:s21], $0x2800  }
0x69: {  	[sflag:s21] =	ssyncset.done $0x0  }
.Ltmp1:
0x6a: {  	s0 =	sadd.s32 $0x2800, s0;
	[sflag:s21] =	ssyncadd.s32 $0xFFFFD800;
	(pc) =	sbr.rel @p0 .LBB2_4-.Ltmp1, $4  }
0x6b: {  	[spmem:s2] =	stream.indirect.scatter.add.f32 [tilespmem:s23], [sflag:$0x3], $0x80, s0, s22, $0xb8;
	[tilespmem:$0x1F780] =	vst v63  }
0x6c: {  	_ =	swait.ge [sflag:s19], $0x2800  }
0x6d: {  	[sflag:s19] =	ssyncset.done $0x0  }
0x6e: {  	s1 =	sadd.s32 $0xA0, s1;
	[sflag:s19] =	ssyncadd.s32 $0xFFFFD800  }
0x6f: {  	[tilespmem:s23], [sflag:$0x2] =	stream.indirect.gather [hbm4b:s4+s22], $0x80, s30, s22, $0xb8;
	[tilespmem:$0x1F780] =	vst v63  }
0x70: {  	_ =	swait.ge [sflag:s20], $0x2800  }
0x71: {  	[sflag:s20] =	ssyncset.done $0x0  }
0x72: {  	[sflag:s20] =	ssyncadd.s32 $0xFFFFD800  }
0x73: {  	[spmem:s2] =	stream.indirect.scatter.add.f32 [tilespmem:s18], [sflag:$0x3], $0x80, s24, s22, $0xb8;
	[tilespmem:$0x1F780] =	vst v63  }
0x74: {  	_ =	swait.ge [sflag:s19], $0x2800  }
0x75: {  	[sflag:s19] =	ssyncset.done $0x0  }
0x76: {  	[sflag:s19] =	ssyncadd.s32 $0xFFFFD800  }
0x77: {  	[tilespmem:s18], [sflag:$0x1] =	stream.indirect.gather [hbm4b:s4+s22], $0x80, s25, s22, $0xb8;
	[tilespmem:$0x1F780] =	vst v63  }
0x78: {  	_ =	swait.ge [sflag:s21], $0x2800  }
0x79: {  	[sflag:s21] =	ssyncset.done $0x0  }
0x7a: {  	[sflag:s21] =	ssyncadd.s32 $0xFFFFD800  }
0x7b: {  	[spmem:s2] =	stream.indirect.scatter.add.f32 [tilespmem:s23], [sflag:$0x3], $0x80, s26, s22, $0xb8;
	[tilespmem:$0x1F780] =	vst v63  }
0x7c: {  	_ =	swait.ge [sflag:s19], $0x2800  }
0x7d: {  	[sflag:s19] =	ssyncset.done $0x0  }
0x7e: {  	[sflag:s19] =	ssyncadd.s32 $0xFFFFD800  }
0x7f: {  	_ =	swait.ge [sflag:s20], $0x2800  }
0x80: {  	[sflag:s20] =	ssyncset.done $0x0  }
0x81: {  	[sflag:s20] =	ssyncadd.s32 $0xFFFFD800  }
0x82: {  	[spmem:s2] =	stream.indirect.scatter.add.f32 [tilespmem:s18], [sflag:$0x3], $0x80, s28, s22, $0xb8;
	[tilespmem:$0x1F780] =	vst v63  }
0x83: {  	s0 =	stileid.u32;
	_ =	swait.ge [sflag:s19], $0x2800  }
0x84: {  	s1 =	sshrl.u32 s6, $0x3;
	s29 =	sadd.s32 $0x1, s29;
	[sflag:s19] =	ssyncset.done $0x0  }
0x85: {  	s0 =	sshll.u32 s0, $0x6;
	p0 =	sne.s32 s29, s15;
	[sflag:s19] =	ssyncadd.s32 $0xFFFFD800  }
.Ltmp2:
0x86: {  	s0 =	sor.u32 $0x1C03, s0;
	[bflag:$0x0] =	sbarrier.arrive $0xFFFF;
	(pc) =	sbr.rel @p0 .LBB2_1-.Ltmp2, $4  }
0x87: {  	[hbm:s16], [sflag:s0] =	dma.local [spmem:s1], $0x2800  }
0x88: {  	_ =	swait.ge [sflag:s19], $0x2800  }
0x89: {  	[sflag:s19] =	ssyncset.done $0x0  }
0x8a: {  	[sflag:s19] =	ssyncadd.s32 $0xFFFFD800  }
0x8b: {  	_ =	sfence.sel $0x180000  }
0x8c: {  	[bflag:$0x0] =	sbarrier.arrive $0xFFFF  }
0x8d: {  	_ =	strace $0x9000004A  }
0x8e: {  	s0 =	stileid.u32;
	[bflag:$0x2] =	sbarrier.arrive $0xFFFF  }
0x8f: {  	p0 =	sne.s32 s0, $0x0;
	s0 =	rddreg [dreg:$0x3]  }
0x90: {  	s0 =	sadd.s32 @!p0 $0x100000, s0  }
0x91: {  	[sflag:s0] =	ssyncadd.tile.s32 @!p0 $0x1;
	_ =	shalt  }
.Lfunc_end2:
_tile_overlayer_lowered:
.L_overlay_start_2:
0x92: {  	(tag) =	ssettag $0x2  }
0x93: {  	s0 =	rddreg [dreg:$0x0];
	s2 =	stileid.u32  }
0x94: {  	s1 =	rddreg [dreg:$0x1];
	p0 =	sne.s32 s2, $0x0  }
0x95: {  	s3 =	rddreg [dreg:$0x2];
	[bflag:$0x3] =	sbarrier.arrive $0xFFFF;
	s2 =	simm.s32 @!p0 $0x1C03  }
0x96: {  	[timem:s3], [sflag:s2] =	dma.local @!p0 [hbm:s0], s1  }
0x97: {  	s0 =	simm.s32 @!p0 $0x3  }
0x98: {  	_ =	swait.ge @!p0 [sflag:s0], s1  }
0x99: {  	s1 =	ssub.s32 @!p0 $0x0, s1;
	[sflag:s0] =	ssyncset.done @!p0 $0x0  }
0x9a: {  	[sflag:s0] =	ssyncadd.s32 @!p0 s1  }
0x9b: {  	[bflag:$0x3] =	sbarrier.arrive $0xFFFF  }
0x9c: {  	_ =	shalt  }

// kernel: kernel.15.cloned.1.call-start
scs
__scs_entry_jumppad:
0x0: {  	(pc) =	sbr.rel $0x88, $3  }
0x1: {  	(tag) =	ssettag $0x0;
	lr =	simm.s32 $0x1  }
0x2: {  	[smem:$0x3F99] =	sst lr;
	_ =	strace $0xD0000000  }
0x3: {  	_ = 	snop  }
0x4: {  	_ = 	snop  }
0x5: {  	_ = 	snop  }
0x6: {  	_ = 	snop  }
0x7: {  	_ = 	snop  }
__scs_overlays_trampoline_lowered:
0x8: {  	[smem:$0x3FA8] =	sst s0  }
0x9: {  	[smem:$0x3FA9] =	sst s1  }
0xa: {  	[smem:$0x3FAA] =	sst s2  }
0xb: {  	[smem:$0x3FAB] =	sst s3  }
0xc: {  	[smem:$0x3FAC] =	sst s4  }
0xd: {  	[smem:$0x3FAD] =	sst s5  }
0xe: {  	[smem:$0x3FAE] =	sst s6  }
0xf: {  	[smem:$0x3FAF] =	sst s7  }
0x10: {  	[smem:$0x3FB0] =	sst s8  }
0x11: {  	[smem:$0x3FB1] =	sst s9;
	s0 =	simm.s32 @!p0 $0x0  }
0x12: {  	s1 =	sld [smem:$0x3F97];
	s0 =	simm.s32 @p0 $0x1  }
0x13: {  	[smem:$0x3FB2] =	sst s0;
	s0 =	simm.s32 @!p1 $0x0  }
0x14: {  	s2 =	sld [smem:$0x3F96];
	s0 =	simm.s32 @p1 $0x1  }
0x15: {  	[smem:$0x3FB3] =	sst s0;
	s0 =	simm.s32 @!p2 $0x0  }
0x16: {  	s3 =	sld [smem:$0x3FDB];
	s0 =	simm.s32 @p2 $0x1  }
0x17: {  	s4 =	simm.s32 $0x1BF5;
	[smem:$0x3FB5] =	sst s0  }
0x18: {  	s0 =	sld [smem:$0x3F98];
	_ =	swait.ge [sflag:s4], $0x0  }
0x19: {  	s7 =	sld [smem:$0x3F99]  }
0x1a: {  	s8 =	sadd.s32 $0xFFFFE003, lr  }
0x1b: {  	s9 =	sadd.s32 $0xFFFFFEF7, lr;
	s5 =	simm.s32 $0xFFFFFFFF;
	p2 =	slt.u32 s8, $0xFFFFF086  }
0x1c: {  	p1 =	slt.u32 s9, $0xF7A;
	s5 =	simm.s32 @!p2 $0x0  }
0x1d: {  	s5 =	simm.s32 @p1 $0x1;
	p0 =	seq.s32 s7, s2  }
0x1e: {  	s7 =	smul.u32 @!p0 $0xF7A, s2;
	p2 =	seq.s32 @!p0 s5, $0x0  }
0x1f: {  	s9 =	smul.u32 $0xF7A, s1;
	s8 =	simm.s32 @!p0 $0x1BF5;
	p2 =	por !p2, p0  }
0x20: {  	[sflag:s8] =	ssyncset.s32 @!p0 $0xFFFFF086;
	s6 =	sadd.s32 @!p0 s3, s7;
	s7 =	simm.s32 @!p0 $0x108  }
0x21: {  	s3 =	sadd.s32 s3, s9;
	s6 =	sadd.s32 @!p0 $0x88, s6;
	s7 =	simm.s32 @p2 $0x1082  }
0x22: {  	[simem:s7], [sflag:s8] =	dma.local @!p0 [hbm:s6], $0xF7A  }
0x23: {  	s9 =	sor.u32 $0xD0000000, s2;
	s6 =	simm.s32 $0x108;
	_ =	swait.ge @!p0 [sflag:s8], $0x0  }
0x24: {  	s3 =	sadd.s32 $0x88, s3;
	s6 =	simm.s32 @!p1 $0x1082;
	[sflag:s4] =	ssyncset.s32 $0xFFFFF086  }
0x25: {  	[simem:s6], [sflag:s4] =	dma.local [hbm:s3], $0xF7A  }
0x26: {  	[smem:$0x3F99] =	sst s1;
	(tag) =	ssettag s2;
	_ =	strace s9  }
0x27: {  	s1 =	sld [smem:$0x3FA9]  }
0x28: {  	s2 =	sld [smem:$0x3FAA]  }
0x29: {  	s4 =	sld [smem:$0x3FAC]  }
0x2a: {  	p0 =	seq.s32 s5, $0x0;
	s5 =	sld [smem:$0x3FAD]  }
0x2b: {  	s6 =	sld [smem:$0x3FAE]  }
0x2c: {  	s7 =	sld [smem:$0x3FAF]  }
0x2d: {  	s3 =	simm.s32 $0x108;
	s8 =	sld [smem:$0x3FB0]  }
0x2e: {  	s3 =	simm.s32 @!p0 $0x1082;
	s9 =	sld [smem:$0x3FB1]  }
0x2f: {  	lr =	sadd.s32 s0, s3;
	s0 =	sld [smem:$0x3FA8]  }
0x30: {  	s3 =	sld [smem:$0x3FAB]  }
0x31: {  	[smem:$0x3FB4] =	sst s10  }
0x32: {  	s10 =	sld [smem:$0x3FB2];
	_ =	sdelay $0x3  }
0x33: {  	p0 =	seq.s32 s10, $0x1;
	s10 =	sld [smem:$0x3FB4];
	_ =	sdelay $0x3  }
0x34: {  	[smem:$0x3FB4] =	sst s10  }
0x35: {  	s10 =	sld [smem:$0x3FB3];
	_ =	sdelay $0x3  }
0x36: {  	p1 =	seq.s32 s10, $0x1;
	s10 =	sld [smem:$0x3FB4];
	_ =	sdelay $0x3  }
0x37: {  	[smem:$0x3FB4] =	sst s10  }
0x38: {  	s10 =	sld [smem:$0x3FB5]  }
0x39: {  	_ = 	snop;
	(pc) =	sbr.ind lr, $3  }
0x3a: {  	_ = 	snop  }
0x3b: {  	_ = 	snop  }
0x3c: {  	p2 =	seq.s32 s10, $0x1;
	s10 =	sld [smem:$0x3FB4]  }
0x3d: {  	_ =	shalt  }
0x3e: {  	_ =	shalt  }
0x3f: {  	_ =	shalt  }
0x40: {  	_ =	shalt  }
0x41: {  	_ =	shalt  }
0x42: {  	_ =	shalt  }
0x43: {  	_ =	shalt  }
0x44: {  	_ =	shalt  }
0x45: {  	_ =	shalt  }
0x46: {  	_ =	shalt  }
0x47: {  	_ =	shalt  }
0x48: {  	_ =	shalt  }
0x49: {  	_ =	shalt  }
0x4a: {  	_ =	shalt  }
0x4b: {  	_ =	shalt  }
0x4c: {  	_ =	shalt  }
0x4d: {  	_ =	shalt  }
0x4e: {  	_ =	shalt  }
0x4f: {  	_ =	shalt  }
0x50: {  	_ =	shalt  }
0x51: {  	_ =	shalt  }
0x52: {  	_ =	shalt  }
0x53: {  	_ =	shalt  }
0x54: {  	_ =	shalt  }
0x55: {  	_ =	shalt  }
0x56: {  	_ =	shalt  }
0x57: {  	_ =	shalt  }
0x58: {  	_ =	shalt  }
0x59: {  	_ =	shalt  }
0x5a: {  	_ =	shalt  }
0x5b: {  	_ =	shalt  }
0x5c: {  	_ =	shalt  }
0x5d: {  	_ =	shalt  }
0x5e: {  	_ =	shalt  }
0x5f: {  	_ =	shalt  }
0x60: {  	_ =	shalt  }
0x61: {  	_ =	shalt  }
0x62: {  	_ =	shalt  }
0x63: {  	_ =	shalt  }
0x64: {  	_ =	shalt  }
0x65: {  	_ =	shalt  }
0x66: {  	_ =	shalt  }
0x67: {  	_ =	shalt  }
0x68: {  	_ =	shalt  }
0x69: {  	_ =	shalt  }
0x6a: {  	_ =	shalt  }
0x6b: {  	_ =	shalt  }
0x6c: {  	_ =	shalt  }
0x6d: {  	_ =	shalt  }
0x6e: {  	_ =	shalt  }
0x6f: {  	_ =	shalt  }
0x70: {  	_ =	shalt  }
0x71: {  	_ =	shalt  }
0x72: {  	_ =	shalt  }
0x73: {  	_ =	shalt  }
0x74: {  	_ =	shalt  }
0x75: {  	_ =	shalt  }
0x76: {  	_ =	shalt  }
0x77: {  	_ =	shalt  }
0x78: {  	_ =	shalt  }
0x79: {  	_ =	shalt  }
0x7a: {  	_ =	shalt  }
0x7b: {  	_ =	shalt  }
0x7c: {  	_ =	shalt  }
0x7d: {  	_ =	shalt  }
0x7e: {  	_ =	shalt  }
0x7f: {  	_ =	shalt  }
0x80: {  	_ =	shalt  }
0x81: {  	_ =	shalt  }
0x82: {  	_ =	shalt  }
0x83: {  	_ =	shalt  }
0x84: {  	_ =	shalt  }
0x85: {  	_ =	shalt  }
0x86: {  	_ =	shalt  }
0x87: {  	_ =	shalt  }
.Lfunc_end0:
.L_simem_size_0:
called_computation.2_lowered:
.L_overlay_start_0:
0x88: {  	s2 =	sld [smem:$0x3FD9]  }
0x89: {  	s3 =	sld [smem:$0x3FFE];
	_ =	sdelay $0x1  }
0x8a: {  	s1 =	srdreg.scid  }
0x8b: {  	s0 =	sand.u32 $0x1, s1  }
0x8c: {  	s17 =	sshll.u32 s0, $0xA;
	s2 =	sadd.s32 s3, s2  }
0x8d: {  	s2 =	sadd.s32 s2, s17  }
0x8e: {  	[smem:$0x3FC0] =	sst s2  }
0x8f: {  	_ = 	snop  }
0x90: {  	s2 =	sld [smem:$0x3FD0];
	(tm) =	ssettm $0x1  }
0x91: {  	s18 =	sld [smem:$0x3FFB];
	_ =	sdelay $0x3  }
0x92: {  	_ =	strace s18  }
0x93: {  	s3 =	sld [smem:$0x3FFC];
	_ =	sdelay $0x3  }
0x94: {  	_ =	strace s3  }
0x95: {  	s3 =	sld [smem:$0x3FFD];
	_ =	sdelay $0x3  }
0x96: {  	_ =	strace s3  }
0x97: {  	_ =	strace $0x8FFFFFFF  }
0x98: {  	s19 =	sld [smem:$0x3FDB];
	_ =	sdelay $0x1  }
0x99: {  	s4 =	simm.s32 $_scs_section_size  }
0x9a: {  	s5 =	simm.s32 $_size__tile_overlayer_lowered;
	s6 =	simm.s32 $_tile_overlayer_lowered  }
0x9b: {  	s22 =	simm.s32 $0x1BFF;
	s21 =	sshll.u32 s6, $0x1;
	s3 =	sadd.s32 s4, s19  }
0x9c: {  	s7 =	simm.s32 $0x0;
	s20 =	sshll.u32 s5, $0x1;
	s5 =	sadd.s32 s21, s3  }
0x9d: {  	[timem:s7], [sflag:s22] =	dma.local [hbm:s5], s20  }
0x9e: {  	_ =	swait.ge [sflag:s22], s20  }
0x9f: {  	s4 =	ssub.s32 $0x0, s20;
	[sflag:s22] =	ssyncset.done $0x0  }
0xa0: {  	[sflag:s22] =	ssyncadd.s32 s4;
	_ =	sdelay $0x1  }
0xa1: {  	s23 =	simm.s32 $0x1B8B  }
0xa2: {  	_ =	swait.ge [sflag:s23], $0x1  }
0xa3: {  	[sflag:s23] =	ssyncset.done $0x0  }
0xa4: {  	s25 =	simm.s32 $0x1B8E;
	s24 =	sld [smem:$0x3FFE];
	[sflag:s23] =	ssyncadd.s32 $0xFFFFFFFF  }
0xa5: {  	s26 =	simm.s32 $execute0_lowered;
	[smem:$0x3FD2] =	sst s25  }
0xa6: {  	s5 =	sshll.u32 s26, $0x1;
	_ =	strace $0x8000004C;
	[dreg:$0x1] =	wrdreg $0xFFFFFFFF  }
0xa7: {  	s28 =	simm.s32 $_size_execute0_lowered;
	s3 =	sadd.s32 s3, s5;
	[dreg:$0x0] =	wrdreg $0x0  }
0xa8: {  	s5 =	sshll.u32 s28, $0x1;
	[dreg:$0x2] =	wrdreg s3  }
0xa9: {  	[dreg:$0x3] =	wrdreg s5  }
0xaa: {  	[dreg:$0x4] =	wrdreg $0xC0  }
0xab: {  	_ =	task [dreg:s7], $0x5FFFF  }
0xac: {  	[dreg:$0x1] =	wrdreg $0xFFFFFFFF  }
0xad: {  	[dreg:$0x0] =	wrdreg $0x60  }
0xae: {  	[dreg:$0x2] =	wrdreg s24  }
0xaf: {  	[dreg:$0x3] =	wrdreg s2  }
0xb0: {  	[dreg:$0x4] =	wrdreg $0xB7800  }
0xb1: {  	[dreg:$0x5] =	wrdreg $0x9  }
0xb2: {  	_ =	task.clear_ibuf [dreg:s7], $0x6FFFF;
	_ =	strace $0x9000004C  }
0xb3: {  	s29 =	simm.s32 $0x9;
	_ =	strace $0x8000004E  }
0xb4: {  	_ =	swait.ge [sflag:s29], $0x1  }
0xb5: {  	[sflag:s29] =	ssyncadd.s32 $0xFFFFFFFF  }
0xb6: {  	_ =	strace $0x9000004E  }
0xb7: {  	_ =	sfence  }
0xb8: {  	s30 =	sld [smem:$0x0];
	_ =	sdelay $0x2  }
0xb9: {  	s31 =	sshll.u32 s1, $0xD;
	s1 =	sshrl.u32 s1, $0x2  }
0xba: {  	s3 =	sand.u32 $0x4000, s31;
	s1 =	sadd.s32 s1, s30  }
0xbb: {  	s0 =	sor.u32 s3, s0;
	s1 =	sshll.u32 s1, $0x11  }
0xbc: {  	s0 =	sor.u32 s1, s0  }
0xbd: {  	s0 =	sadd.s32 $0x8F2B, s0  }
0xbe: {  	[sflag:s0] =	ssyncadd.remote.s32 $0x1  }
0xbf: {  	_ =	sfence.sel $0xFFFF  }
0xc0: {  	[dreg:$0x0] =	wrdreg $0xFFFFFFFF;
	(pc) =	sbr.abs _section_cstart, $3  }
0xc1: {  	[dreg:$0x1] =	wrdreg $0xFFFFFFFF  }
0xc2: {  	_ =	task.clear_ibuf [dreg:s7], $0x2FFFF;
	_ =	strace $0x9FFFFFFF  }
0xc3: {  	(tm) =	ssettm $0x7FFFFFFF  }
tec
execute0_lowered:
.L_overlay_start_1:
0x0: {  	(tag) =	ssettag $0x1  }
0x1: {  	s1 =	rddreg [dreg:$0x0]  }
0x2: {  	s2 =	srdreg.scid;
	s0 =	stileid.u32  }
0x3: {  	s7 =	rddreg [dreg:$0x1];
	s14 =	simm.s32 $0x5D400;
	s18 =	simm.s32 $0x6780  }
0x4: {  	s19 =	simm.s32 $0x3;
	s20 =	simm.s32 $0x1;
	s21 =	simm.s32 $0x2  }
0x5: {  	s22 =	simm.s32 $0x50;
	s23 =	simm.s32 $0x8F80;
	s24 =	simm.s32 $0x6480  }
0x6: {  	s25 =	simm.s32 $0x26C0;
	s26 =	simm.s32 $0x6500;
	s28 =	simm.s32 $0x6580  }
0x7: {  	s29 =	simm.s32 $0x0;
	s11 =	sand.u32 $0x1, s2;
	s3 =	sshll.u32 s0, $0x1  }
0x8: {  	s2 =	rddreg [dreg:$0x2];
	s9 =	smul.u32 $0x50000, s0;
	s4 =	sadd.s32 $0xD400, s1  }
0x9: {  	s16 =	smul.u32 $0x2800, s0;
	s6 =	sor.u32 s11, s3;
	s3 =	simm.s32 $0x0  }
0xa: {  	s8 =	ssub.s32 $0x2, s11;
	p0 =	seq.s32 s11, $0x1;
	s5 =	smul.u32 $0x4E2, s6  }
0xb: {  	[smem:$0x7FF] =	sst s3;
	s10 =	sshrl.u32 s8, $0x1;
	s30 =	sshrl.u32 s9, $0x2  }
0xc: {  	s31 =	sshll.u32 s6, $0xB;
	s14 =	simm.s32 @!p0 $0x35400;
	_ =	strace $0x8000004D  }
0xd: {  	s15 =	ssub.s32 s8, s10;
	s6 =	sadd.s32 s30, s2;
	s7 =	sadd.s32 s7, s31  }
0xe: {  	s5 =	sadd.s32 s5, s1;
	s8 =	sadd.s32 $0x2800, s6;
	s9 =	sadd.s32 $0x5000, s6  }
0xf: {  	s10 =	sadd.s32 $0x7800, s6;
	s11 =	sadd.s32 $0xA000, s6;
	s12 =	sadd.s32 $0xC800, s6  }
0x10: {  	s13 =	sadd.s32 $0xF000, s6;
	s1 =	sadd.s32 s14, s1;
	s14 =	sadd.s32 $0x11800, s6  }
0x11: {  	v0 =	vimm.f32 $0.0e+00;
	s15 =	smax.u32 s15, $0x1;
	s5 =	sadd.s32 $0x3600, s5;
	s16 =	sadd.s32 s1, s16  }
.LBB2_1:
0x12: {  	[tilespmem:s3], [sflag:$0x1] =	stream.linear.gather [hbm4b:s5+s3], $0x2710, $0x38;
	[tilespmem:$0x1F780] =	vst v63  }
0x13: {  	s0 =	simm.s32 $0x2780;
	s1 =	simm.s32 $0x0;
	s30 =	simm.s32 $0x200  }
0x14: {  	[tilespmem:s0], [sflag:$0x2] =	stream.linear.gather [hbm4b:s7+s3], $0x3E80, $0x38;
	[tilespmem:$0x1F780] =	vst v63  }
.LBB2_2:
0x15: {  	p0 =	sne.s32 s30, $0x9E00;
	[tilespmem:s1+$0x67F0] =	vst v0  }
0x16: {  	[tilespmem:s1+$0x6780] =	vst v0  }
0x17: {  	[tilespmem:s1+$0x6790] =	vst v0  }
.Ltmp0:
0x18: {  	[tilespmem:s1+$0x67A0] =	vst v0;
	(pc) =	sbr.rel @p0 .LBB2_2-.Ltmp0, $4  }
0x19: {  	[tilespmem:s1+$0x67B0] =	vst v0  }
0x1a: {  	[tilespmem:s1+$0x67C0] =	vst v0  }
0x1b: {  	[tilespmem:s1+$0x67D0] =	vst v0  }
0x1c: {  	[tilespmem:s1+$0x67E0] =	vst v0;
	s1 =	sshra.s32 s30, $0x2;
	s30 =	sadd.s32 $0x200, s30  }
0x1d: {  	[tilespmem:s1+$0x67F0] =	vst v0  }
0x1e: {  	[tilespmem:s1+$0x6780] =	vst v0  }
0x1f: {  	[tilespmem:s1+$0x6790] =	vst v0  }
0x20: {  	[tilespmem:s1+$0x67A0] =	vst v0  }
0x21: {  	[tilespmem:s1+$0x67B0] =	vst v0  }
0x22: {  	[tilespmem:s1+$0x67C0] =	vst v0  }
0x23: {  	[tilespmem:s1+$0x67D0] =	vst v0  }
0x24: {  	[tilespmem:s1+$0x67E0] =	vst v0  }
0x25: {  	[spmem:s6] =	stream.linear.scatter [tilespmem:s18], [sflag:$0x3], $0x2800, $0x38;
	[tilespmem:$0x1F780] =	vst v63  }
0x26: {  	_ =	swait.ge [sflag:s19], $0x2800  }
0x27: {  	[sflag:s19] =	ssyncset.done $0x0  }
0x28: {  	[sflag:s19] =	ssyncadd.s32 $0xFFFFD800  }
0x29: {  	[spmem:s8] =	stream.linear.scatter [tilespmem:s18], [sflag:$0x3], $0x2800, $0x38;
	[tilespmem:$0x1F780] =	vst v63  }
0x2a: {  	_ =	swait.ge [sflag:s19], $0x2800  }
0x2b: {  	[sflag:s19] =	ssyncset.done $0x0  }
0x2c: {  	[sflag:s19] =	ssyncadd.s32 $0xFFFFD800  }
0x2d: {  	[spmem:s9] =	stream.linear.scatter [tilespmem:s18], [sflag:$0x3], $0x2800, $0x38;
	[tilespmem:$0x1F780] =	vst v63  }
0x2e: {  	_ =	swait.ge [sflag:s19], $0x2800  }
0x2f: {  	[sflag:s19] =	ssyncset.done $0x0  }
0x30: {  	[sflag:s19] =	ssyncadd.s32 $0xFFFFD800  }
0x31: {  	[spmem:s10] =	stream.linear.scatter [tilespmem:s18], [sflag:$0x3], $0x2800, $0x38;
	[tilespmem:$0x1F780] =	vst v63  }
0x32: {  	_ =	swait.ge [sflag:s19], $0x2800  }
0x33: {  	[sflag:s19] =	ssyncset.done $0x0  }
0x34: {  	[sflag:s19] =	ssyncadd.s32 $0xFFFFD800  }
0x35: {  	[spmem:s11] =	stream.linear.scatter [tilespmem:s18], [sflag:$0x3], $0x2800, $0x38;
	[tilespmem:$0x1F780] =	vst v63  }
0x36: {  	_ =	swait.ge [sflag:s19], $0x2800  }
0x37: {  	[sflag:s19] =	ssyncset.done $0x0  }
0x38: {  	[sflag:s19] =	ssyncadd.s32 $0xFFFFD800  }
0x39: {  	[spmem:s12] =	stream.linear.scatter [tilespmem:s18], [sflag:$0x3], $0x2800, $0x38;
	[tilespmem:$0x1F780] =	vst v63  }
0x3a: {  	_ =	swait.ge [sflag:s19], $0x2800  }
0x3b: {  	[sflag:s19] =	ssyncset.done $0x0  }
0x3c: {  	[sflag:s19] =	ssyncadd.s32 $0xFFFFD800  }
0x3d: {  	[spmem:s13] =	stream.linear.scatter [tilespmem:s18], [sflag:$0x3], $0x2800, $0x38;
	[tilespmem:$0x1F780] =	vst v63  }
0x3e: {  	_ =	swait.ge [sflag:s19], $0x2800  }
0x3f: {  	[sflag:s19] =	ssyncset.done $0x0  }
0x40: {  	[sflag:s19] =	ssyncadd.s32 $0xFFFFD800  }
0x41: {  	[spmem:s14] =	stream.linear.scatter [tilespmem:s18], [sflag:$0x3], $0x2800, $0x38;
	[tilespmem:$0x1F780] =	vst v63  }
0x42: {  	_ =	swait.ge [sflag:s19], $0x2800  }
0x43: {  	[sflag:s19] =	ssyncset.done $0x0  }
0x44: {  	[sflag:s19] =	ssyncadd.s32 $0xFFFFD800  }
0x45: {  	_ =	swait.ge [sflag:s20], $0x2710  }
0x46: {  	[sflag:s20] =	ssyncset.done $0x0  }
0x47: {  	[sflag:s20] =	ssyncadd.s32 $0xFFFFD8F0  }
0x48: {  	_ =	swait.ge [sflag:s21], $0x3E80  }
0x49: {  	[sflag:s21] =	ssyncset.done $0x0  }
0x4a: {  	s0 =	simm.s32 $0x0;
	[sflag:s21] =	ssyncadd.s32 $0xFFFFC180  }
0x4b: {  	[tilespmem:s18], [sflag:$0x1] =	stream.indirect.gather [hbm4b:s4+s22], $0x80, s0, s22, $0xb8;
	[tilespmem:$0x1F780] =	vst v63  }
0x4c: {  	_ = 	snop  }
0x4d: {  	[tilespmem:s23], [sflag:$0x2] =	stream.indirect.gather [hbm4b:s4+s22], $0x80, s22, s22, $0xb8;
	[tilespmem:$0x1F780] =	vst v63  }
0x4e: {  	[bflag:$0x0] =	sbarrier.arrive $0xFFFF  }
0x4f: {  	_ =	swait.ge [sflag:s20], $0x2800  }
0x50: {  	[sflag:s20] =	ssyncset.done $0x0  }
0x51: {  	s17 =	simm.s32 $0x2780;
	[sflag:s20] =	ssyncadd.s32 $0xFFFFD800  }
0x52: {  	[spmem:s2] =	stream.indirect.scatter.add.f32 [tilespmem:s18], [sflag:$0x3], $0x80, s17, s22, $0xb8;
	[tilespmem:$0x1F780] =	vst v63  }
0x53: {  	_ =	swait.ge [sflag:s19], $0x2800  }
0x54: {  	[sflag:s19] =	ssyncset.done $0x0  }
0x55: {  	s0 =	simm.s32 $0xA0;
	[sflag:s19] =	ssyncadd.s32 $0xFFFFD800  }
0x56: {  	[tilespmem:s18], [sflag:$0x1] =	stream.indirect.gather [hbm4b:s4+s22], $0x80, s0, s22, $0xb8;
	[tilespmem:$0x1F780] =	vst v63  }
0x57: {  	_ =	swait.ge [sflag:s21], $0x2800  }
0x58: {  	[sflag:s21] =	ssyncset.done $0x0  }
0x59: {  	s17 =	simm.s32 $0x2800;
	[sflag:s21] =	ssyncadd.s32 $0xFFFFD800  }
0x5a: {  	[spmem:s2] =	stream.indirect.scatter.add.f32 [tilespmem:s23], [sflag:$0x3], $0x80, s17, s22, $0xb8;
	[tilespmem:$0x1F780] =	vst v63  }
0x5b: {  	_ =	swait.ge [sflag:s19], $0x2800  }
0x5c: {  	s30 =	simm.s32 $0xF0;
	[sflag:s19] =	ssyncset.done $0x0  }
0x5d: {  	s31 =	simm.s32 $0x400;
	s1 =	simm.s32 $0x190;
	[sflag:s19] =	ssyncadd.s32 $0xFFFFD800  }
.LBB2_4:
0x5e: {  	[tilespmem:s23], [sflag:$0x2] =	stream.indirect.gather [hbm4b:s4+s22], $0x80, s30, s22, $0xb8;
	[tilespmem:$0x1F780] =	vst v63  }
0x5f: {  	s0 =	smov.u32 s31;
	s30 =	smov.u32 s1  }
0x60: {  	p0 =	sne.s32 s31, $0xF000;
	s31 =	sadd.s32 $0x400, s31;
	_ =	swait.ge [sflag:s20], $0x2800  }
0x61: {  	s0 =	sshra.s32 s0, $0x2;
	[sflag:s20] =	ssyncset.done $0x0  }
0x62: {  	s17 =	sadd.s32 $0x2780, s0;
	[sflag:s20] =	ssyncadd.s32 $0xFFFFD800  }
0x63: {  	[spmem:s2] =	stream.indirect.scatter.add.f32 [tilespmem:s18], [sflag:$0x3], $0x80, s17, s22, $0xb8;
	[tilespmem:$0x1F780] =	vst v63  }
0x64: {  	_ =	swait.ge [sflag:s19], $0x2800  }
0x65: {  	[sflag:s19] =	ssyncset.done $0x0  }
0x66: {  	s17 =	sadd.s32 $0xFFFFFFB0, s1;
	[sflag:s19] =	ssyncadd.s32 $0xFFFFD800  }
0x67: {  	[tilespmem:s18], [sflag:$0x1] =	stream.indirect.gather [hbm4b:s4+s22], $0x80, s17, s22, $0xb8;
	[tilespmem:$0x1F780] =	vst v63  }
0x68: {  	_ =	swait.ge [sflag:s21], $0x2800  }
0x69: {  	[sflag:s21] =	ssyncset.done $0x0  }
.Ltmp1:
0x6a: {  	s0 =	sadd.s32 $0x2800, s0;
	[sflag:s21] =	ssyncadd.s32 $0xFFFFD800;
	(pc) =	sbr.rel @p0 .LBB2_4-.Ltmp1, $4  }
0x6b: {  	[spmem:s2] =	stream.indirect.scatter.add.f32 [tilespmem:s23], [sflag:$0x3], $0x80, s0, s22, $0xb8;
	[tilespmem:$0x1F780] =	vst v63  }
0x6c: {  	_ =	swait.ge [sflag:s19], $0x2800  }
0x6d: {  	[sflag:s19] =	ssyncset.done $0x0  }
0x6e: {  	s1 =	sadd.s32 $0xA0, s1;
	[sflag:s19] =	ssyncadd.s32 $0xFFFFD800  }
0x6f: {  	[tilespmem:s23], [sflag:$0x2] =	stream.indirect.gather [hbm4b:s4+s22], $0x80, s30, s22, $0xb8;
	[tilespmem:$0x1F780] =	vst v63  }
0x70: {  	_ =	swait.ge [sflag:s20], $0x2800  }
0x71: {  	[sflag:s20] =	ssyncset.done $0x0  }
0x72: {  	[sflag:s20] =	ssyncadd.s32 $0xFFFFD800  }
0x73: {  	[spmem:s2] =	stream.indirect.scatter.add.f32 [tilespmem:s18], [sflag:$0x3], $0x80, s24, s22, $0xb8;
	[tilespmem:$0x1F780] =	vst v63  }
0x74: {  	_ =	swait.ge [sflag:s19], $0x2800  }
0x75: {  	[sflag:s19] =	ssyncset.done $0x0  }
0x76: {  	[sflag:s19] =	ssyncadd.s32 $0xFFFFD800  }
0x77: {  	[tilespmem:s18], [sflag:$0x1] =	stream.indirect.gather [hbm4b:s4+s22], $0x80, s25, s22, $0xb8;
	[tilespmem:$0x1F780] =	vst v63  }
0x78: {  	_ =	swait.ge [sflag:s21], $0x2800  }
0x79: {  	[sflag:s21] =	ssyncset.done $0x0  }
0x7a: {  	[sflag:s21] =	ssyncadd.s32 $0xFFFFD800  }
0x7b: {  	[spmem:s2] =	stream.indirect.scatter.add.f32 [tilespmem:s23], [sflag:$0x3], $0x80, s26, s22, $0xb8;
	[tilespmem:$0x1F780] =	vst v63  }
0x7c: {  	_ =	swait.ge [sflag:s19], $0x2800  }
0x7d: {  	[sflag:s19] =	ssyncset.done $0x0  }
0x7e: {  	[sflag:s19] =	ssyncadd.s32 $0xFFFFD800  }
0x7f: {  	_ =	swait.ge [sflag:s20], $0x2800  }
0x80: {  	[sflag:s20] =	ssyncset.done $0x0  }
0x81: {  	[sflag:s20] =	ssyncadd.s32 $0xFFFFD800  }
0x82: {  	[spmem:s2] =	stream.indirect.scatter.add.f32 [tilespmem:s18], [sflag:$0x3], $0x80, s28, s22, $0xb8;
	[tilespmem:$0x1F780] =	vst v63  }
0x83: {  	s0 =	stileid.u32;
	_ =	swait.ge [sflag:s19], $0x2800  }
0x84: {  	s1 =	sshrl.u32 s6, $0x3;
	s29 =	sadd.s32 $0x1, s29;
	[sflag:s19] =	ssyncset.done $0x0  }
0x85: {  	s0 =	sshll.u32 s0, $0x6;
	p0 =	sne.s32 s29, s15;
	[sflag:s19] =	ssyncadd.s32 $0xFFFFD800  }
.Ltmp2:
0x86: {  	s0 =	sor.u32 $0x1C03, s0;
	[bflag:$0x0] =	sbarrier.arrive $0xFFFF;
	(pc) =	sbr.rel @p0 .LBB2_1-.Ltmp2, $4  }
0x87: {  	[hbm:s16], [sflag:s0] =	dma.local [spmem:s1], $0x2800  }
0x88: {  	_ =	swait.ge [sflag:s19], $0x2800  }
0x89: {  	[sflag:s19] =	ssyncset.done $0x0  }
0x8a: {  	[sflag:s19] =	ssyncadd.s32 $0xFFFFD800  }
0x8b: {  	_ =	sfence.sel $0x180000  }
0x8c: {  	[bflag:$0x0] =	sbarrier.arrive $0xFFFF  }
0x8d: {  	_ =	strace $0x9000004D  }
0x8e: {  	s0 =	stileid.u32;
	[bflag:$0x2] =	sbarrier.arrive $0xFFFF  }
0x8f: {  	p0 =	sne.s32 s0, $0x0;
	s0 =	rddreg [dreg:$0x3]  }
0x90: {  	s0 =	sadd.s32 @!p0 $0x100000, s0  }
0x91: {  	[sflag:s0] =	ssyncadd.tile.s32 @!p0 $0x1;
	_ =	shalt  }
.Lfunc_end2:
_tile_overlayer_lowered:
.L_overlay_start_2:
0x92: {  	(tag) =	ssettag $0x2  }
0x93: {  	s0 =	rddreg [dreg:$0x0];
	s2 =	stileid.u32  }
0x94: {  	s1 =	rddreg [dreg:$0x1];
	p0 =	sne.s32 s2, $0x0  }
0x95: {  	s3 =	rddreg [dreg:$0x2];
	[bflag:$0x3] =	sbarrier.arrive $0xFFFF;
	s2 =	simm.s32 @!p0 $0x1C03  }
0x96: {  	[timem:s3], [sflag:s2] =	dma.local @!p0 [hbm:s0], s1  }
0x97: {  	s0 =	simm.s32 @!p0 $0x3  }
0x98: {  	_ =	swait.ge @!p0 [sflag:s0], s1  }
0x99: {  	s1 =	ssub.s32 @!p0 $0x0, s1;
	[sflag:s0] =	ssyncset.done @!p0 $0x0  }
0x9a: {  	[sflag:s0] =	ssyncadd.s32 @!p0 s1  }
0x9b: {  	[bflag:$0x3] =	sbarrier.arrive $0xFFFF  }
0x9c: {  	_ =	shalt  }

// kernel: kernel.9.cloned.1.call-start
scs
__scs_entry_jumppad:
0x0: {  	(pc) =	sbr.rel $0x88, $3  }
0x1: {  	(tag) =	ssettag $0x0;
	lr =	simm.s32 $0x1  }
0x2: {  	[smem:$0x3F99] =	sst lr;
	_ =	strace $0xD0000000  }
0x3: {  	_ = 	snop  }
0x4: {  	_ = 	snop  }
0x5: {  	_ = 	snop  }
0x6: {  	_ = 	snop  }
0x7: {  	_ = 	snop  }
__scs_overlays_trampoline_lowered:
0x8: {  	[smem:$0x3FA8] =	sst s0  }
0x9: {  	[smem:$0x3FA9] =	sst s1  }
0xa: {  	[smem:$0x3FAA] =	sst s2  }
0xb: {  	[smem:$0x3FAB] =	sst s3  }
0xc: {  	[smem:$0x3FAC] =	sst s4  }
0xd: {  	[smem:$0x3FAD] =	sst s5  }
0xe: {  	[smem:$0x3FAE] =	sst s6  }
0xf: {  	[smem:$0x3FAF] =	sst s7  }
0x10: {  	[smem:$0x3FB0] =	sst s8  }
0x11: {  	[smem:$0x3FB1] =	sst s9;
	s0 =	simm.s32 @!p0 $0x0  }
0x12: {  	s1 =	sld [smem:$0x3F97];
	s0 =	simm.s32 @p0 $0x1  }
0x13: {  	[smem:$0x3FB2] =	sst s0;
	s0 =	simm.s32 @!p1 $0x0  }
0x14: {  	s2 =	sld [smem:$0x3F96];
	s0 =	simm.s32 @p1 $0x1  }
0x15: {  	[smem:$0x3FB3] =	sst s0;
	s0 =	simm.s32 @!p2 $0x0  }
0x16: {  	s3 =	sld [smem:$0x3FDB];
	s0 =	simm.s32 @p2 $0x1  }
0x17: {  	s4 =	simm.s32 $0x1BF5;
	[smem:$0x3FB5] =	sst s0  }
0x18: {  	s0 =	sld [smem:$0x3F98];
	_ =	swait.ge [sflag:s4], $0x0  }
0x19: {  	s7 =	sld [smem:$0x3F99]  }
0x1a: {  	s8 =	sadd.s32 $0xFFFFE003, lr  }
0x1b: {  	s9 =	sadd.s32 $0xFFFFFEF7, lr;
	s5 =	simm.s32 $0xFFFFFFFF;
	p2 =	slt.u32 s8, $0xFFFFF086  }
0x1c: {  	p1 =	slt.u32 s9, $0xF7A;
	s5 =	simm.s32 @!p2 $0x0  }
0x1d: {  	s5 =	simm.s32 @p1 $0x1;
	p0 =	seq.s32 s7, s2  }
0x1e: {  	s7 =	smul.u32 @!p0 $0xF7A, s2;
	p2 =	seq.s32 @!p0 s5, $0x0  }
0x1f: {  	s9 =	smul.u32 $0xF7A, s1;
	s8 =	simm.s32 @!p0 $0x1BF5;
	p2 =	por !p2, p0  }
0x20: {  	[sflag:s8] =	ssyncset.s32 @!p0 $0xFFFFF086;
	s6 =	sadd.s32 @!p0 s3, s7;
	s7 =	simm.s32 @!p0 $0x108  }
0x21: {  	s3 =	sadd.s32 s3, s9;
	s6 =	sadd.s32 @!p0 $0x88, s6;
	s7 =	simm.s32 @p2 $0x1082  }
0x22: {  	[simem:s7], [sflag:s8] =	dma.local @!p0 [hbm:s6], $0xF7A  }
0x23: {  	s9 =	sor.u32 $0xD0000000, s2;
	s6 =	simm.s32 $0x108;
	_ =	swait.ge @!p0 [sflag:s8], $0x0  }
0x24: {  	s3 =	sadd.s32 $0x88, s3;
	s6 =	simm.s32 @!p1 $0x1082;
	[sflag:s4] =	ssyncset.s32 $0xFFFFF086  }
0x25: {  	[simem:s6], [sflag:s4] =	dma.local [hbm:s3], $0xF7A  }
0x26: {  	[smem:$0x3F99] =	sst s1;
	(tag) =	ssettag s2;
	_ =	strace s9  }
0x27: {  	s1 =	sld [smem:$0x3FA9]  }
0x28: {  	s2 =	sld [smem:$0x3FAA]  }
0x29: {  	s4 =	sld [smem:$0x3FAC]  }
0x2a: {  	p0 =	seq.s32 s5, $0x0;
	s5 =	sld [smem:$0x3FAD]  }
0x2b: {  	s6 =	sld [smem:$0x3FAE]  }
0x2c: {  	s7 =	sld [smem:$0x3FAF]  }
0x2d: {  	s3 =	simm.s32 $0x108;
	s8 =	sld [smem:$0x3FB0]  }
0x2e: {  	s3 =	simm.s32 @!p0 $0x1082;
	s9 =	sld [smem:$0x3FB1]  }
0x2f: {  	lr =	sadd.s32 s0, s3;
	s0 =	sld [smem:$0x3FA8]  }
0x30: {  	s3 =	sld [smem:$0x3FAB]  }
0x31: {  	[smem:$0x3FB4] =	sst s10  }
0x32: {  	s10 =	sld [smem:$0x3FB2];
	_ =	sdelay $0x3  }
0x33: {  	p0 =	seq.s32 s10, $0x1;
	s10 =	sld [smem:$0x3FB4];
	_ =	sdelay $0x3  }
0x34: {  	[smem:$0x3FB4] =	sst s10  }
0x35: {  	s10 =	sld [smem:$0x3FB3];
	_ =	sdelay $0x3  }
0x36: {  	p1 =	seq.s32 s10, $0x1;
	s10 =	sld [smem:$0x3FB4];
	_ =	sdelay $0x3  }
0x37: {  	[smem:$0x3FB4] =	sst s10  }
0x38: {  	s10 =	sld [smem:$0x3FB5]  }
0x39: {  	_ = 	snop;
	(pc) =	sbr.ind lr, $3  }
0x3a: {  	_ = 	snop  }
0x3b: {  	_ = 	snop  }
0x3c: {  	p2 =	seq.s32 s10, $0x1;
	s10 =	sld [smem:$0x3FB4]  }
0x3d: {  	_ =	shalt  }
0x3e: {  	_ =	shalt  }
0x3f: {  	_ =	shalt  }
0x40: {  	_ =	shalt  }
0x41: {  	_ =	shalt  }
0x42: {  	_ =	shalt  }
0x43: {  	_ =	shalt  }
0x44: {  	_ =	shalt  }
0x45: {  	_ =	shalt  }
0x46: {  	_ =	shalt  }
0x47: {  	_ =	shalt  }
0x48: {  	_ =	shalt  }
0x49: {  	_ =	shalt  }
0x4a: {  	_ =	shalt  }
0x4b: {  	_ =	shalt  }
0x4c: {  	_ =	shalt  }
0x4d: {  	_ =	shalt  }
0x4e: {  	_ =	shalt  }
0x4f: {  	_ =	shalt  }
0x50: {  	_ =	shalt  }
0x51: {  	_ =	shalt  }
0x52: {  	_ =	shalt  }
0x53: {  	_ =	shalt  }
0x54: {  	_ =	shalt  }
0x55: {  	_ =	shalt  }
0x56: {  	_ =	shalt  }
0x57: {  	_ =	shalt  }
0x58: {  	_ =	shalt  }
0x59: {  	_ =	shalt  }
0x5a: {  	_ =	shalt  }
0x5b: {  	_ =	shalt  }
0x5c: {  	_ =	shalt  }
0x5d: {  	_ =	shalt  }
0x5e: {  	_ =	shalt  }
0x5f: {  	_ =	shalt  }
0x60: {  	_ =	shalt  }
0x61: {  	_ =	shalt  }
0x62: {  	_ =	shalt  }
0x63: {  	_ =	shalt  }
0x64: {  	_ =	shalt  }
0x65: {  	_ =	shalt  }
0x66: {  	_ =	shalt  }
0x67: {  	_ =	shalt  }
0x68: {  	_ =	shalt  }
0x69: {  	_ =	shalt  }
0x6a: {  	_ =	shalt  }
0x6b: {  	_ =	shalt  }
0x6c: {  	_ =	shalt  }
0x6d: {  	_ =	shalt  }
0x6e: {  	_ =	shalt  }
0x6f: {  	_ =	shalt  }
0x70: {  	_ =	shalt  }
0x71: {  	_ =	shalt  }
0x72: {  	_ =	shalt  }
0x73: {  	_ =	shalt  }
0x74: {  	_ =	shalt  }
0x75: {  	_ =	shalt  }
0x76: {  	_ =	shalt  }
0x77: {  	_ =	shalt  }
0x78: {  	_ =	shalt  }
0x79: {  	_ =	shalt  }
0x7a: {  	_ =	shalt  }
0x7b: {  	_ =	shalt  }
0x7c: {  	_ =	shalt  }
0x7d: {  	_ =	shalt  }
0x7e: {  	_ =	shalt  }
0x7f: {  	_ =	shalt  }
0x80: {  	_ =	shalt  }
0x81: {  	_ =	shalt  }
0x82: {  	_ =	shalt  }
0x83: {  	_ =	shalt  }
0x84: {  	_ =	shalt  }
0x85: {  	_ =	shalt  }
0x86: {  	_ =	shalt  }
0x87: {  	_ =	shalt  }
.Lfunc_end0:
.L_simem_size_0:
called_computation_lowered:
.L_overlay_start_0:
0x88: {  	s2 =	sld [smem:$0x3FD9]  }
0x89: {  	s3 =	sld [smem:$0x3FFE];
	_ =	sdelay $0x1  }
0x8a: {  	s1 =	srdreg.scid  }
0x8b: {  	s0 =	sand.u32 $0x1, s1  }
0x8c: {  	s17 =	sshll.u32 s0, $0xA;
	s2 =	sadd.s32 s3, s2  }
0x8d: {  	s2 =	sadd.s32 s2, s17  }
0x8e: {  	[smem:$0x3FC0] =	sst s2  }
0x8f: {  	_ = 	snop  }
0x90: {  	s2 =	sld [smem:$0x3FD0];
	(tm) =	ssettm $0x1  }
0x91: {  	s18 =	sld [smem:$0x3FFB];
	_ =	sdelay $0x3  }
0x92: {  	_ =	strace s18  }
0x93: {  	s3 =	sld [smem:$0x3FFC];
	_ =	sdelay $0x3  }
0x94: {  	_ =	strace s3  }
0x95: {  	s3 =	sld [smem:$0x3FFD];
	_ =	sdelay $0x3  }
0x96: {  	_ =	strace s3  }
0x97: {  	_ =	strace $0x8FFFFFFF  }
0x98: {  	s19 =	sld [smem:$0x3FDB];
	_ =	sdelay $0x1  }
0x99: {  	s4 =	simm.s32 $_scs_section_size  }
0x9a: {  	s5 =	simm.s32 $_size__tile_overlayer_lowered;
	s6 =	simm.s32 $_tile_overlayer_lowered  }
0x9b: {  	s22 =	simm.s32 $0x1BFF;
	s21 =	sshll.u32 s6, $0x1;
	s3 =	sadd.s32 s4, s19  }
0x9c: {  	s7 =	simm.s32 $0x0;
	s20 =	sshll.u32 s5, $0x1;
	s5 =	sadd.s32 s21, s3  }
0x9d: {  	[timem:s7], [sflag:s22] =	dma.local [hbm:s5], s20  }
0x9e: {  	_ =	swait.ge [sflag:s22], s20  }
0x9f: {  	s4 =	ssub.s32 $0x0, s20;
	[sflag:s22] =	ssyncset.done $0x0  }
0xa0: {  	[sflag:s22] =	ssyncadd.s32 s4;
	_ =	sdelay $0x1  }
0xa1: {  	s23 =	simm.s32 $0x1B8B  }
0xa2: {  	_ =	swait.ge [sflag:s23], $0x1  }
0xa3: {  	[sflag:s23] =	ssyncset.done $0x0  }
0xa4: {  	s25 =	simm.s32 $0x1B8E;
	s24 =	sld [smem:$0x3FFE];
	[sflag:s23] =	ssyncadd.s32 $0xFFFFFFFF  }
0xa5: {  	s26 =	simm.s32 $execute0_lowered;
	[smem:$0x3FD2] =	sst s25  }
0xa6: {  	s5 =	sshll.u32 s26, $0x1;
	_ =	strace $0x80000046;
	[dreg:$0x1] =	wrdreg $0xFFFFFFFF  }
0xa7: {  	s28 =	simm.s32 $_size_execute0_lowered;
	s3 =	sadd.s32 s3, s5;
	[dreg:$0x0] =	wrdreg $0x0  }
0xa8: {  	s5 =	sshll.u32 s28, $0x1;
	[dreg:$0x2] =	wrdreg s3  }
0xa9: {  	[dreg:$0x3] =	wrdreg s5  }
0xaa: {  	[dreg:$0x4] =	wrdreg $0xC0  }
0xab: {  	_ =	task [dreg:s7], $0x5FFFF  }
0xac: {  	[dreg:$0x1] =	wrdreg $0xFFFFFFFF  }
0xad: {  	[dreg:$0x0] =	wrdreg $0x60  }
0xae: {  	[dreg:$0x2] =	wrdreg s24  }
0xaf: {  	[dreg:$0x3] =	wrdreg s2  }
0xb0: {  	[dreg:$0x4] =	wrdreg $0xB7800  }
0xb1: {  	[dreg:$0x5] =	wrdreg $0x9  }
0xb2: {  	_ =	task.clear_ibuf [dreg:s7], $0x6FFFF;
	_ =	strace $0x90000046  }
0xb3: {  	s29 =	simm.s32 $0x9;
	_ =	strace $0x80000048  }
0xb4: {  	_ =	swait.ge [sflag:s29], $0x1  }
0xb5: {  	[sflag:s29] =	ssyncadd.s32 $0xFFFFFFFF  }
0xb6: {  	_ =	strace $0x90000048  }
0xb7: {  	_ =	sfence  }
0xb8: {  	s30 =	sld [smem:$0x0];
	_ =	sdelay $0x2  }
0xb9: {  	s31 =	sshll.u32 s1, $0xD;
	s1 =	sshrl.u32 s1, $0x2  }
0xba: {  	s3 =	sand.u32 $0x4000, s31;
	s1 =	sadd.s32 s1, s30  }
0xbb: {  	s0 =	sor.u32 s3, s0;
	s1 =	sshll.u32 s1, $0x11  }
0xbc: {  	s0 =	sor.u32 s1, s0  }
0xbd: {  	s0 =	sadd.s32 $0x8F2B, s0  }
0xbe: {  	[sflag:s0] =	ssyncadd.remote.s32 $0x1  }
0xbf: {  	_ =	sfence.sel $0xFFFF  }
0xc0: {  	[dreg:$0x0] =	wrdreg $0xFFFFFFFF;
	(pc) =	sbr.abs _section_cstart, $3  }
0xc1: {  	[dreg:$0x1] =	wrdreg $0xFFFFFFFF  }
0xc2: {  	_ =	task.clear_ibuf [dreg:s7], $0x2FFFF;
	_ =	strace $0x9FFFFFFF  }
0xc3: {  	(tm) =	ssettm $0x7FFFFFFF  }
tec
execute0_lowered:
.L_overlay_start_1:
0x0: {  	(tag) =	ssettag $0x1  }
0x1: {  	s1 =	rddreg [dreg:$0x0]  }
0x2: {  	s2 =	srdreg.scid;
	s0 =	stileid.u32  }
0x3: {  	s7 =	rddreg [dreg:$0x1];
	s14 =	simm.s32 $0x5D400;
	s18 =	simm.s32 $0x6780  }
0x4: {  	s19 =	simm.s32 $0x3;
	s20 =	simm.s32 $0x1;
	s21 =	simm.s32 $0x2  }
0x5: {  	s22 =	simm.s32 $0x50;
	s23 =	simm.s32 $0x8F80;
	s24 =	simm.s32 $0x6480  }
0x6: {  	s25 =	simm.s32 $0x26C0;
	s26 =	simm.s32 $0x6500;
	s28 =	simm.s32 $0x6580  }
0x7: {  	s29 =	simm.s32 $0x0;
	s11 =	sand.u32 $0x1, s2;
	s3 =	sshll.u32 s0, $0x1  }
0x8: {  	s2 =	rddreg [dreg:$0x2];
	s9 =	smul.u32 $0x50000, s0;
	s4 =	sadd.s32 $0xD400, s1  }
0x9: {  	s16 =	smul.u32 $0x2800, s0;
	s6 =	sor.u32 s11, s3;
	s3 =	simm.s32 $0x0  }
0xa: {  	s8 =	ssub.s32 $0x2, s11;
	p0 =	seq.s32 s11, $0x1;
	s5 =	smul.u32 $0x4E2, s6  }
0xb: {  	[smem:$0x7FF] =	sst s3;
	s10 =	sshrl.u32 s8, $0x1;
	s30 =	sshrl.u32 s9, $0x2  }
0xc: {  	s31 =	sshll.u32 s6, $0xB;
	s14 =	simm.s32 @!p0 $0x35400;
	_ =	strace $0x80000047  }
0xd: {  	s15 =	ssub.s32 s8, s10;
	s6 =	sadd.s32 s30, s2;
	s7 =	sadd.s32 s7, s31  }
0xe: {  	s5 =	sadd.s32 s5, s1;
	s8 =	sadd.s32 $0x2800, s6;
	s9 =	sadd.s32 $0x5000, s6  }
0xf: {  	s10 =	sadd.s32 $0x7800, s6;
	s11 =	sadd.s32 $0xA000, s6;
	s12 =	sadd.s32 $0xC800, s6  }
0x10: {  	s13 =	sadd.s32 $0xF000, s6;
	s1 =	sadd.s32 s14, s1;
	s14 =	sadd.s32 $0x11800, s6  }
0x11: {  	v0 =	vimm.f32 $0.0e+00;
	s15 =	smax.u32 s15, $0x1;
	s5 =	sadd.s32 $0x3600, s5;
	s16 =	sadd.s32 s1, s16  }
.LBB2_1:
0x12: {  	[tilespmem:s3], [sflag:$0x1] =	stream.linear.gather [hbm4b:s5+s3], $0x2710, $0x38;
	[tilespmem:$0x1F780] =	vst v63  }
0x13: {  	s0 =	simm.s32 $0x2780;
	s1 =	simm.s32 $0x0;
	s30 =	simm.s32 $0x200  }
0x14: {  	[tilespmem:s0], [sflag:$0x2] =	stream.linear.gather [hbm4b:s7+s3], $0x3E80, $0x38;
	[tilespmem:$0x1F780] =	vst v63  }
.LBB2_2:
0x15: {  	p0 =	sne.s32 s30, $0x9E00;
	[tilespmem:s1+$0x67F0] =	vst v0  }
0x16: {  	[tilespmem:s1+$0x6780] =	vst v0  }
0x17: {  	[tilespmem:s1+$0x6790] =	vst v0  }
.Ltmp0:
0x18: {  	[tilespmem:s1+$0x67A0] =	vst v0;
	(pc) =	sbr.rel @p0 .LBB2_2-.Ltmp0, $4  }
0x19: {  	[tilespmem:s1+$0x67B0] =	vst v0  }
0x1a: {  	[tilespmem:s1+$0x67C0] =	vst v0  }
0x1b: {  	[tilespmem:s1+$0x67D0] =	vst v0  }
0x1c: {  	[tilespmem:s1+$0x67E0] =	vst v0;
	s1 =	sshra.s32 s30, $0x2;
	s30 =	sadd.s32 $0x200, s30  }
0x1d: {  	[tilespmem:s1+$0x67F0] =	vst v0  }
0x1e: {  	[tilespmem:s1+$0x6780] =	vst v0  }
0x1f: {  	[tilespmem:s1+$0x6790] =	vst v0  }
0x20: {  	[tilespmem:s1+$0x67A0] =	vst v0  }
0x21: {  	[tilespmem:s1+$0x67B0] =	vst v0  }
0x22: {  	[tilespmem:s1+$0x67C0] =	vst v0  }
0x23: {  	[tilespmem:s1+$0x67D0] =	vst v0  }
0x24: {  	[tilespmem:s1+$0x67E0] =	vst v0  }
0x25: {  	[spmem:s6] =	stream.linear.scatter [tilespmem:s18], [sflag:$0x3], $0x2800, $0x38;
	[tilespmem:$0x1F780] =	vst v63  }
0x26: {  	_ =	swait.ge [sflag:s19], $0x2800  }
0x27: {  	[sflag:s19] =	ssyncset.done $0x0  }
0x28: {  	[sflag:s19] =	ssyncadd.s32 $0xFFFFD800  }
0x29: {  	[spmem:s8] =	stream.linear.scatter [tilespmem:s18], [sflag:$0x3], $0x2800, $0x38;
	[tilespmem:$0x1F780] =	vst v63  }
0x2a: {  	_ =	swait.ge [sflag:s19], $0x2800  }
0x2b: {  	[sflag:s19] =	ssyncset.done $0x0  }
0x2c: {  	[sflag:s19] =	ssyncadd.s32 $0xFFFFD800  }
0x2d: {  	[spmem:s9] =	stream.linear.scatter [tilespmem:s18], [sflag:$0x3], $0x2800, $0x38;
	[tilespmem:$0x1F780] =	vst v63  }
0x2e: {  	_ =	swait.ge [sflag:s19], $0x2800  }
0x2f: {  	[sflag:s19] =	ssyncset.done $0x0  }
0x30: {  	[sflag:s19] =	ssyncadd.s32 $0xFFFFD800  }
0x31: {  	[spmem:s10] =	stream.linear.scatter [tilespmem:s18], [sflag:$0x3], $0x2800, $0x38;
	[tilespmem:$0x1F780] =	vst v63  }
0x32: {  	_ =	swait.ge [sflag:s19], $0x2800  }
0x33: {  	[sflag:s19] =	ssyncset.done $0x0  }
0x34: {  	[sflag:s19] =	ssyncadd.s32 $0xFFFFD800  }
0x35: {  	[spmem:s11] =	stream.linear.scatter [tilespmem:s18], [sflag:$0x3], $0x2800, $0x38;
	[tilespmem:$0x1F780] =	vst v63  }
0x36: {  	_ =	swait.ge [sflag:s19], $0x2800  }
0x37: {  	[sflag:s19] =	ssyncset.done $0x0  }
0x38: {  	[sflag:s19] =	ssyncadd.s32 $0xFFFFD800  }
0x39: {  	[spmem:s12] =	stream.linear.scatter [tilespmem:s18], [sflag:$0x3], $0x2800, $0x38;
	[tilespmem:$0x1F780] =	vst v63  }
0x3a: {  	_ =	swait.ge [sflag:s19], $0x2800  }
0x3b: {  	[sflag:s19] =	ssyncset.done $0x0  }
0x3c: {  	[sflag:s19] =	ssyncadd.s32 $0xFFFFD800  }
0x3d: {  	[spmem:s13] =	stream.linear.scatter [tilespmem:s18], [sflag:$0x3], $0x2800, $0x38;
	[tilespmem:$0x1F780] =	vst v63  }
0x3e: {  	_ =	swait.ge [sflag:s19], $0x2800  }
0x3f: {  	[sflag:s19] =	ssyncset.done $0x0  }
0x40: {  	[sflag:s19] =	ssyncadd.s32 $0xFFFFD800  }
0x41: {  	[spmem:s14] =	stream.linear.scatter [tilespmem:s18], [sflag:$0x3], $0x2800, $0x38;
	[tilespmem:$0x1F780] =	vst v63  }
0x42: {  	_ =	swait.ge [sflag:s19], $0x2800  }
0x43: {  	[sflag:s19] =	ssyncset.done $0x0  }
0x44: {  	[sflag:s19] =	ssyncadd.s32 $0xFFFFD800  }
0x45: {  	_ =	swait.ge [sflag:s20], $0x2710  }
0x46: {  	[sflag:s20] =	ssyncset.done $0x0  }
0x47: {  	[sflag:s20] =	ssyncadd.s32 $0xFFFFD8F0  }
0x48: {  	_ =	swait.ge [sflag:s21], $0x3E80  }
0x49: {  	[sflag:s21] =	ssyncset.done $0x0  }
0x4a: {  	s0 =	simm.s32 $0x0;
	[sflag:s21] =	ssyncadd.s32 $0xFFFFC180  }
0x4b: {  	[tilespmem:s18], [sflag:$0x1] =	stream.indirect.gather [hbm4b:s4+s22], $0x80, s0, s22, $0xb8;
	[tilespmem:$0x1F780] =	vst v63  }
0x4c: {  	_ = 	snop  }
0x4d: {  	[tilespmem:s23], [sflag:$0x2] =	stream.indirect.gather [hbm4b:s4+s22], $0x80, s22, s22, $0xb8;
	[tilespmem:$0x1F780] =	vst v63  }
0x4e: {  	[bflag:$0x0] =	sbarrier.arrive $0xFFFF  }
0x4f: {  	_ =	swait.ge [sflag:s20], $0x2800  }
0x50: {  	[sflag:s20] =	ssyncset.done $0x0  }
0x51: {  	s17 =	simm.s32 $0x2780;
	[sflag:s20] =	ssyncadd.s32 $0xFFFFD800  }
0x52: {  	[spmem:s2] =	stream.indirect.scatter.add.f32 [tilespmem:s18], [sflag:$0x3], $0x80, s17, s22, $0xb8;
	[tilespmem:$0x1F780] =	vst v63  }
0x53: {  	_ =	swait.ge [sflag:s19], $0x2800  }
0x54: {  	[sflag:s19] =	ssyncset.done $0x0  }
0x55: {  	s0 =	simm.s32 $0xA0;
	[sflag:s19] =	ssyncadd.s32 $0xFFFFD800  }
0x56: {  	[tilespmem:s18], [sflag:$0x1] =	stream.indirect.gather [hbm4b:s4+s22], $0x80, s0, s22, $0xb8;
	[tilespmem:$0x1F780] =	vst v63  }
0x57: {  	_ =	swait.ge [sflag:s21], $0x2800  }
0x58: {  	[sflag:s21] =	ssyncset.done $0x0  }
0x59: {  	s17 =	simm.s32 $0x2800;
	[sflag:s21] =	ssyncadd.s32 $0xFFFFD800  }
0x5a: {  	[spmem:s2] =	stream.indirect.scatter.add.f32 [tilespmem:s23], [sflag:$0x3], $0x80, s17, s22, $0xb8;
	[tilespmem:$0x1F780] =	vst v63  }
0x5b: {  	_ =	swait.ge [sflag:s19], $0x2800  }
0x5c: {  	s30 =	simm.s32 $0xF0;
	[sflag:s19] =	ssyncset.done $0x0  }
0x5d: {  	s31 =	simm.s32 $0x400;
	s1 =	simm.s32 $0x190;
	[sflag:s19] =	ssyncadd.s32 $0xFFFFD800  }
.LBB2_4:
0x5e: {  	[tilespmem:s23], [sflag:$0x2] =	stream.indirect.gather [hbm4b:s4+s22], $0x80, s30, s22, $0xb8;
	[tilespmem:$0x1F780] =	vst v63  }
0x5f: {  	s0 =	smov.u32 s31;
	s30 =	smov.u32 s1  }
0x60: {  	p0 =	sne.s32 s31, $0xF000;
	s31 =	sadd.s32 $0x400, s31;
	_ =	swait.ge [sflag:s20], $0x2800  }
0x61: {  	s0 =	sshra.s32 s0, $0x2;
	[sflag:s20] =	ssyncset.done $0x0  }
0x62: {  	s17 =	sadd.s32 $0x2780, s0;
	[sflag:s20] =	ssyncadd.s32 $0xFFFFD800  }
0x63: {  	[spmem:s2] =	stream.indirect.scatter.add.f32 [tilespmem:s18], [sflag:$0x3], $0x80, s17, s22, $0xb8;
	[tilespmem:$0x1F780] =	vst v63  }
0x64: {  	_ =	swait.ge [sflag:s19], $0x2800  }
0x65: {  	[sflag:s19] =	ssyncset.done $0x0  }
0x66: {  	s17 =	sadd.s32 $0xFFFFFFB0, s1;
	[sflag:s19] =	ssyncadd.s32 $0xFFFFD800  }
0x67: {  	[tilespmem:s18], [sflag:$0x1] =	stream.indirect.gather [hbm4b:s4+s22], $0x80, s17, s22, $0xb8;
	[tilespmem:$0x1F780] =	vst v63  }
0x68: {  	_ =	swait.ge [sflag:s21], $0x2800  }
0x69: {  	[sflag:s21] =	ssyncset.done $0x0  }
.Ltmp1:
0x6a: {  	s0 =	sadd.s32 $0x2800, s0;
	[sflag:s21] =	ssyncadd.s32 $0xFFFFD800;
	(pc) =	sbr.rel @p0 .LBB2_4-.Ltmp1, $4  }
0x6b: {  	[spmem:s2] =	stream.indirect.scatter.add.f32 [tilespmem:s23], [sflag:$0x3], $0x80, s0, s22, $0xb8;
	[tilespmem:$0x1F780] =	vst v63  }
0x6c: {  	_ =	swait.ge [sflag:s19], $0x2800  }
0x6d: {  	[sflag:s19] =	ssyncset.done $0x0  }
0x6e: {  	s1 =	sadd.s32 $0xA0, s1;
	[sflag:s19] =	ssyncadd.s32 $0xFFFFD800  }
0x6f: {  	[tilespmem:s23], [sflag:$0x2] =	stream.indirect.gather [hbm4b:s4+s22], $0x80, s30, s22, $0xb8;
	[tilespmem:$0x1F780] =	vst v63  }
0x70: {  	_ =	swait.ge [sflag:s20], $0x2800  }
0x71: {  	[sflag:s20] =	ssyncset.done $0x0  }
0x72: {  	[sflag:s20] =	ssyncadd.s32 $0xFFFFD800  }
0x73: {  	[spmem:s2] =	stream.indirect.scatter.add.f32 [tilespmem:s18], [sflag:$0x3], $0x80, s24, s22, $0xb8;
	[tilespmem:$0x1F780] =	vst v63  }
0x74: {  	_ =	swait.ge [sflag:s19], $0x2800  }
0x75: {  	[sflag:s19] =	ssyncset.done $0x0  }
0x76: {  	[sflag:s19] =	ssyncadd.s32 $0xFFFFD800  }
0x77: {  	[tilespmem:s18], [sflag:$0x1] =	stream.indirect.gather [hbm4b:s4+s22], $0x80, s25, s22, $0xb8;
	[tilespmem:$0x1F780] =	vst v63  }
0x78: {  	_ =	swait.ge [sflag:s21], $0x2800  }
0x79: {  	[sflag:s21] =	ssyncset.done $0x0  }
0x7a: {  	[sflag:s21] =	ssyncadd.s32 $0xFFFFD800  }
0x7b: {  	[spmem:s2] =	stream.indirect.scatter.add.f32 [tilespmem:s23], [sflag:$0x3], $0x80, s26, s22, $0xb8;
	[tilespmem:$0x1F780] =	vst v63  }
0x7c: {  	_ =	swait.ge [sflag:s19], $0x2800  }
0x7d: {  	[sflag:s19] =	ssyncset.done $0x0  }
0x7e: {  	[sflag:s19] =	ssyncadd.s32 $0xFFFFD800  }
0x7f: {  	_ =	swait.ge [sflag:s20], $0x2800  }
0x80: {  	[sflag:s20] =	ssyncset.done $0x0  }
0x81: {  	[sflag:s20] =	ssyncadd.s32 $0xFFFFD800  }
0x82: {  	[spmem:s2] =	stream.indirect.scatter.add.f32 [tilespmem:s18], [sflag:$0x3], $0x80, s28, s22, $0xb8;
	[tilespmem:$0x1F780] =	vst v63  }
0x83: {  	s0 =	stileid.u32;
	_ =	swait.ge [sflag:s19], $0x2800  }
0x84: {  	s1 =	sshrl.u32 s6, $0x3;
	s29 =	sadd.s32 $0x1, s29;
	[sflag:s19] =	ssyncset.done $0x0  }
0x85: {  	s0 =	sshll.u32 s0, $0x6;
	p0 =	sne.s32 s29, s15;
	[sflag:s19] =	ssyncadd.s32 $0xFFFFD800  }
.Ltmp2:
0x86: {  	s0 =	sor.u32 $0x1C03, s0;
	[bflag:$0x0] =	sbarrier.arrive $0xFFFF;
	(pc) =	sbr.rel @p0 .LBB2_1-.Ltmp2, $4  }
0x87: {  	[hbm:s16], [sflag:s0] =	dma.local [spmem:s1], $0x2800  }
0x88: {  	_ =	swait.ge [sflag:s19], $0x2800  }
0x89: {  	[sflag:s19] =	ssyncset.done $0x0  }
0x8a: {  	[sflag:s19] =	ssyncadd.s32 $0xFFFFD800  }
0x8b: {  	_ =	sfence.sel $0x180000  }
0x8c: {  	[bflag:$0x0] =	sbarrier.arrive $0xFFFF  }
0x8d: {  	_ =	strace $0x90000047  }
0x8e: {  	s0 =	stileid.u32;
	[bflag:$0x2] =	sbarrier.arrive $0xFFFF  }
0x8f: {  	p0 =	sne.s32 s0, $0x0;
	s0 =	rddreg [dreg:$0x3]  }
0x90: {  	s0 =	sadd.s32 @!p0 $0x100000, s0  }
0x91: {  	[sflag:s0] =	ssyncadd.tile.s32 @!p0 $0x1;
	_ =	shalt  }
.Lfunc_end2:
_tile_overlayer_lowered:
.L_overlay_start_2:
0x92: {  	(tag) =	ssettag $0x2  }
0x93: {  	s0 =	rddreg [dreg:$0x0];
	s2 =	stileid.u32  }
0x94: {  	s1 =	rddreg [dreg:$0x1];
	p0 =	sne.s32 s2, $0x0  }
0x95: {  	s3 =	rddreg [dreg:$0x2];
	[bflag:$0x3] =	sbarrier.arrive $0xFFFF;
	s2 =	simm.s32 @!p0 $0x1C03  }
0x96: {  	[timem:s3], [sflag:s2] =	dma.local @!p0 [hbm:s0], s1  }
0x97: {  	s0 =	simm.s32 @!p0 $0x3  }
0x98: {  	_ =	swait.ge @!p0 [sflag:s0], s1  }
0x99: {  	s1 =	ssub.s32 @!p0 $0x0, s1;
	[sflag:s0] =	ssyncset.done @!p0 $0x0  }
0x9a: {  	[sflag:s0] =	ssyncadd.s32 @!p0 s1  }
0x9b: {  	[bflag:$0x3] =	sbarrier.arrive $0xFFFF  }
0x9c: {  	_ =	shalt  }

</sc_bundles>
